<compile_context>
chip_gen: v7x
topology: tpu7x:2x2x1
jax: 0.10.2.dev20260603
libtpu: 0.0.44.dev20260713+nightly
codegen_flags: <defaults>
</compile_context>

<pallas_src>
import functools

import jax
import jax.numpy as jnp
from jax import lax
from jax.experimental import pallas as pl
from jax.experimental.pallas import tpu as pltpu
from jax.experimental.pallas import tpu_sc as plsc

VOCAB = 1000000
EMBED = 64
HIDDEN = 256
OUT = 1
BATCH = 16384
HIST = 200

NC = 2
NS = 16
NW = NC * NS
ROWS_PER_W = BATCH // NW
C = 4
NCH = ROWS_PER_W // C
G0 = 128
G1 = HIST - G0
UNROLL = 4


def _sc_pool(idx_flat, table):
    mesh = plsc.VectorSubcoreMesh(core_axis_name="c", subcore_axis_name="s")

    @functools.partial(
        pl.kernel,
        mesh=mesh,
        out_type=jax.ShapeDtypeStruct((BATCH, EMBED), jnp.float32),
        scratch_types=[
            pltpu.VMEM((2, C * HIST), jnp.int32),
            pltpu.VMEM((2, C * HIST, EMBED), jnp.float32),
            pltpu.VMEM((2, C, EMBED), jnp.float32),
            pltpu.SemaphoreType.DMA,
            pltpu.SemaphoreType.DMA,
            pltpu.SemaphoreType.DMA,
            pltpu.SemaphoreType.DMA,
            pltpu.SemaphoreType.DMA,
            pltpu.SemaphoreType.DMA,
        ],
        compiler_params=pltpu.CompilerParams(use_tc_tiling_on_sc=False),
    )
    def pool(idx_hbm, table_hbm, out_hbm, idx_v, rows_v, out_v,
             isem0, isem1, gsem0, gsem1, osem0, osem1):
        wid = lax.axis_index("s") * NC + lax.axis_index("c")
        base = wid * ROWS_PER_W
        isem = (isem0, isem1)
        gsem = (gsem0, gsem1)
        osem = (osem0, osem1)

        def issue_idx(gc, b):
            pltpu.async_copy(
                idx_hbm.at[pl.ds((base + gc * C) * HIST, C * HIST)],
                idx_v.at[b], isem[b])

        def wait_idx(b):
            pltpu.make_async_copy(
                idx_hbm.at[pl.ds(base * HIST, C * HIST)],
                idx_v.at[b], isem[b]).wait()

        def issue_gathers(b):
            for r in range(C):
                pltpu.async_copy(
                    table_hbm.at[idx_v.at[b].at[pl.ds(r * HIST, G0)]],
                    rows_v.at[b].at[pl.ds(r * HIST, G0)], gsem[b])
                pltpu.async_copy(
                    table_hbm.at[idx_v.at[b].at[pl.ds(r * HIST + G0, G1)]],
                    rows_v.at[b].at[pl.ds(r * HIST + G0, G1)], gsem[b])

        def wait_gathers(b):
            pltpu.make_async_copy(
                table_hbm.at[pl.ds(0, C * HIST)], rows_v.at[b],
                gsem[b]).wait()

        def issue_out(gc, b):
            pltpu.async_copy(
                out_v.at[b], out_hbm.at[pl.ds(base + gc * C, C)], osem[b])

        def wait_out(b):
            pltpu.make_async_copy(
                out_v.at[b], out_hbm.at[pl.ds(base, C)], osem[b]).wait()

        for b in (0, 1):
            issue_idx(b, b)
        for b in (0, 1):
            wait_idx(b)
            issue_gathers(b)

        def loop_body(ci2, _):
            for b in (0, 1):
                gc = ci2 * 2 + b
                wait_gathers(b)

                @pl.when(gc + 2 < NCH)
                def _():
                    issue_idx(gc + 2, b)

                for r in range(C):
                    def acc_body(j, carry):
                        a = list(carry)
                        row0 = r * HIST + j * UNROLL
                        for u in range(UNROLL):
                            for c in range(4):
                                k = (u % 2) * 4 + c
                                a[k] = a[k] + rows_v[b, row0 + u,
                                                     pl.ds(c * 16, 16)]
                        return tuple(a)

                    z = jnp.zeros((16,), jnp.float32)
                    accs = lax.fori_loop(0, HIST // UNROLL, acc_body, (z,) * 8)

                    @pl.when(gc >= 2)
                    def _():
                        if r == 0:
                            wait_out(b)

                    for c in range(4):
                        out_v[b, r, pl.ds(c * 16, 16)] = accs[c] + accs[4 + c]

                issue_out(gc, b)

                @pl.when(gc + 2 < NCH)
                def _():
                    wait_idx(b)
                    issue_gathers(b)
            return 0

        lax.fori_loop(0, NCH // 2, loop_body, 0)
        for b in (0, 1):
            wait_out(b)

    return pool(idx_flat, table)


def _tc_mlp(x, w1, b1, w2, b2):
    TB = 2048

    def body(x_ref, w1_ref, b1_ref, w2_ref, b2_ref, o_ref):
        h = jnp.dot(x_ref[...], w1_ref[...],
                    preferred_element_type=jnp.float32) + b1_ref[...]
        h = h * (1.0 / (1.0 + jnp.exp(-h)))
        o = jnp.dot(h, w2_ref[...], preferred_element_type=jnp.float32) + b2_ref[...]
        o_ref[...] = 1.0 / (1.0 + jnp.exp(-o))

    return pl.pallas_call(
        body,
        grid=(BATCH // TB,),
        in_specs=[
            pl.BlockSpec((TB, EMBED), lambda i: (i, 0)),
            pl.BlockSpec((EMBED, HIDDEN), lambda i: (0, 0)),
            pl.BlockSpec((1, HIDDEN), lambda i: (0, 0)),
            pl.BlockSpec((HIDDEN, OUT), lambda i: (0, 0)),
            pl.BlockSpec((1, OUT), lambda i: (0, 0)),
        ],
        out_specs=pl.BlockSpec((TB, OUT), lambda i: (i, 0)),
        out_shape=jax.ShapeDtypeStruct((BATCH, OUT), jnp.float32),
    )(x, w1, b1, w2, b2)


def kernel(indices, table, W1, b1, W2, b2):
    idx_flat = jnp.reshape(indices, (-1,))
    sums = _sc_pool(idx_flat, table)
    w1s = W1 * (1.0 / HIST)
    return _tc_mlp(sums, w1s, jnp.reshape(b1, (1, HIDDEN)),
                   W2, jnp.reshape(b2, (1, OUT)))

# --- scband reference (transcript-rebuilt; emitter-appended) ---
"""Pipeline reference for scband-custom-model-60163901882937 (READ-ONLY COPY).

The authoritative reference and input builder live on the scoring server;
editing this copy changes nothing except your own understanding.
"""

import jax, jax.numpy as jnp
import numpy as np

VOCAB = 1000000
EMBED = 64
HIDDEN = 256
OUT = 1
BATCH = 16384
HIST = 200


def setup_inputs(seed: int = 0) -> dict:
    key = jax.random.key(seed)
    k1, k2, k3, k4 = jax.random.split(key, 4)
    indices = jax.random.randint(k1, (BATCH, HIST), 0, VOCAB, dtype=jnp.int64 if jax.config.jax_enable_x64 else jnp.int32).astype(jnp.int32)
    table = jax.random.normal(k2, (VOCAB, EMBED), dtype=jnp.float32) * 0.02
    W1 = jax.random.normal(k3, (EMBED, HIDDEN), dtype=jnp.float32) * (1.0 / np.sqrt(EMBED))
    b1 = jnp.zeros((HIDDEN,), dtype=jnp.float32)
    W2 = jax.random.normal(k4, (HIDDEN, OUT), dtype=jnp.float32) * (1.0 / np.sqrt(HIDDEN))
    b2 = jnp.zeros((OUT,), dtype=jnp.float32)
    return {"indices": indices, "table": table, "W1": W1, "b1": b1, "W2": W2, "b2": b2}


def reference(indices, table, W1, b1, W2, b2):
    # Embedding lookup: [B, L] -> [B, L, D]
    emb = jnp.take(table, indices, axis=0)
    # Mean pool over sequence axis (axis=1)
    x = jnp.mean(emb, axis=1)
    # Dense with swish activation
    h = x @ W1 + b1
    h = h * jax.nn.sigmoid(h)
    # Output dense with sigmoid
    o = h @ W2 + b2
    return jax.nn.sigmoid(o)

if __name__ == "__main__":
    import jax
    _d = setup_inputs()
    print(jax.jit(kernel)(*tuple(_d.values())))

</pallas_src>

<mosaic_0001>
#map = affine_map<(d0, d1) -> (0)>
#map1 = affine_map<(d0, d1) -> (0, 0)>
module attributes {stable_mosaic.version = 14 : i64} {
  func.func @pool(%arg0: i32, %arg1: i32, %arg2: memref<3276800xi32, #tpu.memory_space<hbm>>, %arg3: memref<1000000x64xf32, #tpu.memory_space<hbm>>, %arg4: memref<16384x64xf32, #tpu.memory_space<hbm>>, %arg5: memref<2x800xi32, #tpu.memory_space<vmem>>, %arg6: memref<2x800x64xf32, #tpu.memory_space<vmem>>, %arg7: memref<2x4x64xf32, #tpu.memory_space<vmem>>, %arg8: memref<!tpu.dma_semaphore, #tpu.memory_space<semaphore_mem>>, %arg9: memref<!tpu.dma_semaphore, #tpu.memory_space<semaphore_mem>>, %arg10: memref<!tpu.dma_semaphore, #tpu.memory_space<semaphore_mem>>, %arg11: memref<!tpu.dma_semaphore, #tpu.memory_space<semaphore_mem>>, %arg12: memref<!tpu.dma_semaphore, #tpu.memory_space<semaphore_mem>>, %arg13: memref<!tpu.dma_semaphore, #tpu.memory_space<semaphore_mem>>) attributes {dimension_semantics = [#tpu.dimension_semantics<core_parallel>, #tpu.dimension_semantics<subcore_parallel>], iteration_bounds = array<i64: 2, 16>, scalar_prefetch = 0 : i64, scratch_operands = 9 : i64, tpu.core_type = #tpu.core_type<sc_vector_subcore>, window_params = [{transform_indices = #map}, {transform_indices = #map1}, {transform_indices = #map1}]} {
    %mul3A = arith.constant 2 : i32
    %mul3A_0 = arith.muli %arg1, %mul3A : i32
    %add3A = arith.addi %mul3A_0, %arg0 : i32
    %mul3A_1 = arith.constant 512 : i32
    %mul3A_2 = arith.muli %add3A, %mul3A_1 : i32
    %add3A_3 = arith.constant 0 : i32
    %add3A_4 = arith.addi %mul3A_2, %add3A_3 : i32
    %mul3A_5 = arith.constant 200 : i32
    %mul3A_6 = arith.muli %add3A_4, %mul3A_5 : i32
    %dma_start3A = arith.constant 0 : i32
    %dma_start3A_7 = arith.constant 0 : i32
    %dma_start3A_8 = tpu.memref_slice %arg5[%dma_start3A, %dma_start3A_7] : memref<2x800xi32, #tpu.memory_space<vmem>> -> memref<1x800xi32, #tpu.memory_space<vmem>>
    %dma_start3A_9 = tpu.memref_squeeze %dma_start3A_8 : memref<1x800xi32, #tpu.memory_space<vmem>> -> memref<800xi32, #tpu.memory_space<vmem>>
    %dma_start3A_10 = tpu.memref_slice %arg2[%mul3A_6] : memref<3276800xi32, #tpu.memory_space<hbm>> -> memref<800xi32, #tpu.memory_space<hbm>>
    %dma_start3A_11 = arith.constant 0 : i32
    %dma_start3A_12 = tpu.memref_slice %arg5[%dma_start3A, %dma_start3A_11] : memref<2x800xi32, #tpu.memory_space<vmem>> -> memref<1x800xi32, #tpu.memory_space<vmem>>
    %dma_start3A_13 = tpu.memref_squeeze %dma_start3A_12 : memref<1x800xi32, #tpu.memory_space<vmem>> -> memref<800xi32, #tpu.memory_space<vmem>>
    %dma_start3A_14 = tpu.memref_slice %arg2[%mul3A_6] : memref<3276800xi32, #tpu.memory_space<hbm>> -> memref<800xi32, #tpu.memory_space<hbm>>
    tpu.enqueue_dma source(%dma_start3A_14 : memref<800xi32, #tpu.memory_space<hbm>>) target(%dma_start3A_13 : memref<800xi32, #tpu.memory_space<vmem>>) target_semaphore(%arg8 : memref<!tpu.dma_semaphore, #tpu.memory_space<semaphore_mem>>)
    %add3A_15 = arith.constant 4 : i32
    %add3A_16 = arith.addi %mul3A_2, %add3A_15 : i32
    %mul3A_17 = arith.constant 200 : i32
    %mul3A_18 = arith.muli %add3A_16, %mul3A_17 : i32
    %dma_start3A_19 = arith.constant 1 : i32
    %dma_start3A_20 = arith.constant 0 : i32
    %dma_start3A_21 = tpu.memref_slice %arg5[%dma_start3A_19, %dma_start3A_20] : memref<2x800xi32, #tpu.memory_space<vmem>> -> memref<1x800xi32, #tpu.memory_space<vmem>>
    %dma_start3A_22 = tpu.memref_squeeze %dma_start3A_21 : memref<1x800xi32, #tpu.memory_space<vmem>> -> memref<800xi32, #tpu.memory_space<vmem>>
    %dma_start3A_23 = tpu.memref_slice %arg2[%mul3A_18] : memref<3276800xi32, #tpu.memory_space<hbm>> -> memref<800xi32, #tpu.memory_space<hbm>>
    %dma_start3A_24 = arith.constant 0 : i32
    %dma_start3A_25 = tpu.memref_slice %arg5[%dma_start3A_19, %dma_start3A_24] : memref<2x800xi32, #tpu.memory_space<vmem>> -> memref<1x800xi32, #tpu.memory_space<vmem>>
    %dma_start3A_26 = tpu.memref_squeeze %dma_start3A_25 : memref<1x800xi32, #tpu.memory_space<vmem>> -> memref<800xi32, #tpu.memory_space<vmem>>
    %dma_start3A_27 = tpu.memref_slice %arg2[%mul3A_18] : memref<3276800xi32, #tpu.memory_space<hbm>> -> memref<800xi32, #tpu.memory_space<hbm>>
    tpu.enqueue_dma source(%dma_start3A_27 : memref<800xi32, #tpu.memory_space<hbm>>) target(%dma_start3A_26 : memref<800xi32, #tpu.memory_space<vmem>>) target_semaphore(%arg9 : memref<!tpu.dma_semaphore, #tpu.memory_space<semaphore_mem>>)
    %mul3A_28 = arith.constant 200 : i32
    %mul3A_29 = arith.muli %mul3A_2, %mul3A_28 : i32
    %dma_wait3A = arith.constant 0 : i32
    %dma_wait3A_30 = arith.constant 0 : i32
    %dma_wait3A_31 = tpu.memref_slice %arg5[%dma_wait3A, %dma_wait3A_30] : memref<2x800xi32, #tpu.memory_space<vmem>> -> memref<1x800xi32, #tpu.memory_space<vmem>>
    %dma_wait3A_32 = tpu.memref_squeeze %dma_wait3A_31 : memref<1x800xi32, #tpu.memory_space<vmem>> -> memref<800xi32, #tpu.memory_space<vmem>>
    %dma_wait3A_33 = tpu.memref_slice %arg2[%mul3A_29] : memref<3276800xi32, #tpu.memory_space<hbm>> -> memref<800xi32, #tpu.memory_space<hbm>>
    %dma_wait3A_34 = arith.constant 0 : i32
    %dma_wait3A_35 = tpu.memref_slice %arg5[%dma_wait3A, %dma_wait3A_34] : memref<2x800xi32, #tpu.memory_space<vmem>> -> memref<1x800xi32, #tpu.memory_space<vmem>>
    %dma_wait3A_36 = tpu.memref_squeeze %dma_wait3A_35 : memref<1x800xi32, #tpu.memory_space<vmem>> -> memref<800xi32, #tpu.memory_space<vmem>>
    %dma_wait3A_37 = tpu.memref_slice %arg2[%mul3A_29] : memref<3276800xi32, #tpu.memory_space<hbm>> -> memref<800xi32, #tpu.memory_space<hbm>>
    tpu.wait_dma2 semaphore(%arg8 : memref<!tpu.dma_semaphore, #tpu.memory_space<semaphore_mem>>) src(%dma_wait3A_37 : memref<800xi32, #tpu.memory_space<hbm>>) dst(%dma_wait3A_36 : memref<800xi32, #tpu.memory_space<vmem>>)
    %dma_start3A_38 = arith.constant 0 : i32
    %dma_start3A_39 = arith.constant 0 : i32
    %dma_start3A_40 = arith.constant 0 : i32
    %dma_start3A_41 = arith.constant 0 : i32
    %dma_start3A_42 = tpu.memref_slice %arg6[%dma_start3A_39, %dma_start3A_40, %dma_start3A_41] : memref<2x800x64xf32, #tpu.memory_space<vmem>> -> memref<1x800x64xf32, #tpu.memory_space<vmem>>
    %dma_start3A_43 = tpu.memref_squeeze %dma_start3A_42 : memref<1x800x64xf32, #tpu.memory_space<vmem>> -> memref<800x64xf32, #tpu.memory_space<vmem>>
    %dma_start3A_44 = arith.constant 0 : i32
    %dma_start3A_45 = arith.constant 0 : i32
    %dma_start3A_46 = tpu.memref_slice %dma_start3A_43[%dma_start3A_44, %dma_start3A_45] : memref<800x64xf32, #tpu.memory_space<vmem>> -> memref<128x64xf32, #tpu.memory_space<vmem>>
    %dma_start3A_47 = arith.constant 0 : i32
    %dma_start3A_48 = tpu.memref_slice %arg5[%dma_start3A_38, %dma_start3A_47] : memref<2x800xi32, #tpu.memory_space<vmem>> -> memref<1x800xi32, #tpu.memory_space<vmem>>
    %dma_start3A_49 = tpu.memref_squeeze %dma_start3A_48 : memref<1x800xi32, #tpu.memory_space<vmem>> -> memref<800xi32, #tpu.memory_space<vmem>>
    %dma_start3A_50 = arith.constant 0 : i32
    %dma_start3A_51 = tpu.memref_slice %dma_start3A_49[%dma_start3A_50] : memref<800xi32, #tpu.memory_space<vmem>> -> memref<128xi32, #tpu.memory_space<vmem>>
    %dma_start3A_52 = arith.constant 0 : i32
    %dma_start3A_53 = arith.constant 0 : i32
    %dma_start3A_54 = tpu.memref_slice %arg3[%dma_start3A_52, %dma_start3A_53] : memref<1000000x64xf32, #tpu.memory_space<hbm>> -> memref<1000000x64xf32, #tpu.memory_space<hbm>>
    tpu.enqueue_indirect_dma source(%dma_start3A_54 : memref<1000000x64xf32, #tpu.memory_space<hbm>>) target(%dma_start3A_46 : memref<128x64xf32, #tpu.memory_space<vmem>>) offsets(%dma_start3A_51 : memref<128xi32, #tpu.memory_space<vmem>>) semaphore(%arg10 : memref<!tpu.dma_semaphore, #tpu.memory_space<semaphore_mem>>)
    %dma_start3A_55 = arith.constant 0 : i32
    %dma_start3A_56 = arith.constant 0 : i32
    %dma_start3A_57 = arith.constant 0 : i32
    %dma_start3A_58 = arith.constant 0 : i32
    %dma_start3A_59 = tpu.memref_slice %arg6[%dma_start3A_56, %dma_start3A_57, %dma_start3A_58] : memref<2x800x64xf32, #tpu.memory_space<vmem>> -> memref<1x800x64xf32, #tpu.memory_space<vmem>>
    %dma_start3A_60 = tpu.memref_squeeze %dma_start3A_59 : memref<1x800x64xf32, #tpu.memory_space<vmem>> -> memref<800x64xf32, #tpu.memory_space<vmem>>
    %dma_start3A_61 = arith.constant 128 : i32
    %dma_start3A_62 = arith.constant 0 : i32
    %dma_start3A_63 = tpu.memref_slice %dma_start3A_60[%dma_start3A_61, %dma_start3A_62] : memref<800x64xf32, #tpu.memory_space<vmem>> -> memref<72x64xf32, #tpu.memory_space<vmem>>
    %dma_start3A_64 = arith.constant 0 : i32
    %dma_start3A_65 = tpu.memref_slice %arg5[%dma_start3A_55, %dma_start3A_64] : memref<2x800xi32, #tpu.memory_space<vmem>> -> memref<1x800xi32, #tpu.memory_space<vmem>>
    %dma_start3A_66 = tpu.memref_squeeze %dma_start3A_65 : memref<1x800xi32, #tpu.memory_space<vmem>> -> memref<800xi32, #tpu.memory_space<vmem>>
    %dma_start3A_67 = arith.constant 128 : i32
    %dma_start3A_68 = tpu.memref_slice %dma_start3A_66[%dma_start3A_67] : memref<800xi32, #tpu.memory_space<vmem>> -> memref<72xi32, #tpu.memory_space<vmem>>
    %dma_start3A_69 = arith.constant 0 : i32
    %dma_start3A_70 = arith.constant 0 : i32
    %dma_start3A_71 = tpu.memref_slice %arg3[%dma_start3A_69, %dma_start3A_70] : memref<1000000x64xf32, #tpu.memory_space<hbm>> -> memref<1000000x64xf32, #tpu.memory_space<hbm>>
    tpu.enqueue_indirect_dma source(%dma_start3A_71 : memref<1000000x64xf32, #tpu.memory_space<hbm>>) target(%dma_start3A_63 : memref<72x64xf32, #tpu.memory_space<vmem>>) offsets(%dma_start3A_68 : memref<72xi32, #tpu.memory_space<vmem>>) semaphore(%arg10 : memref<!tpu.dma_semaphore, #tpu.memory_space<semaphore_mem>>)
    %dma_start3A_72 = arith.constant 0 : i32
    %dma_start3A_73 = arith.constant 0 : i32
    %dma_start3A_74 = arith.constant 0 : i32
    %dma_start3A_75 = arith.constant 0 : i32
    %dma_start3A_76 = tpu.memref_slice %arg6[%dma_start3A_73, %dma_start3A_74, %dma_start3A_75] : memref<2x800x64xf32, #tpu.memory_space<vmem>> -> memref<1x800x64xf32, #tpu.memory_space<vmem>>
    %dma_start3A_77 = tpu.memref_squeeze %dma_start3A_76 : memref<1x800x64xf32, #tpu.memory_space<vmem>> -> memref<800x64xf32, #tpu.memory_space<vmem>>
    %dma_start3A_78 = arith.constant 200 : i32
    %dma_start3A_79 = arith.constant 0 : i32
    %dma_start3A_80 = tpu.memref_slice %dma_start3A_77[%dma_start3A_78, %dma_start3A_79] : memref<800x64xf32, #tpu.memory_space<vmem>> -> memref<128x64xf32, #tpu.memory_space<vmem>>
    %dma_start3A_81 = arith.constant 0 : i32
    %dma_start3A_82 = tpu.memref_slice %arg5[%dma_start3A_72, %dma_start3A_81] : memref<2x800xi32, #tpu.memory_space<vmem>> -> memref<1x800xi32, #tpu.memory_space<vmem>>
    %dma_start3A_83 = tpu.memref_squeeze %dma_start3A_82 : memref<1x800xi32, #tpu.memory_space<vmem>> -> memref<800xi32, #tpu.memory_space<vmem>>
    %dma_start3A_84 = arith.constant 200 : i32
    %dma_start3A_85 = tpu.memref_slice %dma_start3A_83[%dma_start3A_84] : memref<800xi32, #tpu.memory_space<vmem>> -> memref<128xi32, #tpu.memory_space<vmem>>
    %dma_start3A_86 = arith.constant 0 : i32
    %dma_start3A_87 = arith.constant 0 : i32
    %dma_start3A_88 = tpu.memref_slice %arg3[%dma_start3A_86, %dma_start3A_87] : memref<1000000x64xf32, #tpu.memory_space<hbm>> -> memref<1000000x64xf32, #tpu.memory_space<hbm>>
    tpu.enqueue_indirect_dma source(%dma_start3A_88 : memref<1000000x64xf32, #tpu.memory_space<hbm>>) target(%dma_start3A_80 : memref<128x64xf32, #tpu.memory_space<vmem>>) offsets(%dma_start3A_85 : memref<128xi32, #tpu.memory_space<vmem>>) semaphore(%arg10 : memref<!tpu.dma_semaphore, #tpu.memory_space<semaphore_mem>>)
    %dma_start3A_89 = arith.constant 0 : i32
    %dma_start3A_90 = arith.constant 0 : i32
    %dma_start3A_91 = arith.constant 0 : i32
    %dma_start3A_92 = arith.constant 0 : i32
    %dma_start3A_93 = tpu.memref_slice %arg6[%dma_start3A_90, %dma_start3A_91, %dma_start3A_92] : memref<2x800x64xf32, #tpu.memory_space<vmem>> -> memref<1x800x64xf32, #tpu.memory_space<vmem>>
    %dma_start3A_94 = tpu.memref_squeeze %dma_start3A_93 : memref<1x800x64xf32, #tpu.memory_space<vmem>> -> memref<800x64xf32, #tpu.memory_space<vmem>>
    %dma_start3A_95 = arith.constant 328 : i32
    %dma_start3A_96 = arith.constant 0 : i32
    %dma_start3A_97 = tpu.memref_slice %dma_start3A_94[%dma_start3A_95, %dma_start3A_96] : memref<800x64xf32, #tpu.memory_space<vmem>> -> memref<72x64xf32, #tpu.memory_space<vmem>>
    %dma_start3A_98 = arith.constant 0 : i32
    %dma_start3A_99 = tpu.memref_slice %arg5[%dma_start3A_89, %dma_start3A_98] : memref<2x800xi32, #tpu.memory_space<vmem>> -> memref<1x800xi32, #tpu.memory_space<vmem>>
    %dma_start3A_100 = tpu.memref_squeeze %dma_start3A_99 : memref<1x800xi32, #tpu.memory_space<vmem>> -> memref<800xi32, #tpu.memory_space<vmem>>
    %dma_start3A_101 = arith.constant 328 : i32
    %dma_start3A_102 = tpu.memref_slice %dma_start3A_100[%dma_start3A_101] : memref<800xi32, #tpu.memory_space<vmem>> -> memref<72xi32, #tpu.memory_space<vmem>>
    %dma_start3A_103 = arith.constant 0 : i32
    %dma_start3A_104 = arith.constant 0 : i32
    %dma_start3A_105 = tpu.memref_slice %arg3[%dma_start3A_103, %dma_start3A_104] : memref<1000000x64xf32, #tpu.memory_space<hbm>> -> memref<1000000x64xf32, #tpu.memory_space<hbm>>
    tpu.enqueue_indirect_dma source(%dma_start3A_105 : memref<1000000x64xf32, #tpu.memory_space<hbm>>) target(%dma_start3A_97 : memref<72x64xf32, #tpu.memory_space<vmem>>) offsets(%dma_start3A_102 : memref<72xi32, #tpu.memory_space<vmem>>) semaphore(%arg10 : memref<!tpu.dma_semaphore, #tpu.memory_space<semaphore_mem>>)
    %dma_start3A_106 = arith.constant 0 : i32
    %dma_start3A_107 = arith.constant 0 : i32
    %dma_start3A_108 = arith.constant 0 : i32
    %dma_start3A_109 = arith.constant 0 : i32
    %dma_start3A_110 = tpu.memref_slice %arg6[%dma_start3A_107, %dma_start3A_108, %dma_start3A_109] : memref<2x800x64xf32, #tpu.memory_space<vmem>> -> memref<1x800x64xf32, #tpu.memory_space<vmem>>
    %dma_start3A_111 = tpu.memref_squeeze %dma_start3A_110 : memref<1x800x64xf32, #tpu.memory_space<vmem>> -> memref<800x64xf32, #tpu.memory_space<vmem>>
    %dma_start3A_112 = arith.constant 400 : i32
    %dma_start3A_113 = arith.constant 0 : i32
    %dma_start3A_114 = tpu.memref_slice %dma_start3A_111[%dma_start3A_112, %dma_start3A_113] : memref<800x64xf32, #tpu.memory_space<vmem>> -> memref<128x64xf32, #tpu.memory_space<vmem>>
    %dma_start3A_115 = arith.constant 0 : i32
    %dma_start3A_116 = tpu.memref_slice %arg5[%dma_start3A_106, %dma_start3A_115] : memref<2x800xi32, #tpu.memory_space<vmem>> -> memref<1x800xi32, #tpu.memory_space<vmem>>
    %dma_start3A_117 = tpu.memref_squeeze %dma_start3A_116 : memref<1x800xi32, #tpu.memory_space<vmem>> -> memref<800xi32, #tpu.memory_space<vmem>>
    %dma_start3A_118 = arith.constant 400 : i32
    %dma_start3A_119 = tpu.memref_slice %dma_start3A_117[%dma_start3A_118] : memref<800xi32, #tpu.memory_space<vmem>> -> memref<128xi32, #tpu.memory_space<vmem>>
    %dma_start3A_120 = arith.constant 0 : i32
    %dma_start3A_121 = arith.constant 0 : i32
    %dma_start3A_122 = tpu.memref_slice %arg3[%dma_start3A_120, %dma_start3A_121] : memref<1000000x64xf32, #tpu.memory_space<hbm>> -> memref<1000000x64xf32, #tpu.memory_space<hbm>>
    tpu.enqueue_indirect_dma source(%dma_start3A_122 : memref<1000000x64xf32, #tpu.memory_space<hbm>>) target(%dma_start3A_114 : memref<128x64xf32, #tpu.memory_space<vmem>>) offsets(%dma_start3A_119 : memref<128xi32, #tpu.memory_space<vmem>>) semaphore(%arg10 : memref<!tpu.dma_semaphore, #tpu.memory_space<semaphore_mem>>)
    %dma_start3A_123 = arith.constant 0 : i32
    %dma_start3A_124 = arith.constant 0 : i32
    %dma_start3A_125 = arith.constant 0 : i32
    %dma_start3A_126 = arith.constant 0 : i32
    %dma_start3A_127 = tpu.memref_slice %arg6[%dma_start3A_124, %dma_start3A_125, %dma_start3A_126] : memref<2x800x64xf32, #tpu.memory_space<vmem>> -> memref<1x800x64xf32, #tpu.memory_space<vmem>>
    %dma_start3A_128 = tpu.memref_squeeze %dma_start3A_127 : memref<1x800x64xf32, #tpu.memory_space<vmem>> -> memref<800x64xf32, #tpu.memory_space<vmem>>
    %dma_start3A_129 = arith.constant 528 : i32
    %dma_start3A_130 = arith.constant 0 : i32
    %dma_start3A_131 = tpu.memref_slice %dma_start3A_128[%dma_start3A_129, %dma_start3A_130] : memref<800x64xf32, #tpu.memory_space<vmem>> -> memref<72x64xf32, #tpu.memory_space<vmem>>
    %dma_start3A_132 = arith.constant 0 : i32
    %dma_start3A_133 = tpu.memref_slice %arg5[%dma_start3A_123, %dma_start3A_132] : memref<2x800xi32, #tpu.memory_space<vmem>> -> memref<1x800xi32, #tpu.memory_space<vmem>>
    %dma_start3A_134 = tpu.memref_squeeze %dma_start3A_133 : memref<1x800xi32, #tpu.memory_space<vmem>> -> memref<800xi32, #tpu.memory_space<vmem>>
    %dma_start3A_135 = arith.constant 528 : i32
    %dma_start3A_136 = tpu.memref_slice %dma_start3A_134[%dma_start3A_135] : memref<800xi32, #tpu.memory_space<vmem>> -> memref<72xi32, #tpu.memory_space<vmem>>
    %dma_start3A_137 = arith.constant 0 : i32
    %dma_start3A_138 = arith.constant 0 : i32
    %dma_start3A_139 = tpu.memref_slice %arg3[%dma_start3A_137, %dma_start3A_138] : memref<1000000x64xf32, #tpu.memory_space<hbm>> -> memref<1000000x64xf32, #tpu.memory_space<hbm>>
    tpu.enqueue_indirect_dma source(%dma_start3A_139 : memref<1000000x64xf32, #tpu.memory_space<hbm>>) target(%dma_start3A_131 : memref<72x64xf32, #tpu.memory_space<vmem>>) offsets(%dma_start3A_136 : memref<72xi32, #tpu.memory_space<vmem>>) semaphore(%arg10 : memref<!tpu.dma_semaphore, #tpu.memory_space<semaphore_mem>>)
    %dma_start3A_140 = arith.constant 0 : i32
    %dma_start3A_141 = arith.constant 0 : i32
    %dma_start3A_142 = arith.constant 0 : i32
    %dma_start3A_143 = arith.constant 0 : i32
    %dma_start3A_144 = tpu.memref_slice %arg6[%dma_start3A_141, %dma_start3A_142, %dma_start3A_143] : memref<2x800x64xf32, #tpu.memory_space<vmem>> -> memref<1x800x64xf32, #tpu.memory_space<vmem>>
    %dma_start3A_145 = tpu.memref_squeeze %dma_start3A_144 : memref<1x800x64xf32, #tpu.memory_space<vmem>> -> memref<800x64xf32, #tpu.memory_space<vmem>>
    %dma_start3A_146 = arith.constant 600 : i32
    %dma_start3A_147 = arith.constant 0 : i32
    %dma_start3A_148 = tpu.memref_slice %dma_start3A_145[%dma_start3A_146, %dma_start3A_147] : memref<800x64xf32, #tpu.memory_space<vmem>> -> memref<128x64xf32, #tpu.memory_space<vmem>>
    %dma_start3A_149 = arith.constant 0 : i32
    %dma_start3A_150 = tpu.memref_slice %arg5[%dma_start3A_140, %dma_start3A_149] : memref<2x800xi32, #tpu.memory_space<vmem>> -> memref<1x800xi32, #tpu.memory_space<vmem>>
    %dma_start3A_151 = tpu.memref_squeeze %dma_start3A_150 : memref<1x800xi32, #tpu.memory_space<vmem>> -> memref<800xi32, #tpu.memory_space<vmem>>
    %dma_start3A_152 = arith.constant 600 : i32
    %dma_start3A_153 = tpu.memref_slice %dma_start3A_151[%dma_start3A_152] : memref<800xi32, #tpu.memory_space<vmem>> -> memref<128xi32, #tpu.memory_space<vmem>>
    %dma_start3A_154 = arith.constant 0 : i32
    %dma_start3A_155 = arith.constant 0 : i32
    %dma_start3A_156 = tpu.memref_slice %arg3[%dma_start3A_154, %dma_start3A_155] : memref<1000000x64xf32, #tpu.memory_space<hbm>> -> memref<1000000x64xf32, #tpu.memory_space<hbm>>
    tpu.enqueue_indirect_dma source(%dma_start3A_156 : memref<1000000x64xf32, #tpu.memory_space<hbm>>) target(%dma_start3A_148 : memref<128x64xf32, #tpu.memory_space<vmem>>) offsets(%dma_start3A_153 : memref<128xi32, #tpu.memory_space<vmem>>) semaphore(%arg10 : memref<!tpu.dma_semaphore, #tpu.memory_space<semaphore_mem>>)
    %dma_start3A_157 = arith.constant 0 : i32
    %dma_start3A_158 = arith.constant 0 : i32
    %dma_start3A_159 = arith.constant 0 : i32
    %dma_start3A_160 = arith.constant 0 : i32
    %dma_start3A_161 = tpu.memref_slice %arg6[%dma_start3A_158, %dma_start3A_159, %dma_start3A_160] : memref<2x800x64xf32, #tpu.memory_space<vmem>> -> memref<1x800x64xf32, #tpu.memory_space<vmem>>
    %dma_start3A_162 = tpu.memref_squeeze %dma_start3A_161 : memref<1x800x64xf32, #tpu.memory_space<vmem>> -> memref<800x64xf32, #tpu.memory_space<vmem>>
    %dma_start3A_163 = arith.constant 728 : i32
    %dma_start3A_164 = arith.constant 0 : i32
    %dma_start3A_165 = tpu.memref_slice %dma_start3A_162[%dma_start3A_163, %dma_start3A_164] : memref<800x64xf32, #tpu.memory_space<vmem>> -> memref<72x64xf32, #tpu.memory_space<vmem>>
    %dma_start3A_166 = arith.constant 0 : i32
    %dma_start3A_167 = tpu.memref_slice %arg5[%dma_start3A_157, %dma_start3A_166] : memref<2x800xi32, #tpu.memory_space<vmem>> -> memref<1x800xi32, #tpu.memory_space<vmem>>
    %dma_start3A_168 = tpu.memref_squeeze %dma_start3A_167 : memref<1x800xi32, #tpu.memory_space<vmem>> -> memref<800xi32, #tpu.memory_space<vmem>>
    %dma_start3A_169 = arith.constant 728 : i32
    %dma_start3A_170 = tpu.memref_slice %dma_start3A_168[%dma_start3A_169] : memref<800xi32, #tpu.memory_space<vmem>> -> memref<72xi32, #tpu.memory_space<vmem>>
    %dma_start3A_171 = arith.constant 0 : i32
    %dma_start3A_172 = arith.constant 0 : i32
    %dma_start3A_173 = tpu.memref_slice %arg3[%dma_start3A_171, %dma_start3A_172] : memref<1000000x64xf32, #tpu.memory_space<hbm>> -> memref<1000000x64xf32, #tpu.memory_space<hbm>>
    tpu.enqueue_indirect_dma source(%dma_start3A_173 : memref<1000000x64xf32, #tpu.memory_space<hbm>>) target(%dma_start3A_165 : memref<72x64xf32, #tpu.memory_space<vmem>>) offsets(%dma_start3A_170 : memref<72xi32, #tpu.memory_space<vmem>>) semaphore(%arg10 : memref<!tpu.dma_semaphore, #tpu.memory_space<semaphore_mem>>)
    %mul3A_174 = arith.constant 200 : i32
    %mul3A_175 = arith.muli %mul3A_2, %mul3A_174 : i32
    %dma_wait3A_176 = arith.constant 1 : i32
    %dma_wait3A_177 = arith.constant 0 : i32
    %dma_wait3A_178 = tpu.memref_slice %arg5[%dma_wait3A_176, %dma_wait3A_177] : memref<2x800xi32, #tpu.memory_space<vmem>> -> memref<1x800xi32, #tpu.memory_space<vmem>>
    %dma_wait3A_179 = tpu.memref_squeeze %dma_wait3A_178 : memref<1x800xi32, #tpu.memory_space<vmem>> -> memref<800xi32, #tpu.memory_space<vmem>>
    %dma_wait3A_180 = tpu.memref_slice %arg2[%mul3A_175] : memref<3276800xi32, #tpu.memory_space<hbm>> -> memref<800xi32, #tpu.memory_space<hbm>>
    %dma_wait3A_181 = arith.constant 0 : i32
    %dma_wait3A_182 = tpu.memref_slice %arg5[%dma_wait3A_176, %dma_wait3A_181] : memref<2x800xi32, #tpu.memory_space<vmem>> -> memref<1x800xi32, #tpu.memory_space<vmem>>
    %dma_wait3A_183 = tpu.memref_squeeze %dma_wait3A_182 : memref<1x800xi32, #tpu.memory_space<vmem>> -> memref<800xi32, #tpu.memory_space<vmem>>
    %dma_wait3A_184 = tpu.memref_slice %arg2[%mul3A_175] : memref<3276800xi32, #tpu.memory_space<hbm>> -> memref<800xi32, #tpu.memory_space<hbm>>
    tpu.wait_dma2 semaphore(%arg9 : memref<!tpu.dma_semaphore, #tpu.memory_space<semaphore_mem>>) src(%dma_wait3A_184 : memref<800xi32, #tpu.memory_space<hbm>>) dst(%dma_wait3A_183 : memref<800xi32, #tpu.memory_space<vmem>>)
    %dma_start3A_185 = arith.constant 1 : i32
    %dma_start3A_186 = arith.constant 1 : i32
    %dma_start3A_187 = arith.constant 0 : i32
    %dma_start3A_188 = arith.constant 0 : i32
    %dma_start3A_189 = tpu.memref_slice %arg6[%dma_start3A_186, %dma_start3A_187, %dma_start3A_188] : memref<2x800x64xf32, #tpu.memory_space<vmem>> -> memref<1x800x64xf32, #tpu.memory_space<vmem>>
    %dma_start3A_190 = tpu.memref_squeeze %dma_start3A_189 : memref<1x800x64xf32, #tpu.memory_space<vmem>> -> memref<800x64xf32, #tpu.memory_space<vmem>>
    %dma_start3A_191 = arith.constant 0 : i32
    %dma_start3A_192 = arith.constant 0 : i32
    %dma_start3A_193 = tpu.memref_slice %dma_start3A_190[%dma_start3A_191, %dma_start3A_192] : memref<800x64xf32, #tpu.memory_space<vmem>> -> memref<128x64xf32, #tpu.memory_space<vmem>>
    %dma_start3A_194 = arith.constant 0 : i32
    %dma_start3A_195 = tpu.memref_slice %arg5[%dma_start3A_185, %dma_start3A_194] : memref<2x800xi32, #tpu.memory_space<vmem>> -> memref<1x800xi32, #tpu.memory_space<vmem>>
    %dma_start3A_196 = tpu.memref_squeeze %dma_start3A_195 : memref<1x800xi32, #tpu.memory_space<vmem>> -> memref<800xi32, #tpu.memory_space<vmem>>
    %dma_start3A_197 = arith.constant 0 : i32
    %dma_start3A_198 = tpu.memref_slice %dma_start3A_196[%dma_start3A_197] : memref<800xi32, #tpu.memory_space<vmem>> -> memref<128xi32, #tpu.memory_space<vmem>>
    %dma_start3A_199 = arith.constant 0 : i32
    %dma_start3A_200 = arith.constant 0 : i32
    %dma_start3A_201 = tpu.memref_slice %arg3[%dma_start3A_199, %dma_start3A_200] : memref<1000000x64xf32, #tpu.memory_space<hbm>> -> memref<1000000x64xf32, #tpu.memory_space<hbm>>
    tpu.enqueue_indirect_dma source(%dma_start3A_201 : memref<1000000x64xf32, #tpu.memory_space<hbm>>) target(%dma_start3A_193 : memref<128x64xf32, #tpu.memory_space<vmem>>) offsets(%dma_start3A_198 : memref<128xi32, #tpu.memory_space<vmem>>) semaphore(%arg11 : memref<!tpu.dma_semaphore, #tpu.memory_space<semaphore_mem>>)
    %dma_start3A_202 = arith.constant 1 : i32
    %dma_start3A_203 = arith.constant 1 : i32
    %dma_start3A_204 = arith.constant 0 : i32
    %dma_start3A_205 = arith.constant 0 : i32
    %dma_start3A_206 = tpu.memref_slice %arg6[%dma_start3A_203, %dma_start3A_204, %dma_start3A_205] : memref<2x800x64xf32, #tpu.memory_space<vmem>> -> memref<1x800x64xf32, #tpu.memory_space<vmem>>
    %dma_start3A_207 = tpu.memref_squeeze %dma_start3A_206 : memref<1x800x64xf32, #tpu.memory_space<vmem>> -> memref<800x64xf32, #tpu.memory_space<vmem>>
    %dma_start3A_208 = arith.constant 128 : i32
    %dma_start3A_209 = arith.constant 0 : i32
    %dma_start3A_210 = tpu.memref_slice %dma_start3A_207[%dma_start3A_208, %dma_start3A_209] : memref<800x64xf32, #tpu.memory_space<vmem>> -> memref<72x64xf32, #tpu.memory_space<vmem>>
    %dma_start3A_211 = arith.constant 0 : i32
    %dma_start3A_212 = tpu.memref_slice %arg5[%dma_start3A_202, %dma_start3A_211] : memref<2x800xi32, #tpu.memory_space<vmem>> -> memref<1x800xi32, #tpu.memory_space<vmem>>
    %dma_start3A_213 = tpu.memref_squeeze %dma_start3A_212 : memref<1x800xi32, #tpu.memory_space<vmem>> -> memref<800xi32, #tpu.memory_space<vmem>>
    %dma_start3A_214 = arith.constant 128 : i32
    %dma_start3A_215 = tpu.memref_slice %dma_start3A_213[%dma_start3A_214] : memref<800xi32, #tpu.memory_space<vmem>> -> memref<72xi32, #tpu.memory_space<vmem>>
    %dma_start3A_216 = arith.constant 0 : i32
    %dma_start3A_217 = arith.constant 0 : i32
    %dma_start3A_218 = tpu.memref_slice %arg3[%dma_start3A_216, %dma_start3A_217] : memref<1000000x64xf32, #tpu.memory_space<hbm>> -> memref<1000000x64xf32, #tpu.memory_space<hbm>>
    tpu.enqueue_indirect_dma source(%dma_start3A_218 : memref<1000000x64xf32, #tpu.memory_space<hbm>>) target(%dma_start3A_210 : memref<72x64xf32, #tpu.memory_space<vmem>>) offsets(%dma_start3A_215 : memref<72xi32, #tpu.memory_space<vmem>>) semaphore(%arg11 : memref<!tpu.dma_semaphore, #tpu.memory_space<semaphore_mem>>)
    %dma_start3A_219 = arith.constant 1 : i32
    %dma_start3A_220 = arith.constant 1 : i32
    %dma_start3A_221 = arith.constant 0 : i32
    %dma_start3A_222 = arith.constant 0 : i32
    %dma_start3A_223 = tpu.memref_slice %arg6[%dma_start3A_220, %dma_start3A_221, %dma_start3A_222] : memref<2x800x64xf32, #tpu.memory_space<vmem>> -> memref<1x800x64xf32, #tpu.memory_space<vmem>>
    %dma_start3A_224 = tpu.memref_squeeze %dma_start3A_223 : memref<1x800x64xf32, #tpu.memory_space<vmem>> -> memref<800x64xf32, #tpu.memory_space<vmem>>
    %dma_start3A_225 = arith.constant 200 : i32
    %dma_start3A_226 = arith.constant 0 : i32
    %dma_start3A_227 = tpu.memref_slice %dma_start3A_224[%dma_start3A_225, %dma_start3A_226] : memref<800x64xf32, #tpu.memory_space<vmem>> -> memref<128x64xf32, #tpu.memory_space<vmem>>
    %dma_start3A_228 = arith.constant 0 : i32
    %dma_start3A_229 = tpu.memref_slice %arg5[%dma_start3A_219, %dma_start3A_228] : memref<2x800xi32, #tpu.memory_space<vmem>> -> memref<1x800xi32, #tpu.memory_space<vmem>>
    %dma_start3A_230 = tpu.memref_squeeze %dma_start3A_229 : memref<1x800xi32, #tpu.memory_space<vmem>> -> memref<800xi32, #tpu.memory_space<vmem>>
    %dma_start3A_231 = arith.constant 200 : i32
    %dma_start3A_232 = tpu.memref_slice %dma_start3A_230[%dma_start3A_231] : memref<800xi32, #tpu.memory_space<vmem>> -> memref<128xi32, #tpu.memory_space<vmem>>
    %dma_start3A_233 = arith.constant 0 : i32
    %dma_start3A_234 = arith.constant 0 : i32
    %dma_start3A_235 = tpu.memref_slice %arg3[%dma_start3A_233, %dma_start3A_234] : memref<1000000x64xf32, #tpu.memory_space<hbm>> -> memref<1000000x64xf32, #tpu.memory_space<hbm>>
    tpu.enqueue_indirect_dma source(%dma_start3A_235 : memref<1000000x64xf32, #tpu.memory_space<hbm>>) target(%dma_start3A_227 : memref<128x64xf32, #tpu.memory_space<vmem>>) offsets(%dma_start3A_232 : memref<128xi32, #tpu.memory_space<vmem>>) semaphore(%arg11 : memref<!tpu.dma_semaphore, #tpu.memory_space<semaphore_mem>>)
    %dma_start3A_236 = arith.constant 1 : i32
    %dma_start3A_237 = arith.constant 1 : i32
    %dma_start3A_238 = arith.constant 0 : i32
    %dma_start3A_239 = arith.constant 0 : i32
    %dma_start3A_240 = tpu.memref_slice %arg6[%dma_start3A_237, %dma_start3A_238, %dma_start3A_239] : memref<2x800x64xf32, #tpu.memory_space<vmem>> -> memref<1x800x64xf32, #tpu.memory_space<vmem>>
    %dma_start3A_241 = tpu.memref_squeeze %dma_start3A_240 : memref<1x800x64xf32, #tpu.memory_space<vmem>> -> memref<800x64xf32, #tpu.memory_space<vmem>>
    %dma_start3A_242 = arith.constant 328 : i32
    %dma_start3A_243 = arith.constant 0 : i32
    %dma_start3A_244 = tpu.memref_slice %dma_start3A_241[%dma_start3A_242, %dma_start3A_243] : memref<800x64xf32, #tpu.memory_space<vmem>> -> memref<72x64xf32, #tpu.memory_space<vmem>>
    %dma_start3A_245 = arith.constant 0 : i32
    %dma_start3A_246 = tpu.memref_slice %arg5[%dma_start3A_236, %dma_start3A_245] : memref<2x800xi32, #tpu.memory_space<vmem>> -> memref<1x800xi32, #tpu.memory_space<vmem>>
    %dma_start3A_247 = tpu.memref_squeeze %dma_start3A_246 : memref<1x800xi32, #tpu.memory_space<vmem>> -> memref<800xi32, #tpu.memory_space<vmem>>
    %dma_start3A_248 = arith.constant 328 : i32
    %dma_start3A_249 = tpu.memref_slice %dma_start3A_247[%dma_start3A_248] : memref<800xi32, #tpu.memory_space<vmem>> -> memref<72xi32, #tpu.memory_space<vmem>>
    %dma_start3A_250 = arith.constant 0 : i32
    %dma_start3A_251 = arith.constant 0 : i32
    %dma_start3A_252 = tpu.memref_slice %arg3[%dma_start3A_250, %dma_start3A_251] : memref<1000000x64xf32, #tpu.memory_space<hbm>> -> memref<1000000x64xf32, #tpu.memory_space<hbm>>
    tpu.enqueue_indirect_dma source(%dma_start3A_252 : memref<1000000x64xf32, #tpu.memory_space<hbm>>) target(%dma_start3A_244 : memref<72x64xf32, #tpu.memory_space<vmem>>) offsets(%dma_start3A_249 : memref<72xi32, #tpu.memory_space<vmem>>) semaphore(%arg11 : memref<!tpu.dma_semaphore, #tpu.memory_space<semaphore_mem>>)
    %dma_start3A_253 = arith.constant 1 : i32
    %dma_start3A_254 = arith.constant 1 : i32
    %dma_start3A_255 = arith.constant 0 : i32
    %dma_start3A_256 = arith.constant 0 : i32
    %dma_start3A_257 = tpu.memref_slice %arg6[%dma_start3A_254, %dma_start3A_255, %dma_start3A_256] : memref<2x800x64xf32, #tpu.memory_space<vmem>> -> memref<1x800x64xf32, #tpu.memory_space<vmem>>
    %dma_start3A_258 = tpu.memref_squeeze %dma_start3A_257 : memref<1x800x64xf32, #tpu.memory_space<vmem>> -> memref<800x64xf32, #tpu.memory_space<vmem>>
    %dma_start3A_259 = arith.constant 400 : i32
    %dma_start3A_260 = arith.constant 0 : i32
    %dma_start3A_261 = tpu.memref_slice %dma_start3A_258[%dma_start3A_259, %dma_start3A_260] : memref<800x64xf32, #tpu.memory_space<vmem>> -> memref<128x64xf32, #tpu.memory_space<vmem>>
    %dma_start3A_262 = arith.constant 0 : i32
    %dma_start3A_263 = tpu.memref_slice %arg5[%dma_start3A_253, %dma_start3A_262] : memref<2x800xi32, #tpu.memory_space<vmem>> -> memref<1x800xi32, #tpu.memory_space<vmem>>
    %dma_start3A_264 = tpu.memref_squeeze %dma_start3A_263 : memref<1x800xi32, #tpu.memory_space<vmem>> -> memref<800xi32, #tpu.memory_space<vmem>>
    %dma_start3A_265 = arith.constant 400 : i32
    %dma_start3A_266 = tpu.memref_slice %dma_start3A_264[%dma_start3A_265] : memref<800xi32, #tpu.memory_space<vmem>> -> memref<128xi32, #tpu.memory_space<vmem>>
    %dma_start3A_267 = arith.constant 0 : i32
    %dma_start3A_268 = arith.constant 0 : i32
    %dma_start3A_269 = tpu.memref_slice %arg3[%dma_start3A_267, %dma_start3A_268] : memref<1000000x64xf32, #tpu.memory_space<hbm>> -> memref<1000000x64xf32, #tpu.memory_space<hbm>>
    tpu.enqueue_indirect_dma source(%dma_start3A_269 : memref<1000000x64xf32, #tpu.memory_space<hbm>>) target(%dma_start3A_261 : memref<128x64xf32, #tpu.memory_space<vmem>>) offsets(%dma_start3A_266 : memref<128xi32, #tpu.memory_space<vmem>>) semaphore(%arg11 : memref<!tpu.dma_semaphore, #tpu.memory_space<semaphore_mem>>)
    %dma_start3A_270 = arith.constant 1 : i32
    %dma_start3A_271 = arith.constant 1 : i32
    %dma_start3A_272 = arith.constant 0 : i32
    %dma_start3A_273 = arith.constant 0 : i32
    %dma_start3A_274 = tpu.memref_slice %arg6[%dma_start3A_271, %dma_start3A_272, %dma_start3A_273] : memref<2x800x64xf32, #tpu.memory_space<vmem>> -> memref<1x800x64xf32, #tpu.memory_space<vmem>>
    %dma_start3A_275 = tpu.memref_squeeze %dma_start3A_274 : memref<1x800x64xf32, #tpu.memory_space<vmem>> -> memref<800x64xf32, #tpu.memory_space<vmem>>
    %dma_start3A_276 = arith.constant 528 : i32
    %dma_start3A_277 = arith.constant 0 : i32
    %dma_start3A_278 = tpu.memref_slice %dma_start3A_275[%dma_start3A_276, %dma_start3A_277] : memref<800x64xf32, #tpu.memory_space<vmem>> -> memref<72x64xf32, #tpu.memory_space<vmem>>
    %dma_start3A_279 = arith.constant 0 : i32
    %dma_start3A_280 = tpu.memref_slice %arg5[%dma_start3A_270, %dma_start3A_279] : memref<2x800xi32, #tpu.memory_space<vmem>> -> memref<1x800xi32, #tpu.memory_space<vmem>>
    %dma_start3A_281 = tpu.memref_squeeze %dma_start3A_280 : memref<1x800xi32, #tpu.memory_space<vmem>> -> memref<800xi32, #tpu.memory_space<vmem>>
    %dma_start3A_282 = arith.constant 528 : i32
    %dma_start3A_283 = tpu.memref_slice %dma_start3A_281[%dma_start3A_282] : memref<800xi32, #tpu.memory_space<vmem>> -> memref<72xi32, #tpu.memory_space<vmem>>
    %dma_start3A_284 = arith.constant 0 : i32
    %dma_start3A_285 = arith.constant 0 : i32
    %dma_start3A_286 = tpu.memref_slice %arg3[%dma_start3A_284, %dma_start3A_285] : memref<1000000x64xf32, #tpu.memory_space<hbm>> -> memref<1000000x64xf32, #tpu.memory_space<hbm>>
    tpu.enqueue_indirect_dma source(%dma_start3A_286 : memref<1000000x64xf32, #tpu.memory_space<hbm>>) target(%dma_start3A_278 : memref<72x64xf32, #tpu.memory_space<vmem>>) offsets(%dma_start3A_283 : memref<72xi32, #tpu.memory_space<vmem>>) semaphore(%arg11 : memref<!tpu.dma_semaphore, #tpu.memory_space<semaphore_mem>>)
    %dma_start3A_287 = arith.constant 1 : i32
    %dma_start3A_288 = arith.constant 1 : i32
    %dma_start3A_289 = arith.constant 0 : i32
    %dma_start3A_290 = arith.constant 0 : i32
    %dma_start3A_291 = tpu.memref_slice %arg6[%dma_start3A_288, %dma_start3A_289, %dma_start3A_290] : memref<2x800x64xf32, #tpu.memory_space<vmem>> -> memref<1x800x64xf32, #tpu.memory_space<vmem>>
    %dma_start3A_292 = tpu.memref_squeeze %dma_start3A_291 : memref<1x800x64xf32, #tpu.memory_space<vmem>> -> memref<800x64xf32, #tpu.memory_space<vmem>>
    %dma_start3A_293 = arith.constant 600 : i32
    %dma_start3A_294 = arith.constant 0 : i32
    %dma_start3A_295 = tpu.memref_slice %dma_start3A_292[%dma_start3A_293, %dma_start3A_294] : memref<800x64xf32, #tpu.memory_space<vmem>> -> memref<128x64xf32, #tpu.memory_space<vmem>>
    %dma_start3A_296 = arith.constant 0 : i32
    %dma_start3A_297 = tpu.memref_slice %arg5[%dma_start3A_287, %dma_start3A_296] : memref<2x800xi32, #tpu.memory_space<vmem>> -> memref<1x800xi32, #tpu.memory_space<vmem>>
    %dma_start3A_298 = tpu.memref_squeeze %dma_start3A_297 : memref<1x800xi32, #tpu.memory_space<vmem>> -> memref<800xi32, #tpu.memory_space<vmem>>
    %dma_start3A_299 = arith.constant 600 : i32
    %dma_start3A_300 = tpu.memref_slice %dma_start3A_298[%dma_start3A_299] : memref<800xi32, #tpu.memory_space<vmem>> -> memref<128xi32, #tpu.memory_space<vmem>>
    %dma_start3A_301 = arith.constant 0 : i32
    %dma_start3A_302 = arith.constant 0 : i32
    %dma_start3A_303 = tpu.memref_slice %arg3[%dma_start3A_301, %dma_start3A_302] : memref<1000000x64xf32, #tpu.memory_space<hbm>> -> memref<1000000x64xf32, #tpu.memory_space<hbm>>
    tpu.enqueue_indirect_dma source(%dma_start3A_303 : memref<1000000x64xf32, #tpu.memory_space<hbm>>) target(%dma_start3A_295 : memref<128x64xf32, #tpu.memory_space<vmem>>) offsets(%dma_start3A_300 : memref<128xi32, #tpu.memory_space<vmem>>) semaphore(%arg11 : memref<!tpu.dma_semaphore, #tpu.memory_space<semaphore_mem>>)
    %dma_start3A_304 = arith.constant 1 : i32
    %dma_start3A_305 = arith.constant 1 : i32
    %dma_start3A_306 = arith.constant 0 : i32
    %dma_start3A_307 = arith.constant 0 : i32
    %dma_start3A_308 = tpu.memref_slice %arg6[%dma_start3A_305, %dma_start3A_306, %dma_start3A_307] : memref<2x800x64xf32, #tpu.memory_space<vmem>> -> memref<1x800x64xf32, #tpu.memory_space<vmem>>
    %dma_start3A_309 = tpu.memref_squeeze %dma_start3A_308 : memref<1x800x64xf32, #tpu.memory_space<vmem>> -> memref<800x64xf32, #tpu.memory_space<vmem>>
    %dma_start3A_310 = arith.constant 728 : i32
    %dma_start3A_311 = arith.constant 0 : i32
    %dma_start3A_312 = tpu.memref_slice %dma_start3A_309[%dma_start3A_310, %dma_start3A_311] : memref<800x64xf32, #tpu.memory_space<vmem>> -> memref<72x64xf32, #tpu.memory_space<vmem>>
    %dma_start3A_313 = arith.constant 0 : i32
    %dma_start3A_314 = tpu.memref_slice %arg5[%dma_start3A_304, %dma_start3A_313] : memref<2x800xi32, #tpu.memory_space<vmem>> -> memref<1x800xi32, #tpu.memory_space<vmem>>
    %dma_start3A_315 = tpu.memref_squeeze %dma_start3A_314 : memref<1x800xi32, #tpu.memory_space<vmem>> -> memref<800xi32, #tpu.memory_space<vmem>>
    %dma_start3A_316 = arith.constant 728 : i32
    %dma_start3A_317 = tpu.memref_slice %dma_start3A_315[%dma_start3A_316] : memref<800xi32, #tpu.memory_space<vmem>> -> memref<72xi32, #tpu.memory_space<vmem>>
    %dma_start3A_318 = arith.constant 0 : i32
    %dma_start3A_319 = arith.constant 0 : i32
    %dma_start3A_320 = tpu.memref_slice %arg3[%dma_start3A_318, %dma_start3A_319] : memref<1000000x64xf32, #tpu.memory_space<hbm>> -> memref<1000000x64xf32, #tpu.memory_space<hbm>>
    tpu.enqueue_indirect_dma source(%dma_start3A_320 : memref<1000000x64xf32, #tpu.memory_space<hbm>>) target(%dma_start3A_312 : memref<72x64xf32, #tpu.memory_space<vmem>>) offsets(%dma_start3A_317 : memref<72xi32, #tpu.memory_space<vmem>>) semaphore(%arg11 : memref<!tpu.dma_semaphore, #tpu.memory_space<semaphore_mem>>)
    %scan3A = arith.constant 0 : i32
    %scan3A_321 = arith.constant 0 : i32
    %scan3A_322 = arith.constant 64 : i32
    %scan3A_323 = arith.addi %scan3A_321, %scan3A_322 : i32
    %scan3A_324 = arith.constant 1 : i32
    %scan3A_325 = scf.for %scan3A_353 = %scan3A_321 to %scan3A_323 step %scan3A_324 iter_args(%scan3A_354 = %scan3A) -> (i32)  : i32 {
      %mul3A_355 = arith.constant 2 : i32
      %mul3A_356 = arith.muli %scan3A_353, %mul3A_355 : i32
      %add3A_357 = arith.constant 0 : i32
      %add3A_358 = arith.addi %mul3A_356, %add3A_357 : i32
      %dma_wait3A_359 = arith.constant 0 : i32
      %dma_wait3A_360 = arith.constant 0 : i32
      %dma_wait3A_361 = arith.constant 0 : i32
      %dma_wait3A_362 = tpu.memref_slice %arg6[%dma_wait3A_359, %dma_wait3A_360, %dma_wait3A_361] : memref<2x800x64xf32, #tpu.memory_space<vmem>> -> memref<1x800x64xf32, #tpu.memory_space<vmem>>
      %dma_wait3A_363 = tpu.memref_squeeze %dma_wait3A_362 : memref<1x800x64xf32, #tpu.memory_space<vmem>> -> memref<800x64xf32, #tpu.memory_space<vmem>>
      %dma_wait3A_364 = arith.constant 0 : i32
      %dma_wait3A_365 = arith.constant 0 : i32
      %dma_wait3A_366 = tpu.memref_slice %arg3[%dma_wait3A_364, %dma_wait3A_365] : memref<1000000x64xf32, #tpu.memory_space<hbm>> -> memref<800x64xf32, #tpu.memory_space<hbm>>
      %dma_wait3A_367 = arith.constant 0 : i32
      %dma_wait3A_368 = arith.constant 0 : i32
      %dma_wait3A_369 = tpu.memref_slice %arg6[%dma_wait3A_359, %dma_wait3A_367, %dma_wait3A_368] : memref<2x800x64xf32, #tpu.memory_space<vmem>> -> memref<1x800x64xf32, #tpu.memory_space<vmem>>
      %dma_wait3A_370 = tpu.memref_squeeze %dma_wait3A_369 : memref<1x800x64xf32, #tpu.memory_space<vmem>> -> memref<800x64xf32, #tpu.memory_space<vmem>>
      %dma_wait3A_371 = arith.constant 0 : i32
      %dma_wait3A_372 = arith.constant 0 : i32
      %dma_wait3A_373 = tpu.memref_slice %arg3[%dma_wait3A_371, %dma_wait3A_372] : memref<1000000x64xf32, #tpu.memory_space<hbm>> -> memref<800x64xf32, #tpu.memory_space<hbm>>
      tpu.wait_dma2 semaphore(%arg10 : memref<!tpu.dma_semaphore, #tpu.memory_space<semaphore_mem>>) src(%dma_wait3A_373 : memref<800x64xf32, #tpu.memory_space<hbm>>) dst(%dma_wait3A_370 : memref<800x64xf32, #tpu.memory_space<vmem>>)
      %add3A_374 = arith.constant 2 : i32
      %add3A_375 = arith.addi %add3A_358, %add3A_374 : i32
      %lt3A = arith.constant 128 : i32
      %lt3A_376 = arith.cmpi slt, %add3A_375, %lt3A : i32
      %convert_element_type3A = arith.extui %lt3A_376 : i1 to i32
      %cond3A = arith.constant 0 : i32
      %cond3A_377 = arith.cmpi ne, %convert_element_type3A, %cond3A : i32
      scf.if %cond3A_377 {
        %add3A_840 = arith.constant 2 : i32
        %add3A_841 = arith.addi %add3A_358, %add3A_840 : i32
        %mul3A_842 = arith.constant 4 : i32
        %mul3A_843 = arith.muli %add3A_841, %mul3A_842 : i32
        %add3A_844 = arith.addi %mul3A_2, %mul3A_843 : i32
        %mul3A_845 = arith.constant 200 : i32
        %mul3A_846 = arith.muli %add3A_844, %mul3A_845 : i32
        %dma_start3A_847 = arith.constant 0 : i32
        %dma_start3A_848 = arith.constant 0 : i32
        %dma_start3A_849 = tpu.memref_slice %arg5[%dma_start3A_847, %dma_start3A_848] : memref<2x800xi32, #tpu.memory_space<vmem>> -> memref<1x800xi32, #tpu.memory_space<vmem>>
        %dma_start3A_850 = tpu.memref_squeeze %dma_start3A_849 : memref<1x800xi32, #tpu.memory_space<vmem>> -> memref<800xi32, #tpu.memory_space<vmem>>
        %dma_start3A_851 = tpu.memref_slice %arg2[%mul3A_846] : memref<3276800xi32, #tpu.memory_space<hbm>> -> memref<800xi32, #tpu.memory_space<hbm>>
        %dma_start3A_852 = arith.constant 0 : i32
        %dma_start3A_853 = tpu.memref_slice %arg5[%dma_start3A_847, %dma_start3A_852] : memref<2x800xi32, #tpu.memory_space<vmem>> -> memref<1x800xi32, #tpu.memory_space<vmem>>
        %dma_start3A_854 = tpu.memref_squeeze %dma_start3A_853 : memref<1x800xi32, #tpu.memory_space<vmem>> -> memref<800xi32, #tpu.memory_space<vmem>>
        %dma_start3A_855 = tpu.memref_slice %arg2[%mul3A_846] : memref<3276800xi32, #tpu.memory_space<hbm>> -> memref<800xi32, #tpu.memory_space<hbm>>
        tpu.enqueue_dma source(%dma_start3A_855 : memref<800xi32, #tpu.memory_space<hbm>>) target(%dma_start3A_854 : memref<800xi32, #tpu.memory_space<vmem>>) target_semaphore(%arg8 : memref<!tpu.dma_semaphore, #tpu.memory_space<semaphore_mem>>)
      } else {
      }
      %broadcast_in_dim3A = arith.constant 0.000000e+00 : f32
      %broadcast_in_dim3A_378 = vector.broadcast %broadcast_in_dim3A : f32 to vector<16xf32>
      %scan3A_379 = arith.constant 0 : i32
      %scan3A_380 = arith.constant 50 : i32
      %scan3A_381 = arith.addi %scan3A_379, %scan3A_380 : i32
      %scan3A_382 = arith.constant 1 : i32
      %scan3A_383:8 = scf.for %scan3A_840 = %scan3A_379 to %scan3A_381 step %scan3A_382 iter_args(%scan3A_841 = %broadcast_in_dim3A_378, %scan3A_842 = %broadcast_in_dim3A_378, %scan3A_843 = %broadcast_in_dim3A_378, %scan3A_844 = %broadcast_in_dim3A_378, %scan3A_845 = %broadcast_in_dim3A_378, %scan3A_846 = %broadcast_in_dim3A_378, %scan3A_847 = %broadcast_in_dim3A_378, %scan3A_848 = %broadcast_in_dim3A_378) -> (vector<16xf32>, vector<16xf32>, vector<16xf32>, vector<16xf32>, vector<16xf32>, vector<16xf32>, vector<16xf32>, vector<16xf32>)  : i32 {
        %mul3A_849 = arith.constant 4 : i32
        %mul3A_850 = arith.muli %scan3A_840, %mul3A_849 : i32
        %add3A_851 = arith.constant 0 : i32
        %add3A_852 = arith.addi %add3A_851, %mul3A_850 : i32
        %add3A_853 = arith.constant 0 : i32
        %add3A_854 = arith.addi %add3A_852, %add3A_853 : i32
        %get3A = arith.constant 0 : i32
        %get3A_855 = arith.index_cast %get3A : i32 to index
        %get3A_856 = arith.index_cast %add3A_854 : i32 to index
        %get3A_857 = arith.constant 0 : index
        %get3A_858 = tpu.vector_load %arg6[%get3A_855, %get3A_856, %get3A_857] {strides = array<i32>} : memref<2x800x64xf32, #tpu.memory_space<vmem>>, vector<1x1x16xf32>,
        %get3A_859 = vector.shape_cast %get3A_858 : vector<1x1x16xf32> to vector<16xf32>
        %add3A_860 = arith.addf %scan3A_841, %get3A_859 : vector<16xf32>
        %add3A_861 = arith.constant 0 : i32
        %add3A_862 = arith.addi %add3A_852, %add3A_861 : i32
        %get3A_863 = arith.constant 0 : i32
        %get3A_864 = arith.index_cast %get3A_863 : i32 to index
        %get3A_865 = arith.index_cast %add3A_862 : i32 to index
        %get3A_866 = arith.constant 16 : index
        %get3A_867 = tpu.vector_load %arg6[%get3A_864, %get3A_865, %get3A_866] {strides = array<i32>} : memref<2x800x64xf32, #tpu.memory_space<vmem>>, vector<1x1x16xf32>,
        %get3A_868 = vector.shape_cast %get3A_867 : vector<1x1x16xf32> to vector<16xf32>
        %add3A_869 = arith.addf %scan3A_842, %get3A_868 : vector<16xf32>
        %add3A_870 = arith.constant 0 : i32
        %add3A_871 = arith.addi %add3A_852, %add3A_870 : i32
        %get3A_872 = arith.constant 0 : i32
        %get3A_873 = arith.index_cast %get3A_872 : i32 to index
        %get3A_874 = arith.index_cast %add3A_871 : i32 to index
        %get3A_875 = arith.constant 32 : index
        %get3A_876 = tpu.vector_load %arg6[%get3A_873, %get3A_874, %get3A_875] {strides = array<i32>} : memref<2x800x64xf32, #tpu.memory_space<vmem>>, vector<1x1x16xf32>,
        %get3A_877 = vector.shape_cast %get3A_876 : vector<1x1x16xf32> to vector<16xf32>
        %add3A_878 = arith.addf %scan3A_843, %get3A_877 : vector<16xf32>
        %add3A_879 = arith.constant 0 : i32
        %add3A_880 = arith.addi %add3A_852, %add3A_879 : i32
        %get3A_881 = arith.constant 0 : i32
        %get3A_882 = arith.index_cast %get3A_881 : i32 to index
        %get3A_883 = arith.index_cast %add3A_880 : i32 to index
        %get3A_884 = arith.constant 48 : index
        %get3A_885 = tpu.vector_load %arg6[%get3A_882, %get3A_883, %get3A_884] {strides = array<i32>} : memref<2x800x64xf32, #tpu.memory_space<vmem>>, vector<1x1x16xf32>,
        %get3A_886 = vector.shape_cast %get3A_885 : vector<1x1x16xf32> to vector<16xf32>
        %add3A_887 = arith.addf %scan3A_844, %get3A_886 : vector<16xf32>
        %add3A_888 = arith.constant 1 : i32
        %add3A_889 = arith.addi %add3A_852, %add3A_888 : i32
        %get3A_890 = arith.constant 0 : i32
        %get3A_891 = arith.index_cast %get3A_890 : i32 to index
        %get3A_892 = arith.index_cast %add3A_889 : i32 to index
        %get3A_893 = arith.constant 0 : index
        %get3A_894 = tpu.vector_load %arg6[%get3A_891, %get3A_892, %get3A_893] {strides = array<i32>} : memref<2x800x64xf32, #tpu.memory_space<vmem>>, vector<1x1x16xf32>,
        %get3A_895 = vector.shape_cast %get3A_894 : vector<1x1x16xf32> to vector<16xf32>
        %add3A_896 = arith.addf %scan3A_845, %get3A_895 : vector<16xf32>
        %add3A_897 = arith.constant 1 : i32
        %add3A_898 = arith.addi %add3A_852, %add3A_897 : i32
        %get3A_899 = arith.constant 0 : i32
        %get3A_900 = arith.index_cast %get3A_899 : i32 to index
        %get3A_901 = arith.index_cast %add3A_898 : i32 to index
        %get3A_902 = arith.constant 16 : index
        %get3A_903 = tpu.vector_load %arg6[%get3A_900, %get3A_901, %get3A_902] {strides = array<i32>} : memref<2x800x64xf32, #tpu.memory_space<vmem>>, vector<1x1x16xf32>,
        %get3A_904 = vector.shape_cast %get3A_903 : vector<1x1x16xf32> to vector<16xf32>
        %add3A_905 = arith.addf %scan3A_846, %get3A_904 : vector<16xf32>
        %add3A_906 = arith.constant 1 : i32
        %add3A_907 = arith.addi %add3A_852, %add3A_906 : i32
        %get3A_908 = arith.constant 0 : i32
        %get3A_909 = arith.index_cast %get3A_908 : i32 to index
        %get3A_910 = arith.index_cast %add3A_907 : i32 to index
        %get3A_911 = arith.constant 32 : index
        %get3A_912 = tpu.vector_load %arg6[%get3A_909, %get3A_910, %get3A_911] {strides = array<i32>} : memref<2x800x64xf32, #tpu.memory_space<vmem>>, vector<1x1x16xf32>,
        %get3A_913 = vector.shape_cast %get3A_912 : vector<1x1x16xf32> to vector<16xf32>
        %add3A_914 = arith.addf %scan3A_847, %get3A_913 : vector<16xf32>
        %add3A_915 = arith.constant 1 : i32
        %add3A_916 = arith.addi %add3A_852, %add3A_915 : i32
        %get3A_917 = arith.constant 0 : i32
        %get3A_918 = arith.index_cast %get3A_917 : i32 to index
        %get3A_919 = arith.index_cast %add3A_916 : i32 to index
        %get3A_920 = arith.constant 48 : index
        %get3A_921 = tpu.vector_load %arg6[%get3A_918, %get3A_919, %get3A_920] {strides = array<i32>} : memref<2x800x64xf32, #tpu.memory_space<vmem>>, vector<1x1x16xf32>,
        %get3A_922 = vector.shape_cast %get3A_921 : vector<1x1x16xf32> to vector<16xf32>
        %add3A_923 = arith.addf %scan3A_848, %get3A_922 : vector<16xf32>
        %add3A_924 = arith.constant 2 : i32
        %add3A_925 = arith.addi %add3A_852, %add3A_924 : i32
        %get3A_926 = arith.constant 0 : i32
        %get3A_927 = arith.index_cast %get3A_926 : i32 to index
        %get3A_928 = arith.index_cast %add3A_925 : i32 to index
        %get3A_929 = arith.constant 0 : index
        %get3A_930 = tpu.vector_load %arg6[%get3A_927, %get3A_928, %get3A_929] {strides = array<i32>} : memref<2x800x64xf32, #tpu.memory_space<vmem>>, vector<1x1x16xf32>,
        %get3A_931 = vector.shape_cast %get3A_930 : vector<1x1x16xf32> to vector<16xf32>
        %add3A_932 = arith.addf %add3A_860, %get3A_931 : vector<16xf32>
        %add3A_933 = arith.constant 2 : i32
        %add3A_934 = arith.addi %add3A_852, %add3A_933 : i32
        %get3A_935 = arith.constant 0 : i32
        %get3A_936 = arith.index_cast %get3A_935 : i32 to index
        %get3A_937 = arith.index_cast %add3A_934 : i32 to index
        %get3A_938 = arith.constant 16 : index
        %get3A_939 = tpu.vector_load %arg6[%get3A_936, %get3A_937, %get3A_938] {strides = array<i32>} : memref<2x800x64xf32, #tpu.memory_space<vmem>>, vector<1x1x16xf32>,
        %get3A_940 = vector.shape_cast %get3A_939 : vector<1x1x16xf32> to vector<16xf32>
        %add3A_941 = arith.addf %add3A_869, %get3A_940 : vector<16xf32>
        %add3A_942 = arith.constant 2 : i32
        %add3A_943 = arith.addi %add3A_852, %add3A_942 : i32
        %get3A_944 = arith.constant 0 : i32
        %get3A_945 = arith.index_cast %get3A_944 : i32 to index
        %get3A_946 = arith.index_cast %add3A_943 : i32 to index
        %get3A_947 = arith.constant 32 : index
        %get3A_948 = tpu.vector_load %arg6[%get3A_945, %get3A_946, %get3A_947] {strides = array<i32>} : memref<2x800x64xf32, #tpu.memory_space<vmem>>, vector<1x1x16xf32>,
        %get3A_949 = vector.shape_cast %get3A_948 : vector<1x1x16xf32> to vector<16xf32>
        %add3A_950 = arith.addf %add3A_878, %get3A_949 : vector<16xf32>
        %add3A_951 = arith.constant 2 : i32
        %add3A_952 = arith.addi %add3A_852, %add3A_951 : i32
        %get3A_953 = arith.constant 0 : i32
        %get3A_954 = arith.index_cast %get3A_953 : i32 to index
        %get3A_955 = arith.index_cast %add3A_952 : i32 to index
        %get3A_956 = arith.constant 48 : index
        %get3A_957 = tpu.vector_load %arg6[%get3A_954, %get3A_955, %get3A_956] {strides = array<i32>} : memref<2x800x64xf32, #tpu.memory_space<vmem>>, vector<1x1x16xf32>,
        %get3A_958 = vector.shape_cast %get3A_957 : vector<1x1x16xf32> to vector<16xf32>
        %add3A_959 = arith.addf %add3A_887, %get3A_958 : vector<16xf32>
        %add3A_960 = arith.constant 3 : i32
        %add3A_961 = arith.addi %add3A_852, %add3A_960 : i32
        %get3A_962 = arith.constant 0 : i32
        %get3A_963 = arith.index_cast %get3A_962 : i32 to index
        %get3A_964 = arith.index_cast %add3A_961 : i32 to index
        %get3A_965 = arith.constant 0 : index
        %get3A_966 = tpu.vector_load %arg6[%get3A_963, %get3A_964, %get3A_965] {strides = array<i32>} : memref<2x800x64xf32, #tpu.memory_space<vmem>>, vector<1x1x16xf32>,
        %get3A_967 = vector.shape_cast %get3A_966 : vector<1x1x16xf32> to vector<16xf32>
        %add3A_968 = arith.addf %add3A_896, %get3A_967 : vector<16xf32>
        %add3A_969 = arith.constant 3 : i32
        %add3A_970 = arith.addi %add3A_852, %add3A_969 : i32
        %get3A_971 = arith.constant 0 : i32
        %get3A_972 = arith.index_cast %get3A_971 : i32 to index
        %get3A_973 = arith.index_cast %add3A_970 : i32 to index
        %get3A_974 = arith.constant 16 : index
        %get3A_975 = tpu.vector_load %arg6[%get3A_972, %get3A_973, %get3A_974] {strides = array<i32>} : memref<2x800x64xf32, #tpu.memory_space<vmem>>, vector<1x1x16xf32>,
        %get3A_976 = vector.shape_cast %get3A_975 : vector<1x1x16xf32> to vector<16xf32>
        %add3A_977 = arith.addf %add3A_905, %get3A_976 : vector<16xf32>
        %add3A_978 = arith.constant 3 : i32
        %add3A_979 = arith.addi %add3A_852, %add3A_978 : i32
        %get3A_980 = arith.constant 0 : i32
        %get3A_981 = arith.index_cast %get3A_980 : i32 to index
        %get3A_982 = arith.index_cast %add3A_979 : i32 to index
        %get3A_983 = arith.constant 32 : index
        %get3A_984 = tpu.vector_load %arg6[%get3A_981, %get3A_982, %get3A_983] {strides = array<i32>} : memref<2x800x64xf32, #tpu.memory_space<vmem>>, vector<1x1x16xf32>,
        %get3A_985 = vector.shape_cast %get3A_984 : vector<1x1x16xf32> to vector<16xf32>
        %add3A_986 = arith.addf %add3A_914, %get3A_985 : vector<16xf32>
        %add3A_987 = arith.constant 3 : i32
        %add3A_988 = arith.addi %add3A_852, %add3A_987 : i32
        %get3A_989 = arith.constant 0 : i32
        %get3A_990 = arith.index_cast %get3A_989 : i32 to index
        %get3A_991 = arith.index_cast %add3A_988 : i32 to index
        %get3A_992 = arith.constant 48 : index
        %get3A_993 = tpu.vector_load %arg6[%get3A_990, %get3A_991, %get3A_992] {strides = array<i32>} : memref<2x800x64xf32, #tpu.memory_space<vmem>>, vector<1x1x16xf32>,
        %get3A_994 = vector.shape_cast %get3A_993 : vector<1x1x16xf32> to vector<16xf32>
        %add3A_995 = arith.addf %add3A_923, %get3A_994 : vector<16xf32>
        scf.yield %add3A_932, %add3A_941, %add3A_950, %add3A_959, %add3A_968, %add3A_977, %add3A_986, %add3A_995 : vector<16xf32>, vector<16xf32>, vector<16xf32>, vector<16xf32>, vector<16xf32>, vector<16xf32>, vector<16xf32>, vector<16xf32>
      }
      %scan3A_384 = arith.constant 50 : i32
      %ge3A = arith.constant 2 : i32
      %ge3A_385 = arith.cmpi sge, %add3A_358, %ge3A : i32
      %convert_element_type3A_386 = arith.extui %ge3A_385 : i1 to i32
      %cond3A_387 = arith.constant 0 : i32
      %cond3A_388 = arith.cmpi ne, %convert_element_type3A_386, %cond3A_387 : i32
      scf.if %cond3A_388 {
        %dma_wait3A_840 = arith.constant 0 : i32
        %dma_wait3A_841 = arith.constant 0 : i32
        %dma_wait3A_842 = arith.constant 0 : i32
        %dma_wait3A_843 = tpu.memref_slice %arg7[%dma_wait3A_840, %dma_wait3A_841, %dma_wait3A_842] : memref<2x4x64xf32, #tpu.memory_space<vmem>> -> memref<1x4x64xf32, #tpu.memory_space<vmem>>
        %dma_wait3A_844 = tpu.memref_squeeze %dma_wait3A_843 : memref<1x4x64xf32, #tpu.memory_space<vmem>> -> memref<4x64xf32, #tpu.memory_space<vmem>>
        %dma_wait3A_845 = arith.constant 0 : i32
        %dma_wait3A_846 = tpu.memref_slice %arg4[%mul3A_2, %dma_wait3A_845] : memref<16384x64xf32, #tpu.memory_space<hbm>> -> memref<4x64xf32, #tpu.memory_space<hbm>>
        %dma_wait3A_847 = arith.constant 0 : i32
        %dma_wait3A_848 = tpu.memref_slice %arg4[%mul3A_2, %dma_wait3A_847] : memref<16384x64xf32, #tpu.memory_space<hbm>> -> memref<4x64xf32, #tpu.memory_space<hbm>>
        %dma_wait3A_849 = arith.constant 0 : i32
        %dma_wait3A_850 = arith.constant 0 : i32
        %dma_wait3A_851 = tpu.memref_slice %arg7[%dma_wait3A_840, %dma_wait3A_849, %dma_wait3A_850] : memref<2x4x64xf32, #tpu.memory_space<vmem>> -> memref<1x4x64xf32, #tpu.memory_space<vmem>>
        %dma_wait3A_852 = tpu.memref_squeeze %dma_wait3A_851 : memref<1x4x64xf32, #tpu.memory_space<vmem>> -> memref<4x64xf32, #tpu.memory_space<vmem>>
        tpu.wait_dma2 semaphore(%arg12 : memref<!tpu.dma_semaphore, #tpu.memory_space<semaphore_mem>>) src(%dma_wait3A_852 : memref<4x64xf32, #tpu.memory_space<vmem>>) dst(%dma_wait3A_848 : memref<4x64xf32, #tpu.memory_space<hbm>>)
      } else {
      }
      %add3A_389 = arith.addf %scan3A_383#0, %scan3A_383#4 : vector<16xf32>
      %swap3A = arith.constant 0 : i32
      %swap3A_390 = arith.constant 0 : i32
      %swap3A_391 = arith.index_cast %swap3A : i32 to index
      %swap3A_392 = arith.index_cast %swap3A_390 : i32 to index
      %swap3A_393 = arith.constant 0 : index
      %swap3A_394 = tpu.vector_load %arg7[%swap3A_391, %swap3A_392, %swap3A_393] {strides = array<i32>} : memref<2x4x64xf32, #tpu.memory_space<vmem>>, vector<1x1x16xf32>,
      %swap3A_395 = vector.shape_cast %swap3A_394 : vector<1x1x16xf32> to vector<16xf32>
      %swap3A_396 = vector.shape_cast %add3A_389 : vector<16xf32> to vector<1x1x16xf32>
      tpu.vector_store %arg7[%swap3A_391, %swap3A_392, %swap3A_393], %swap3A_396 {strides = array<i32>} : memref<2x4x64xf32, #tpu.memory_space<vmem>>, vector<1x1x16xf32>,
      %add3A_397 = arith.addf %scan3A_383#1, %scan3A_383#5 : vector<16xf32>
      %swap3A_398 = arith.constant 0 : i32
      %swap3A_399 = arith.constant 0 : i32
      %swap3A_400 = arith.index_cast %swap3A_398 : i32 to index
      %swap3A_401 = arith.index_cast %swap3A_399 : i32 to index
      %swap3A_402 = arith.constant 16 : index
      %swap3A_403 = tpu.vector_load %arg7[%swap3A_400, %swap3A_401, %swap3A_402] {strides = array<i32>} : memref<2x4x64xf32, #tpu.memory_space<vmem>>, vector<1x1x16xf32>,
      %swap3A_404 = vector.shape_cast %swap3A_403 : vector<1x1x16xf32> to vector<16xf32>
      %swap3A_405 = vector.shape_cast %add3A_397 : vector<16xf32> to vector<1x1x16xf32>
      tpu.vector_store %arg7[%swap3A_400, %swap3A_401, %swap3A_402], %swap3A_405 {strides = array<i32>} : memref<2x4x64xf32, #tpu.memory_space<vmem>>, vector<1x1x16xf32>,
      %add3A_406 = arith.addf %scan3A_383#2, %scan3A_383#6 : vector<16xf32>
      %swap3A_407 = arith.constant 0 : i32
      %swap3A_408 = arith.constant 0 : i32
      %swap3A_409 = arith.index_cast %swap3A_407 : i32 to index
      %swap3A_410 = arith.index_cast %swap3A_408 : i32 to index
      %swap3A_411 = arith.constant 32 : index
      %swap3A_412 = tpu.vector_load %arg7[%swap3A_409, %swap3A_410, %swap3A_411] {strides = array<i32>} : memref<2x4x64xf32, #tpu.memory_space<vmem>>, vector<1x1x16xf32>,
      %swap3A_413 = vector.shape_cast %swap3A_412 : vector<1x1x16xf32> to vector<16xf32>
      %swap3A_414 = vector.shape_cast %add3A_406 : vector<16xf32> to vector<1x1x16xf32>
      tpu.vector_store %arg7[%swap3A_409, %swap3A_410, %swap3A_411], %swap3A_414 {strides = array<i32>} : memref<2x4x64xf32, #tpu.memory_space<vmem>>, vector<1x1x16xf32>,
      %add3A_415 = arith.addf %scan3A_383#3, %scan3A_383#7 : vector<16xf32>
      %swap3A_416 = arith.constant 0 : i32
      %swap3A_417 = arith.constant 0 : i32
      %swap3A_418 = arith.index_cast %swap3A_416 : i32 to index
      %swap3A_419 = arith.index_cast %swap3A_417 : i32 to index
      %swap3A_420 = arith.constant 48 : index
      %swap3A_421 = tpu.vector_load %arg7[%swap3A_418, %swap3A_419, %swap3A_420] {strides = array<i32>} : memref<2x4x64xf32, #tpu.memory_space<vmem>>, vector<1x1x16xf32>,
      %swap3A_422 = vector.shape_cast %swap3A_421 : vector<1x1x16xf32> to vector<16xf32>
      %swap3A_423 = vector.shape_cast %add3A_415 : vector<16xf32> to vector<1x1x16xf32>
      tpu.vector_store %arg7[%swap3A_418, %swap3A_419, %swap3A_420], %swap3A_423 {strides = array<i32>} : memref<2x4x64xf32, #tpu.memory_space<vmem>>, vector<1x1x16xf32>,
      %broadcast_in_dim3A_424 = arith.constant 0.000000e+00 : f32
      %broadcast_in_dim3A_425 = vector.broadcast %broadcast_in_dim3A_424 : f32 to vector<16xf32>
      %scan3A_426 = arith.constant 0 : i32
      %scan3A_427 = arith.constant 50 : i32
      %scan3A_428 = arith.addi %scan3A_426, %scan3A_427 : i32
      %scan3A_429 = arith.constant 1 : i32
      %scan3A_430:8 = scf.for %scan3A_840 = %scan3A_426 to %scan3A_428 step %scan3A_429 iter_args(%scan3A_841 = %broadcast_in_dim3A_425, %scan3A_842 = %broadcast_in_dim3A_425, %scan3A_843 = %broadcast_in_dim3A_425, %scan3A_844 = %broadcast_in_dim3A_425, %scan3A_845 = %broadcast_in_dim3A_425, %scan3A_846 = %broadcast_in_dim3A_425, %scan3A_847 = %broadcast_in_dim3A_425, %scan3A_848 = %broadcast_in_dim3A_425) -> (vector<16xf32>, vector<16xf32>, vector<16xf32>, vector<16xf32>, vector<16xf32>, vector<16xf32>, vector<16xf32>, vector<16xf32>)  : i32 {
        %mul3A_849 = arith.constant 4 : i32
        %mul3A_850 = arith.muli %scan3A_840, %mul3A_849 : i32
        %add3A_851 = arith.constant 200 : i32
        %add3A_852 = arith.addi %add3A_851, %mul3A_850 : i32
        %add3A_853 = arith.constant 0 : i32
        %add3A_854 = arith.addi %add3A_852, %add3A_853 : i32
        %get3A = arith.constant 0 : i32
        %get3A_855 = arith.index_cast %get3A : i32 to index
        %get3A_856 = arith.index_cast %add3A_854 : i32 to index
        %get3A_857 = arith.constant 0 : index
        %get3A_858 = tpu.vector_load %arg6[%get3A_855, %get3A_856, %get3A_857] {strides = array<i32>} : memref<2x800x64xf32, #tpu.memory_space<vmem>>, vector<1x1x16xf32>,
        %get3A_859 = vector.shape_cast %get3A_858 : vector<1x1x16xf32> to vector<16xf32>
        %add3A_860 = arith.addf %scan3A_841, %get3A_859 : vector<16xf32>
        %add3A_861 = arith.constant 0 : i32
        %add3A_862 = arith.addi %add3A_852, %add3A_861 : i32
        %get3A_863 = arith.constant 0 : i32
        %get3A_864 = arith.index_cast %get3A_863 : i32 to index
        %get3A_865 = arith.index_cast %add3A_862 : i32 to index
        %get3A_866 = arith.constant 16 : index
        %get3A_867 = tpu.vector_load %arg6[%get3A_864, %get3A_865, %get3A_866] {strides = array<i32>} : memref<2x800x64xf32, #tpu.memory_space<vmem>>, vector<1x1x16xf32>,
        %get3A_868 = vector.shape_cast %get3A_867 : vector<1x1x16xf32> to vector<16xf32>
        %add3A_869 = arith.addf %scan3A_842, %get3A_868 : vector<16xf32>
        %add3A_870 = arith.constant 0 : i32
        %add3A_871 = arith.addi %add3A_852, %add3A_870 : i32
        %get3A_872 = arith.constant 0 : i32
        %get3A_873 = arith.index_cast %get3A_872 : i32 to index
        %get3A_874 = arith.index_cast %add3A_871 : i32 to index
        %get3A_875 = arith.constant 32 : index
        %get3A_876 = tpu.vector_load %arg6[%get3A_873, %get3A_874, %get3A_875] {strides = array<i32>} : memref<2x800x64xf32, #tpu.memory_space<vmem>>, vector<1x1x16xf32>,
        %get3A_877 = vector.shape_cast %get3A_876 : vector<1x1x16xf32> to vector<16xf32>
        %add3A_878 = arith.addf %scan3A_843, %get3A_877 : vector<16xf32>
        %add3A_879 = arith.constant 0 : i32
        %add3A_880 = arith.addi %add3A_852, %add3A_879 : i32
        %get3A_881 = arith.constant 0 : i32
        %get3A_882 = arith.index_cast %get3A_881 : i32 to index
        %get3A_883 = arith.index_cast %add3A_880 : i32 to index
        %get3A_884 = arith.constant 48 : index
        %get3A_885 = tpu.vector_load %arg6[%get3A_882, %get3A_883, %get3A_884] {strides = array<i32>} : memref<2x800x64xf32, #tpu.memory_space<vmem>>, vector<1x1x16xf32>,
        %get3A_886 = vector.shape_cast %get3A_885 : vector<1x1x16xf32> to vector<16xf32>
        %add3A_887 = arith.addf %scan3A_844, %get3A_886 : vector<16xf32>
        %add3A_888 = arith.constant 1 : i32
        %add3A_889 = arith.addi %add3A_852, %add3A_888 : i32
        %get3A_890 = arith.constant 0 : i32
        %get3A_891 = arith.index_cast %get3A_890 : i32 to index
        %get3A_892 = arith.index_cast %add3A_889 : i32 to index
        %get3A_893 = arith.constant 0 : index
        %get3A_894 = tpu.vector_load %arg6[%get3A_891, %get3A_892, %get3A_893] {strides = array<i32>} : memref<2x800x64xf32, #tpu.memory_space<vmem>>, vector<1x1x16xf32>,
        %get3A_895 = vector.shape_cast %get3A_894 : vector<1x1x16xf32> to vector<16xf32>
        %add3A_896 = arith.addf %scan3A_845, %get3A_895 : vector<16xf32>
        %add3A_897 = arith.constant 1 : i32
        %add3A_898 = arith.addi %add3A_852, %add3A_897 : i32
        %get3A_899 = arith.constant 0 : i32
        %get3A_900 = arith.index_cast %get3A_899 : i32 to index
        %get3A_901 = arith.index_cast %add3A_898 : i32 to index
        %get3A_902 = arith.constant 16 : index
        %get3A_903 = tpu.vector_load %arg6[%get3A_900, %get3A_901, %get3A_902] {strides = array<i32>} : memref<2x800x64xf32, #tpu.memory_space<vmem>>, vector<1x1x16xf32>,
        %get3A_904 = vector.shape_cast %get3A_903 : vector<1x1x16xf32> to vector<16xf32>
        %add3A_905 = arith.addf %scan3A_846, %get3A_904 : vector<16xf32>
        %add3A_906 = arith.constant 1 : i32
        %add3A_907 = arith.addi %add3A_852, %add3A_906 : i32
        %get3A_908 = arith.constant 0 : i32
        %get3A_909 = arith.index_cast %get3A_908 : i32 to index
        %get3A_910 = arith.index_cast %add3A_907 : i32 to index
        %get3A_911 = arith.constant 32 : index
        %get3A_912 = tpu.vector_load %arg6[%get3A_909, %get3A_910, %get3A_911] {strides = array<i32>} : memref<2x800x64xf32, #tpu.memory_space<vmem>>, vector<1x1x16xf32>,
        %get3A_913 = vector.shape_cast %get3A_912 : vector<1x1x16xf32> to vector<16xf32>
        %add3A_914 = arith.addf %scan3A_847, %get3A_913 : vector<16xf32>
        %add3A_915 = arith.constant 1 : i32
        %add3A_916 = arith.addi %add3A_852, %add3A_915 : i32
        %get3A_917 = arith.constant 0 : i32
        %get3A_918 = arith.index_cast %get3A_917 : i32 to index
        %get3A_919 = arith.index_cast %add3A_916 : i32 to index
        %get3A_920 = arith.constant 48 : index
        %get3A_921 = tpu.vector_load %arg6[%get3A_918, %get3A_919, %get3A_920] {strides = array<i32>} : memref<2x800x64xf32, #tpu.memory_space<vmem>>, vector<1x1x16xf32>,
        %get3A_922 = vector.shape_cast %get3A_921 : vector<1x1x16xf32> to vector<16xf32>
        %add3A_923 = arith.addf %scan3A_848, %get3A_922 : vector<16xf32>
        %add3A_924 = arith.constant 2 : i32
        %add3A_925 = arith.addi %add3A_852, %add3A_924 : i32
        %get3A_926 = arith.constant 0 : i32
        %get3A_927 = arith.index_cast %get3A_926 : i32 to index
        %get3A_928 = arith.index_cast %add3A_925 : i32 to index
        %get3A_929 = arith.constant 0 : index
        %get3A_930 = tpu.vector_load %arg6[%get3A_927, %get3A_928, %get3A_929] {strides = array<i32>} : memref<2x800x64xf32, #tpu.memory_space<vmem>>, vector<1x1x16xf32>,
        %get3A_931 = vector.shape_cast %get3A_930 : vector<1x1x16xf32> to vector<16xf32>
        %add3A_932 = arith.addf %add3A_860, %get3A_931 : vector<16xf32>
        %add3A_933 = arith.constant 2 : i32
        %add3A_934 = arith.addi %add3A_852, %add3A_933 : i32
        %get3A_935 = arith.constant 0 : i32
        %get3A_936 = arith.index_cast %get3A_935 : i32 to index
        %get3A_937 = arith.index_cast %add3A_934 : i32 to index
        %get3A_938 = arith.constant 16 : index
        %get3A_939 = tpu.vector_load %arg6[%get3A_936, %get3A_937, %get3A_938] {strides = array<i32>} : memref<2x800x64xf32, #tpu.memory_space<vmem>>, vector<1x1x16xf32>,
        %get3A_940 = vector.shape_cast %get3A_939 : vector<1x1x16xf32> to vector<16xf32>
        %add3A_941 = arith.addf %add3A_869, %get3A_940 : vector<16xf32>
        %add3A_942 = arith.constant 2 : i32
        %add3A_943 = arith.addi %add3A_852, %add3A_942 : i32
        %get3A_944 = arith.constant 0 : i32
        %get3A_945 = arith.index_cast %get3A_944 : i32 to index
        %get3A_946 = arith.index_cast %add3A_943 : i32 to index
        %get3A_947 = arith.constant 32 : index
        %get3A_948 = tpu.vector_load %arg6[%get3A_945, %get3A_946, %get3A_947] {strides = array<i32>} : memref<2x800x64xf32, #tpu.memory_space<vmem>>, vector<1x1x16xf32>,
        %get3A_949 = vector.shape_cast %get3A_948 : vector<1x1x16xf32> to vector<16xf32>
        %add3A_950 = arith.addf %add3A_878, %get3A_949 : vector<16xf32>
        %add3A_951 = arith.constant 2 : i32
        %add3A_952 = arith.addi %add3A_852, %add3A_951 : i32
        %get3A_953 = arith.constant 0 : i32
        %get3A_954 = arith.index_cast %get3A_953 : i32 to index
        %get3A_955 = arith.index_cast %add3A_952 : i32 to index
        %get3A_956 = arith.constant 48 : index
        %get3A_957 = tpu.vector_load %arg6[%get3A_954, %get3A_955, %get3A_956] {strides = array<i32>} : memref<2x800x64xf32, #tpu.memory_space<vmem>>, vector<1x1x16xf32>,
        %get3A_958 = vector.shape_cast %get3A_957 : vector<1x1x16xf32> to vector<16xf32>
        %add3A_959 = arith.addf %add3A_887, %get3A_958 : vector<16xf32>
        %add3A_960 = arith.constant 3 : i32
        %add3A_961 = arith.addi %add3A_852, %add3A_960 : i32
        %get3A_962 = arith.constant 0 : i32
        %get3A_963 = arith.index_cast %get3A_962 : i32 to index
        %get3A_964 = arith.index_cast %add3A_961 : i32 to index
        %get3A_965 = arith.constant 0 : index
        %get3A_966 = tpu.vector_load %arg6[%get3A_963, %get3A_964, %get3A_965] {strides = array<i32>} : memref<2x800x64xf32, #tpu.memory_space<vmem>>, vector<1x1x16xf32>,
        %get3A_967 = vector.shape_cast %get3A_966 : vector<1x1x16xf32> to vector<16xf32>
        %add3A_968 = arith.addf %add3A_896, %get3A_967 : vector<16xf32>
        %add3A_969 = arith.constant 3 : i32
        %add3A_970 = arith.addi %add3A_852, %add3A_969 : i32
        %get3A_971 = arith.constant 0 : i32
        %get3A_972 = arith.index_cast %get3A_971 : i32 to index
        %get3A_973 = arith.index_cast %add3A_970 : i32 to index
        %get3A_974 = arith.constant 16 : index
        %get3A_975 = tpu.vector_load %arg6[%get3A_972, %get3A_973, %get3A_974] {strides = array<i32>} : memref<2x800x64xf32, #tpu.memory_space<vmem>>, vector<1x1x16xf32>,
        %get3A_976 = vector.shape_cast %get3A_975 : vector<1x1x16xf32> to vector<16xf32>
        %add3A_977 = arith.addf %add3A_905, %get3A_976 : vector<16xf32>
        %add3A_978 = arith.constant 3 : i32
        %add3A_979 = arith.addi %add3A_852, %add3A_978 : i32
        %get3A_980 = arith.constant 0 : i32
        %get3A_981 = arith.index_cast %get3A_980 : i32 to index
        %get3A_982 = arith.index_cast %add3A_979 : i32 to index
        %get3A_983 = arith.constant 32 : index
        %get3A_984 = tpu.vector_load %arg6[%get3A_981, %get3A_982, %get3A_983] {strides = array<i32>} : memref<2x800x64xf32, #tpu.memory_space<vmem>>, vector<1x1x16xf32>,
        %get3A_985 = vector.shape_cast %get3A_984 : vector<1x1x16xf32> to vector<16xf32>
        %add3A_986 = arith.addf %add3A_914, %get3A_985 : vector<16xf32>
        %add3A_987 = arith.constant 3 : i32
        %add3A_988 = arith.addi %add3A_852, %add3A_987 : i32
        %get3A_989 = arith.constant 0 : i32
        %get3A_990 = arith.index_cast %get3A_989 : i32 to index
        %get3A_991 = arith.index_cast %add3A_988 : i32 to index
        %get3A_992 = arith.constant 48 : index
        %get3A_993 = tpu.vector_load %arg6[%get3A_990, %get3A_991, %get3A_992] {strides = array<i32>} : memref<2x800x64xf32, #tpu.memory_space<vmem>>, vector<1x1x16xf32>,
        %get3A_994 = vector.shape_cast %get3A_993 : vector<1x1x16xf32> to vector<16xf32>
        %add3A_995 = arith.addf %add3A_923, %get3A_994 : vector<16xf32>
        scf.yield %add3A_932, %add3A_941, %add3A_950, %add3A_959, %add3A_968, %add3A_977, %add3A_986, %add3A_995 : vector<16xf32>, vector<16xf32>, vector<16xf32>, vector<16xf32>, vector<16xf32>, vector<16xf32>, vector<16xf32>, vector<16xf32>
      }
      %scan3A_431 = arith.constant 50 : i32
      %ge3A_432 = arith.constant 2 : i32
      %ge3A_433 = arith.cmpi sge, %add3A_358, %ge3A_432 : i32
      %convert_element_type3A_434 = arith.extui %ge3A_433 : i1 to i32
      %cond3A_435 = arith.constant 0 : i32
      %cond3A_436 = arith.cmpi ne, %convert_element_type3A_434, %cond3A_435 : i32
      scf.if %cond3A_436 {
      } else {
      }
      %add3A_437 = arith.addf %scan3A_430#0, %scan3A_430#4 : vector<16xf32>
      %swap3A_438 = arith.constant 0 : i32
      %swap3A_439 = arith.constant 1 : i32
      %swap3A_440 = arith.index_cast %swap3A_438 : i32 to index
      %swap3A_441 = arith.index_cast %swap3A_439 : i32 to index
      %swap3A_442 = arith.constant 0 : index
      %swap3A_443 = tpu.vector_load %arg7[%swap3A_440, %swap3A_441, %swap3A_442] {strides = array<i32>} : memref<2x4x64xf32, #tpu.memory_space<vmem>>, vector<1x1x16xf32>,
      %swap3A_444 = vector.shape_cast %swap3A_443 : vector<1x1x16xf32> to vector<16xf32>
      %swap3A_445 = vector.shape_cast %add3A_437 : vector<16xf32> to vector<1x1x16xf32>
      tpu.vector_store %arg7[%swap3A_440, %swap3A_441, %swap3A_442], %swap3A_445 {strides = array<i32>} : memref<2x4x64xf32, #tpu.memory_space<vmem>>, vector<1x1x16xf32>,
      %add3A_446 = arith.addf %scan3A_430#1, %scan3A_430#5 : vector<16xf32>
      %swap3A_447 = arith.constant 0 : i32
      %swap3A_448 = arith.constant 1 : i32
      %swap3A_449 = arith.index_cast %swap3A_447 : i32 to index
      %swap3A_450 = arith.index_cast %swap3A_448 : i32 to index
      %swap3A_451 = arith.constant 16 : index
      %swap3A_452 = tpu.vector_load %arg7[%swap3A_449, %swap3A_450, %swap3A_451] {strides = array<i32>} : memref<2x4x64xf32, #tpu.memory_space<vmem>>, vector<1x1x16xf32>,
      %swap3A_453 = vector.shape_cast %swap3A_452 : vector<1x1x16xf32> to vector<16xf32>
      %swap3A_454 = vector.shape_cast %add3A_446 : vector<16xf32> to vector<1x1x16xf32>
      tpu.vector_store %arg7[%swap3A_449, %swap3A_450, %swap3A_451], %swap3A_454 {strides = array<i32>} : memref<2x4x64xf32, #tpu.memory_space<vmem>>, vector<1x1x16xf32>,
      %add3A_455 = arith.addf %scan3A_430#2, %scan3A_430#6 : vector<16xf32>
      %swap3A_456 = arith.constant 0 : i32
      %swap3A_457 = arith.constant 1 : i32
      %swap3A_458 = arith.index_cast %swap3A_456 : i32 to index
      %swap3A_459 = arith.index_cast %swap3A_457 : i32 to index
      %swap3A_460 = arith.constant 32 : index
      %swap3A_461 = tpu.vector_load %arg7[%swap3A_458, %swap3A_459, %swap3A_460] {strides = array<i32>} : memref<2x4x64xf32, #tpu.memory_space<vmem>>, vector<1x1x16xf32>,
      %swap3A_462 = vector.shape_cast %swap3A_461 : vector<1x1x16xf32> to vector<16xf32>
      %swap3A_463 = vector.shape_cast %add3A_455 : vector<16xf32> to vector<1x1x16xf32>
      tpu.vector_store %arg7[%swap3A_458, %swap3A_459, %swap3A_460], %swap3A_463 {strides = array<i32>} : memref<2x4x64xf32, #tpu.memory_space<vmem>>, vector<1x1x16xf32>,
      %add3A_464 = arith.addf %scan3A_430#3, %scan3A_430#7 : vector<16xf32>
      %swap3A_465 = arith.constant 0 : i32
      %swap3A_466 = arith.constant 1 : i32
      %swap3A_467 = arith.index_cast %swap3A_465 : i32 to index
      %swap3A_468 = arith.index_cast %swap3A_466 : i32 to index
      %swap3A_469 = arith.constant 48 : index
      %swap3A_470 = tpu.vector_load %arg7[%swap3A_467, %swap3A_468, %swap3A_469] {strides = array<i32>} : memref<2x4x64xf32, #tpu.memory_space<vmem>>, vector<1x1x16xf32>,
      %swap3A_471 = vector.shape_cast %swap3A_470 : vector<1x1x16xf32> to vector<16xf32>
      %swap3A_472 = vector.shape_cast %add3A_464 : vector<16xf32> to vector<1x1x16xf32>
      tpu.vector_store %arg7[%swap3A_467, %swap3A_468, %swap3A_469], %swap3A_472 {strides = array<i32>} : memref<2x4x64xf32, #tpu.memory_space<vmem>>, vector<1x1x16xf32>,
      %broadcast_in_dim3A_473 = arith.constant 0.000000e+00 : f32
      %broadcast_in_dim3A_474 = vector.broadcast %broadcast_in_dim3A_473 : f32 to vector<16xf32>
      %scan3A_475 = arith.constant 0 : i32
      %scan3A_476 = arith.constant 50 : i32
      %scan3A_477 = arith.addi %scan3A_475, %scan3A_476 : i32
      %scan3A_478 = arith.constant 1 : i32
      %scan3A_479:8 = scf.for %scan3A_840 = %scan3A_475 to %scan3A_477 step %scan3A_478 iter_args(%scan3A_841 = %broadcast_in_dim3A_474, %scan3A_842 = %broadcast_in_dim3A_474, %scan3A_843 = %broadcast_in_dim3A_474, %scan3A_844 = %broadcast_in_dim3A_474, %scan3A_845 = %broadcast_in_dim3A_474, %scan3A_846 = %broadcast_in_dim3A_474, %scan3A_847 = %broadcast_in_dim3A_474, %scan3A_848 = %broadcast_in_dim3A_474) -> (vector<16xf32>, vector<16xf32>, vector<16xf32>, vector<16xf32>, vector<16xf32>, vector<16xf32>, vector<16xf32>, vector<16xf32>)  : i32 {
        %mul3A_849 = arith.constant 4 : i32
        %mul3A_850 = arith.muli %scan3A_840, %mul3A_849 : i32
        %add3A_851 = arith.constant 400 : i32
        %add3A_852 = arith.addi %add3A_851, %mul3A_850 : i32
        %add3A_853 = arith.constant 0 : i32
        %add3A_854 = arith.addi %add3A_852, %add3A_853 : i32
        %get3A = arith.constant 0 : i32
        %get3A_855 = arith.index_cast %get3A : i32 to index
        %get3A_856 = arith.index_cast %add3A_854 : i32 to index
        %get3A_857 = arith.constant 0 : index
        %get3A_858 = tpu.vector_load %arg6[%get3A_855, %get3A_856, %get3A_857] {strides = array<i32>} : memref<2x800x64xf32, #tpu.memory_space<vmem>>, vector<1x1x16xf32>,
        %get3A_859 = vector.shape_cast %get3A_858 : vector<1x1x16xf32> to vector<16xf32>
        %add3A_860 = arith.addf %scan3A_841, %get3A_859 : vector<16xf32>
        %add3A_861 = arith.constant 0 : i32
        %add3A_862 = arith.addi %add3A_852, %add3A_861 : i32
        %get3A_863 = arith.constant 0 : i32
        %get3A_864 = arith.index_cast %get3A_863 : i32 to index
        %get3A_865 = arith.index_cast %add3A_862 : i32 to index
        %get3A_866 = arith.constant 16 : index
        %get3A_867 = tpu.vector_load %arg6[%get3A_864, %get3A_865, %get3A_866] {strides = array<i32>} : memref<2x800x64xf32, #tpu.memory_space<vmem>>, vector<1x1x16xf32>,
        %get3A_868 = vector.shape_cast %get3A_867 : vector<1x1x16xf32> to vector<16xf32>
        %add3A_869 = arith.addf %scan3A_842, %get3A_868 : vector<16xf32>
        %add3A_870 = arith.constant 0 : i32
        %add3A_871 = arith.addi %add3A_852, %add3A_870 : i32
        %get3A_872 = arith.constant 0 : i32
        %get3A_873 = arith.index_cast %get3A_872 : i32 to index
        %get3A_874 = arith.index_cast %add3A_871 : i32 to index
        %get3A_875 = arith.constant 32 : index
        %get3A_876 = tpu.vector_load %arg6[%get3A_873, %get3A_874, %get3A_875] {strides = array<i32>} : memref<2x800x64xf32, #tpu.memory_space<vmem>>, vector<1x1x16xf32>,
        %get3A_877 = vector.shape_cast %get3A_876 : vector<1x1x16xf32> to vector<16xf32>
        %add3A_878 = arith.addf %scan3A_843, %get3A_877 : vector<16xf32>
        %add3A_879 = arith.constant 0 : i32
        %add3A_880 = arith.addi %add3A_852, %add3A_879 : i32
        %get3A_881 = arith.constant 0 : i32
        %get3A_882 = arith.index_cast %get3A_881 : i32 to index
        %get3A_883 = arith.index_cast %add3A_880 : i32 to index
        %get3A_884 = arith.constant 48 : index
        %get3A_885 = tpu.vector_load %arg6[%get3A_882, %get3A_883, %get3A_884] {strides = array<i32>} : memref<2x800x64xf32, #tpu.memory_space<vmem>>, vector<1x1x16xf32>,
        %get3A_886 = vector.shape_cast %get3A_885 : vector<1x1x16xf32> to vector<16xf32>
        %add3A_887 = arith.addf %scan3A_844, %get3A_886 : vector<16xf32>
        %add3A_888 = arith.constant 1 : i32
        %add3A_889 = arith.addi %add3A_852, %add3A_888 : i32
        %get3A_890 = arith.constant 0 : i32
        %get3A_891 = arith.index_cast %get3A_890 : i32 to index
        %get3A_892 = arith.index_cast %add3A_889 : i32 to index
        %get3A_893 = arith.constant 0 : index
        %get3A_894 = tpu.vector_load %arg6[%get3A_891, %get3A_892, %get3A_893] {strides = array<i32>} : memref<2x800x64xf32, #tpu.memory_space<vmem>>, vector<1x1x16xf32>,
        %get3A_895 = vector.shape_cast %get3A_894 : vector<1x1x16xf32> to vector<16xf32>
        %add3A_896 = arith.addf %scan3A_845, %get3A_895 : vector<16xf32>
        %add3A_897 = arith.constant 1 : i32
        %add3A_898 = arith.addi %add3A_852, %add3A_897 : i32
        %get3A_899 = arith.constant 0 : i32
        %get3A_900 = arith.index_cast %get3A_899 : i32 to index
        %get3A_901 = arith.index_cast %add3A_898 : i32 to index
        %get3A_902 = arith.constant 16 : index
        %get3A_903 = tpu.vector_load %arg6[%get3A_900, %get3A_901, %get3A_902] {strides = array<i32>} : memref<2x800x64xf32, #tpu.memory_space<vmem>>, vector<1x1x16xf32>,
        %get3A_904 = vector.shape_cast %get3A_903 : vector<1x1x16xf32> to vector<16xf32>
        %add3A_905 = arith.addf %scan3A_846, %get3A_904 : vector<16xf32>
        %add3A_906 = arith.constant 1 : i32
        %add3A_907 = arith.addi %add3A_852, %add3A_906 : i32
        %get3A_908 = arith.constant 0 : i32
        %get3A_909 = arith.index_cast %get3A_908 : i32 to index
        %get3A_910 = arith.index_cast %add3A_907 : i32 to index
        %get3A_911 = arith.constant 32 : index
        %get3A_912 = tpu.vector_load %arg6[%get3A_909, %get3A_910, %get3A_911] {strides = array<i32>} : memref<2x800x64xf32, #tpu.memory_space<vmem>>, vector<1x1x16xf32>,
        %get3A_913 = vector.shape_cast %get3A_912 : vector<1x1x16xf32> to vector<16xf32>
        %add3A_914 = arith.addf %scan3A_847, %get3A_913 : vector<16xf32>
        %add3A_915 = arith.constant 1 : i32
        %add3A_916 = arith.addi %add3A_852, %add3A_915 : i32
        %get3A_917 = arith.constant 0 : i32
        %get3A_918 = arith.index_cast %get3A_917 : i32 to index
        %get3A_919 = arith.index_cast %add3A_916 : i32 to index
        %get3A_920 = arith.constant 48 : index
        %get3A_921 = tpu.vector_load %arg6[%get3A_918, %get3A_919, %get3A_920] {strides = array<i32>} : memref<2x800x64xf32, #tpu.memory_space<vmem>>, vector<1x1x16xf32>,
        %get3A_922 = vector.shape_cast %get3A_921 : vector<1x1x16xf32> to vector<16xf32>
        %add3A_923 = arith.addf %scan3A_848, %get3A_922 : vector<16xf32>
        %add3A_924 = arith.constant 2 : i32
        %add3A_925 = arith.addi %add3A_852, %add3A_924 : i32
        %get3A_926 = arith.constant 0 : i32
        %get3A_927 = arith.index_cast %get3A_926 : i32 to index
        %get3A_928 = arith.index_cast %add3A_925 : i32 to index
        %get3A_929 = arith.constant 0 : index
        %get3A_930 = tpu.vector_load %arg6[%get3A_927, %get3A_928, %get3A_929] {strides = array<i32>} : memref<2x800x64xf32, #tpu.memory_space<vmem>>, vector<1x1x16xf32>,
        %get3A_931 = vector.shape_cast %get3A_930 : vector<1x1x16xf32> to vector<16xf32>
        %add3A_932 = arith.addf %add3A_860, %get3A_931 : vector<16xf32>
        %add3A_933 = arith.constant 2 : i32
        %add3A_934 = arith.addi %add3A_852, %add3A_933 : i32
        %get3A_935 = arith.constant 0 : i32
        %get3A_936 = arith.index_cast %get3A_935 : i32 to index
        %get3A_937 = arith.index_cast %add3A_934 : i32 to index
        %get3A_938 = arith.constant 16 : index
        %get3A_939 = tpu.vector_load %arg6[%get3A_936, %get3A_937, %get3A_938] {strides = array<i32>} : memref<2x800x64xf32, #tpu.memory_space<vmem>>, vector<1x1x16xf32>,
        %get3A_940 = vector.shape_cast %get3A_939 : vector<1x1x16xf32> to vector<16xf32>
        %add3A_941 = arith.addf %add3A_869, %get3A_940 : vector<16xf32>
        %add3A_942 = arith.constant 2 : i32
        %add3A_943 = arith.addi %add3A_852, %add3A_942 : i32
        %get3A_944 = arith.constant 0 : i32
        %get3A_945 = arith.index_cast %get3A_944 : i32 to index
        %get3A_946 = arith.index_cast %add3A_943 : i32 to index
        %get3A_947 = arith.constant 32 : index
        %get3A_948 = tpu.vector_load %arg6[%get3A_945, %get3A_946, %get3A_947] {strides = array<i32>} : memref<2x800x64xf32, #tpu.memory_space<vmem>>, vector<1x1x16xf32>,
        %get3A_949 = vector.shape_cast %get3A_948 : vector<1x1x16xf32> to vector<16xf32>
        %add3A_950 = arith.addf %add3A_878, %get3A_949 : vector<16xf32>
        %add3A_951 = arith.constant 2 : i32
        %add3A_952 = arith.addi %add3A_852, %add3A_951 : i32
        %get3A_953 = arith.constant 0 : i32
        %get3A_954 = arith.index_cast %get3A_953 : i32 to index
        %get3A_955 = arith.index_cast %add3A_952 : i32 to index
        %get3A_956 = arith.constant 48 : index
        %get3A_957 = tpu.vector_load %arg6[%get3A_954, %get3A_955, %get3A_956] {strides = array<i32>} : memref<2x800x64xf32, #tpu.memory_space<vmem>>, vector<1x1x16xf32>,
        %get3A_958 = vector.shape_cast %get3A_957 : vector<1x1x16xf32> to vector<16xf32>
        %add3A_959 = arith.addf %add3A_887, %get3A_958 : vector<16xf32>
        %add3A_960 = arith.constant 3 : i32
        %add3A_961 = arith.addi %add3A_852, %add3A_960 : i32
        %get3A_962 = arith.constant 0 : i32
        %get3A_963 = arith.index_cast %get3A_962 : i32 to index
        %get3A_964 = arith.index_cast %add3A_961 : i32 to index
        %get3A_965 = arith.constant 0 : index
        %get3A_966 = tpu.vector_load %arg6[%get3A_963, %get3A_964, %get3A_965] {strides = array<i32>} : memref<2x800x64xf32, #tpu.memory_space<vmem>>, vector<1x1x16xf32>,
        %get3A_967 = vector.shape_cast %get3A_966 : vector<1x1x16xf32> to vector<16xf32>
        %add3A_968 = arith.addf %add3A_896, %get3A_967 : vector<16xf32>
        %add3A_969 = arith.constant 3 : i32
        %add3A_970 = arith.addi %add3A_852, %add3A_969 : i32
        %get3A_971 = arith.constant 0 : i32
        %get3A_972 = arith.index_cast %get3A_971 : i32 to index
        %get3A_973 = arith.index_cast %add3A_970 : i32 to index
        %get3A_974 = arith.constant 16 : index
        %get3A_975 = tpu.vector_load %arg6[%get3A_972, %get3A_973, %get3A_974] {strides = array<i32>} : memref<2x800x64xf32, #tpu.memory_space<vmem>>, vector<1x1x16xf32>,
        %get3A_976 = vector.shape_cast %get3A_975 : vector<1x1x16xf32> to vector<16xf32>
        %add3A_977 = arith.addf %add3A_905, %get3A_976 : vector<16xf32>
        %add3A_978 = arith.constant 3 : i32
        %add3A_979 = arith.addi %add3A_852, %add3A_978 : i32
        %get3A_980 = arith.constant 0 : i32
        %get3A_981 = arith.index_cast %get3A_980 : i32 to index
        %get3A_982 = arith.index_cast %add3A_979 : i32 to index
        %get3A_983 = arith.constant 32 : index
        %get3A_984 = tpu.vector_load %arg6[%get3A_981, %get3A_982, %get3A_983] {strides = array<i32>} : memref<2x800x64xf32, #tpu.memory_space<vmem>>, vector<1x1x16xf32>,
        %get3A_985 = vector.shape_cast %get3A_984 : vector<1x1x16xf32> to vector<16xf32>
        %add3A_986 = arith.addf %add3A_914, %get3A_985 : vector<16xf32>
        %add3A_987 = arith.constant 3 : i32
        %add3A_988 = arith.addi %add3A_852, %add3A_987 : i32
        %get3A_989 = arith.constant 0 : i32
        %get3A_990 = arith.index_cast %get3A_989 : i32 to index
        %get3A_991 = arith.index_cast %add3A_988 : i32 to index
        %get3A_992 = arith.constant 48 : index
        %get3A_993 = tpu.vector_load %arg6[%get3A_990, %get3A_991, %get3A_992] {strides = array<i32>} : memref<2x800x64xf32, #tpu.memory_space<vmem>>, vector<1x1x16xf32>,
        %get3A_994 = vector.shape_cast %get3A_993 : vector<1x1x16xf32> to vector<16xf32>
        %add3A_995 = arith.addf %add3A_923, %get3A_994 : vector<16xf32>
        scf.yield %add3A_932, %add3A_941, %add3A_950, %add3A_959, %add3A_968, %add3A_977, %add3A_986, %add3A_995 : vector<16xf32>, vector<16xf32>, vector<16xf32>, vector<16xf32>, vector<16xf32>, vector<16xf32>, vector<16xf32>, vector<16xf32>
      }
      %scan3A_480 = arith.constant 50 : i32
      %ge3A_481 = arith.constant 2 : i32
      %ge3A_482 = arith.cmpi sge, %add3A_358, %ge3A_481 : i32
      %convert_element_type3A_483 = arith.extui %ge3A_482 : i1 to i32
      %cond3A_484 = arith.constant 0 : i32
      %cond3A_485 = arith.cmpi ne, %convert_element_type3A_483, %cond3A_484 : i32
      scf.if %cond3A_485 {
      } else {
      }
      %add3A_486 = arith.addf %scan3A_479#0, %scan3A_479#4 : vector<16xf32>
      %swap3A_487 = arith.constant 0 : i32
      %swap3A_488 = arith.constant 2 : i32
      %swap3A_489 = arith.index_cast %swap3A_487 : i32 to index
      %swap3A_490 = arith.index_cast %swap3A_488 : i32 to index
      %swap3A_491 = arith.constant 0 : index
      %swap3A_492 = tpu.vector_load %arg7[%swap3A_489, %swap3A_490, %swap3A_491] {strides = array<i32>} : memref<2x4x64xf32, #tpu.memory_space<vmem>>, vector<1x1x16xf32>,
      %swap3A_493 = vector.shape_cast %swap3A_492 : vector<1x1x16xf32> to vector<16xf32>
      %swap3A_494 = vector.shape_cast %add3A_486 : vector<16xf32> to vector<1x1x16xf32>
      tpu.vector_store %arg7[%swap3A_489, %swap3A_490, %swap3A_491], %swap3A_494 {strides = array<i32>} : memref<2x4x64xf32, #tpu.memory_space<vmem>>, vector<1x1x16xf32>,
      %add3A_495 = arith.addf %scan3A_479#1, %scan3A_479#5 : vector<16xf32>
      %swap3A_496 = arith.constant 0 : i32
      %swap3A_497 = arith.constant 2 : i32
      %swap3A_498 = arith.index_cast %swap3A_496 : i32 to index
      %swap3A_499 = arith.index_cast %swap3A_497 : i32 to index
      %swap3A_500 = arith.constant 16 : index
      %swap3A_501 = tpu.vector_load %arg7[%swap3A_498, %swap3A_499, %swap3A_500] {strides = array<i32>} : memref<2x4x64xf32, #tpu.memory_space<vmem>>, vector<1x1x16xf32>,
      %swap3A_502 = vector.shape_cast %swap3A_501 : vector<1x1x16xf32> to vector<16xf32>
      %swap3A_503 = vector.shape_cast %add3A_495 : vector<16xf32> to vector<1x1x16xf32>
      tpu.vector_store %arg7[%swap3A_498, %swap3A_499, %swap3A_500], %swap3A_503 {strides = array<i32>} : memref<2x4x64xf32, #tpu.memory_space<vmem>>, vector<1x1x16xf32>,
      %add3A_504 = arith.addf %scan3A_479#2, %scan3A_479#6 : vector<16xf32>
      %swap3A_505 = arith.constant 0 : i32
      %swap3A_506 = arith.constant 2 : i32
      %swap3A_507 = arith.index_cast %swap3A_505 : i32 to index
      %swap3A_508 = arith.index_cast %swap3A_506 : i32 to index
      %swap3A_509 = arith.constant 32 : index
      %swap3A_510 = tpu.vector_load %arg7[%swap3A_507, %swap3A_508, %swap3A_509] {strides = array<i32>} : memref<2x4x64xf32, #tpu.memory_space<vmem>>, vector<1x1x16xf32>,
      %swap3A_511 = vector.shape_cast %swap3A_510 : vector<1x1x16xf32> to vector<16xf32>
      %swap3A_512 = vector.shape_cast %add3A_504 : vector<16xf32> to vector<1x1x16xf32>
      tpu.vector_store %arg7[%swap3A_507, %swap3A_508, %swap3A_509], %swap3A_512 {strides = array<i32>} : memref<2x4x64xf32, #tpu.memory_space<vmem>>, vector<1x1x16xf32>,
      %add3A_513 = arith.addf %scan3A_479#3, %scan3A_479#7 : vector<16xf32>
      %swap3A_514 = arith.constant 0 : i32
      %swap3A_515 = arith.constant 2 : i32
      %swap3A_516 = arith.index_cast %swap3A_514 : i32 to index
      %swap3A_517 = arith.index_cast %swap3A_515 : i32 to index
      %swap3A_518 = arith.constant 48 : index
      %swap3A_519 = tpu.vector_load %arg7[%swap3A_516, %swap3A_517, %swap3A_518] {strides = array<i32>} : memref<2x4x64xf32, #tpu.memory_space<vmem>>, vector<1x1x16xf32>,
      %swap3A_520 = vector.shape_cast %swap3A_519 : vector<1x1x16xf32> to vector<16xf32>
      %swap3A_521 = vector.shape_cast %add3A_513 : vector<16xf32> to vector<1x1x16xf32>
      tpu.vector_store %arg7[%swap3A_516, %swap3A_517, %swap3A_518], %swap3A_521 {strides = array<i32>} : memref<2x4x64xf32, #tpu.memory_space<vmem>>, vector<1x1x16xf32>,
      %broadcast_in_dim3A_522 = arith.constant 0.000000e+00 : f32
      %broadcast_in_dim3A_523 = vector.broadcast %broadcast_in_dim3A_522 : f32 to vector<16xf32>
      %scan3A_524 = arith.constant 0 : i32
      %scan3A_525 = arith.constant 50 : i32
      %scan3A_526 = arith.addi %scan3A_524, %scan3A_525 : i32
      %scan3A_527 = arith.constant 1 : i32
      %scan3A_528:8 = scf.for %scan3A_840 = %scan3A_524 to %scan3A_526 step %scan3A_527 iter_args(%scan3A_841 = %broadcast_in_dim3A_523, %scan3A_842 = %broadcast_in_dim3A_523, %scan3A_843 = %broadcast_in_dim3A_523, %scan3A_844 = %broadcast_in_dim3A_523, %scan3A_845 = %broadcast_in_dim3A_523, %scan3A_846 = %broadcast_in_dim3A_523, %scan3A_847 = %broadcast_in_dim3A_523, %scan3A_848 = %broadcast_in_dim3A_523) -> (vector<16xf32>, vector<16xf32>, vector<16xf32>, vector<16xf32>, vector<16xf32>, vector<16xf32>, vector<16xf32>, vector<16xf32>)  : i32 {
        %mul3A_849 = arith.constant 4 : i32
        %mul3A_850 = arith.muli %scan3A_840, %mul3A_849 : i32
        %add3A_851 = arith.constant 600 : i32
        %add3A_852 = arith.addi %add3A_851, %mul3A_850 : i32
        %add3A_853 = arith.constant 0 : i32
        %add3A_854 = arith.addi %add3A_852, %add3A_853 : i32
        %get3A = arith.constant 0 : i32
        %get3A_855 = arith.index_cast %get3A : i32 to index
        %get3A_856 = arith.index_cast %add3A_854 : i32 to index
        %get3A_857 = arith.constant 0 : index
        %get3A_858 = tpu.vector_load %arg6[%get3A_855, %get3A_856, %get3A_857] {strides = array<i32>} : memref<2x800x64xf32, #tpu.memory_space<vmem>>, vector<1x1x16xf32>,
        %get3A_859 = vector.shape_cast %get3A_858 : vector<1x1x16xf32> to vector<16xf32>
        %add3A_860 = arith.addf %scan3A_841, %get3A_859 : vector<16xf32>
        %add3A_861 = arith.constant 0 : i32
        %add3A_862 = arith.addi %add3A_852, %add3A_861 : i32
        %get3A_863 = arith.constant 0 : i32
        %get3A_864 = arith.index_cast %get3A_863 : i32 to index
        %get3A_865 = arith.index_cast %add3A_862 : i32 to index
        %get3A_866 = arith.constant 16 : index
        %get3A_867 = tpu.vector_load %arg6[%get3A_864, %get3A_865, %get3A_866] {strides = array<i32>} : memref<2x800x64xf32, #tpu.memory_space<vmem>>, vector<1x1x16xf32>,
        %get3A_868 = vector.shape_cast %get3A_867 : vector<1x1x16xf32> to vector<16xf32>
        %add3A_869 = arith.addf %scan3A_842, %get3A_868 : vector<16xf32>
        %add3A_870 = arith.constant 0 : i32
        %add3A_871 = arith.addi %add3A_852, %add3A_870 : i32
        %get3A_872 = arith.constant 0 : i32
        %get3A_873 = arith.index_cast %get3A_872 : i32 to index
        %get3A_874 = arith.index_cast %add3A_871 : i32 to index
        %get3A_875 = arith.constant 32 : index
        %get3A_876 = tpu.vector_load %arg6[%get3A_873, %get3A_874, %get3A_875] {strides = array<i32>} : memref<2x800x64xf32, #tpu.memory_space<vmem>>, vector<1x1x16xf32>,
        %get3A_877 = vector.shape_cast %get3A_876 : vector<1x1x16xf32> to vector<16xf32>
        %add3A_878 = arith.addf %scan3A_843, %get3A_877 : vector<16xf32>
        %add3A_879 = arith.constant 0 : i32
        %add3A_880 = arith.addi %add3A_852, %add3A_879 : i32
        %get3A_881 = arith.constant 0 : i32
        %get3A_882 = arith.index_cast %get3A_881 : i32 to index
        %get3A_883 = arith.index_cast %add3A_880 : i32 to index
        %get3A_884 = arith.constant 48 : index
        %get3A_885 = tpu.vector_load %arg6[%get3A_882, %get3A_883, %get3A_884] {strides = array<i32>} : memref<2x800x64xf32, #tpu.memory_space<vmem>>, vector<1x1x16xf32>,
        %get3A_886 = vector.shape_cast %get3A_885 : vector<1x1x16xf32> to vector<16xf32>
        %add3A_887 = arith.addf %scan3A_844, %get3A_886 : vector<16xf32>
        %add3A_888 = arith.constant 1 : i32
        %add3A_889 = arith.addi %add3A_852, %add3A_888 : i32
        %get3A_890 = arith.constant 0 : i32
        %get3A_891 = arith.index_cast %get3A_890 : i32 to index
        %get3A_892 = arith.index_cast %add3A_889 : i32 to index
        %get3A_893 = arith.constant 0 : index
        %get3A_894 = tpu.vector_load %arg6[%get3A_891, %get3A_892, %get3A_893] {strides = array<i32>} : memref<2x800x64xf32, #tpu.memory_space<vmem>>, vector<1x1x16xf32>,
        %get3A_895 = vector.shape_cast %get3A_894 : vector<1x1x16xf32> to vector<16xf32>
        %add3A_896 = arith.addf %scan3A_845, %get3A_895 : vector<16xf32>
        %add3A_897 = arith.constant 1 : i32
        %add3A_898 = arith.addi %add3A_852, %add3A_897 : i32
        %get3A_899 = arith.constant 0 : i32
        %get3A_900 = arith.index_cast %get3A_899 : i32 to index
        %get3A_901 = arith.index_cast %add3A_898 : i32 to index
        %get3A_902 = arith.constant 16 : index
        %get3A_903 = tpu.vector_load %arg6[%get3A_900, %get3A_901, %get3A_902] {strides = array<i32>} : memref<2x800x64xf32, #tpu.memory_space<vmem>>, vector<1x1x16xf32>,
        %get3A_904 = vector.shape_cast %get3A_903 : vector<1x1x16xf32> to vector<16xf32>
        %add3A_905 = arith.addf %scan3A_846, %get3A_904 : vector<16xf32>
        %add3A_906 = arith.constant 1 : i32
        %add3A_907 = arith.addi %add3A_852, %add3A_906 : i32
        %get3A_908 = arith.constant 0 : i32
        %get3A_909 = arith.index_cast %get3A_908 : i32 to index
        %get3A_910 = arith.index_cast %add3A_907 : i32 to index
        %get3A_911 = arith.constant 32 : index
        %get3A_912 = tpu.vector_load %arg6[%get3A_909, %get3A_910, %get3A_911] {strides = array<i32>} : memref<2x800x64xf32, #tpu.memory_space<vmem>>, vector<1x1x16xf32>,
        %get3A_913 = vector.shape_cast %get3A_912 : vector<1x1x16xf32> to vector<16xf32>
        %add3A_914 = arith.addf %scan3A_847, %get3A_913 : vector<16xf32>
        %add3A_915 = arith.constant 1 : i32
        %add3A_916 = arith.addi %add3A_852, %add3A_915 : i32
        %get3A_917 = arith.constant 0 : i32
        %get3A_918 = arith.index_cast %get3A_917 : i32 to index
        %get3A_919 = arith.index_cast %add3A_916 : i32 to index
        %get3A_920 = arith.constant 48 : index
        %get3A_921 = tpu.vector_load %arg6[%get3A_918, %get3A_919, %get3A_920] {strides = array<i32>} : memref<2x800x64xf32, #tpu.memory_space<vmem>>, vector<1x1x16xf32>,
        %get3A_922 = vector.shape_cast %get3A_921 : vector<1x1x16xf32> to vector<16xf32>
        %add3A_923 = arith.addf %scan3A_848, %get3A_922 : vector<16xf32>
        %add3A_924 = arith.constant 2 : i32
        %add3A_925 = arith.addi %add3A_852, %add3A_924 : i32
        %get3A_926 = arith.constant 0 : i32
        %get3A_927 = arith.index_cast %get3A_926 : i32 to index
        %get3A_928 = arith.index_cast %add3A_925 : i32 to index
        %get3A_929 = arith.constant 0 : index
        %get3A_930 = tpu.vector_load %arg6[%get3A_927, %get3A_928, %get3A_929] {strides = array<i32>} : memref<2x800x64xf32, #tpu.memory_space<vmem>>, vector<1x1x16xf32>,
        %get3A_931 = vector.shape_cast %get3A_930 : vector<1x1x16xf32> to vector<16xf32>
        %add3A_932 = arith.addf %add3A_860, %get3A_931 : vector<16xf32>
        %add3A_933 = arith.constant 2 : i32
        %add3A_934 = arith.addi %add3A_852, %add3A_933 : i32
        %get3A_935 = arith.constant 0 : i32
        %get3A_936 = arith.index_cast %get3A_935 : i32 to index
        %get3A_937 = arith.index_cast %add3A_934 : i32 to index
        %get3A_938 = arith.constant 16 : index
        %get3A_939 = tpu.vector_load %arg6[%get3A_936, %get3A_937, %get3A_938] {strides = array<i32>} : memref<2x800x64xf32, #tpu.memory_space<vmem>>, vector<1x1x16xf32>,
        %get3A_940 = vector.shape_cast %get3A_939 : vector<1x1x16xf32> to vector<16xf32>
        %add3A_941 = arith.addf %add3A_869, %get3A_940 : vector<16xf32>
        %add3A_942 = arith.constant 2 : i32
        %add3A_943 = arith.addi %add3A_852, %add3A_942 : i32
        %get3A_944 = arith.constant 0 : i32
        %get3A_945 = arith.index_cast %get3A_944 : i32 to index
        %get3A_946 = arith.index_cast %add3A_943 : i32 to index
        %get3A_947 = arith.constant 32 : index
        %get3A_948 = tpu.vector_load %arg6[%get3A_945, %get3A_946, %get3A_947] {strides = array<i32>} : memref<2x800x64xf32, #tpu.memory_space<vmem>>, vector<1x1x16xf32>,
        %get3A_949 = vector.shape_cast %get3A_948 : vector<1x1x16xf32> to vector<16xf32>
        %add3A_950 = arith.addf %add3A_878, %get3A_949 : vector<16xf32>
        %add3A_951 = arith.constant 2 : i32
        %add3A_952 = arith.addi %add3A_852, %add3A_951 : i32
        %get3A_953 = arith.constant 0 : i32
        %get3A_954 = arith.index_cast %get3A_953 : i32 to index
        %get3A_955 = arith.index_cast %add3A_952 : i32 to index
        %get3A_956 = arith.constant 48 : index
        %get3A_957 = tpu.vector_load %arg6[%get3A_954, %get3A_955, %get3A_956] {strides = array<i32>} : memref<2x800x64xf32, #tpu.memory_space<vmem>>, vector<1x1x16xf32>,
        %get3A_958 = vector.shape_cast %get3A_957 : vector<1x1x16xf32> to vector<16xf32>
        %add3A_959 = arith.addf %add3A_887, %get3A_958 : vector<16xf32>
        %add3A_960 = arith.constant 3 : i32
        %add3A_961 = arith.addi %add3A_852, %add3A_960 : i32
        %get3A_962 = arith.constant 0 : i32
        %get3A_963 = arith.index_cast %get3A_962 : i32 to index
        %get3A_964 = arith.index_cast %add3A_961 : i32 to index
        %get3A_965 = arith.constant 0 : index
        %get3A_966 = tpu.vector_load %arg6[%get3A_963, %get3A_964, %get3A_965] {strides = array<i32>} : memref<2x800x64xf32, #tpu.memory_space<vmem>>, vector<1x1x16xf32>,
        %get3A_967 = vector.shape_cast %get3A_966 : vector<1x1x16xf32> to vector<16xf32>
        %add3A_968 = arith.addf %add3A_896, %get3A_967 : vector<16xf32>
        %add3A_969 = arith.constant 3 : i32
        %add3A_970 = arith.addi %add3A_852, %add3A_969 : i32
        %get3A_971 = arith.constant 0 : i32
        %get3A_972 = arith.index_cast %get3A_971 : i32 to index
        %get3A_973 = arith.index_cast %add3A_970 : i32 to index
        %get3A_974 = arith.constant 16 : index
        %get3A_975 = tpu.vector_load %arg6[%get3A_972, %get3A_973, %get3A_974] {strides = array<i32>} : memref<2x800x64xf32, #tpu.memory_space<vmem>>, vector<1x1x16xf32>,
        %get3A_976 = vector.shape_cast %get3A_975 : vector<1x1x16xf32> to vector<16xf32>
        %add3A_977 = arith.addf %add3A_905, %get3A_976 : vector<16xf32>
        %add3A_978 = arith.constant 3 : i32
        %add3A_979 = arith.addi %add3A_852, %add3A_978 : i32
        %get3A_980 = arith.constant 0 : i32
        %get3A_981 = arith.index_cast %get3A_980 : i32 to index
        %get3A_982 = arith.index_cast %add3A_979 : i32 to index
        %get3A_983 = arith.constant 32 : index
        %get3A_984 = tpu.vector_load %arg6[%get3A_981, %get3A_982, %get3A_983] {strides = array<i32>} : memref<2x800x64xf32, #tpu.memory_space<vmem>>, vector<1x1x16xf32>,
        %get3A_985 = vector.shape_cast %get3A_984 : vector<1x1x16xf32> to vector<16xf32>
        %add3A_986 = arith.addf %add3A_914, %get3A_985 : vector<16xf32>
        %add3A_987 = arith.constant 3 : i32
        %add3A_988 = arith.addi %add3A_852, %add3A_987 : i32
        %get3A_989 = arith.constant 0 : i32
        %get3A_990 = arith.index_cast %get3A_989 : i32 to index
        %get3A_991 = arith.index_cast %add3A_988 : i32 to index
        %get3A_992 = arith.constant 48 : index
        %get3A_993 = tpu.vector_load %arg6[%get3A_990, %get3A_991, %get3A_992] {strides = array<i32>} : memref<2x800x64xf32, #tpu.memory_space<vmem>>, vector<1x1x16xf32>,
        %get3A_994 = vector.shape_cast %get3A_993 : vector<1x1x16xf32> to vector<16xf32>
        %add3A_995 = arith.addf %add3A_923, %get3A_994 : vector<16xf32>
        scf.yield %add3A_932, %add3A_941, %add3A_950, %add3A_959, %add3A_968, %add3A_977, %add3A_986, %add3A_995 : vector<16xf32>, vector<16xf32>, vector<16xf32>, vector<16xf32>, vector<16xf32>, vector<16xf32>, vector<16xf32>, vector<16xf32>
      }
      %scan3A_529 = arith.constant 50 : i32
      %ge3A_530 = arith.constant 2 : i32
      %ge3A_531 = arith.cmpi sge, %add3A_358, %ge3A_530 : i32
      %convert_element_type3A_532 = arith.extui %ge3A_531 : i1 to i32
      %cond3A_533 = arith.constant 0 : i32
      %cond3A_534 = arith.cmpi ne, %convert_element_type3A_532, %cond3A_533 : i32
      scf.if %cond3A_534 {
      } else {
      }
      %add3A_535 = arith.addf %scan3A_528#0, %scan3A_528#4 : vector<16xf32>
      %swap3A_536 = arith.constant 0 : i32
      %swap3A_537 = arith.constant 3 : i32
      %swap3A_538 = arith.index_cast %swap3A_536 : i32 to index
      %swap3A_539 = arith.index_cast %swap3A_537 : i32 to index
      %swap3A_540 = arith.constant 0 : index
      %swap3A_541 = tpu.vector_load %arg7[%swap3A_538, %swap3A_539, %swap3A_540] {strides = array<i32>} : memref<2x4x64xf32, #tpu.memory_space<vmem>>, vector<1x1x16xf32>,
      %swap3A_542 = vector.shape_cast %swap3A_541 : vector<1x1x16xf32> to vector<16xf32>
      %swap3A_543 = vector.shape_cast %add3A_535 : vector<16xf32> to vector<1x1x16xf32>
      tpu.vector_store %arg7[%swap3A_538, %swap3A_539, %swap3A_540], %swap3A_543 {strides = array<i32>} : memref<2x4x64xf32, #tpu.memory_space<vmem>>, vector<1x1x16xf32>,
      %add3A_544 = arith.addf %scan3A_528#1, %scan3A_528#5 : vector<16xf32>
      %swap3A_545 = arith.constant 0 : i32
      %swap3A_546 = arith.constant 3 : i32
      %swap3A_547 = arith.index_cast %swap3A_545 : i32 to index
      %swap3A_548 = arith.index_cast %swap3A_546 : i32 to index
      %swap3A_549 = arith.constant 16 : index
      %swap3A_550 = tpu.vector_load %arg7[%swap3A_547, %swap3A_548, %swap3A_549] {strides = array<i32>} : memref<2x4x64xf32, #tpu.memory_space<vmem>>, vector<1x1x16xf32>,
      %swap3A_551 = vector.shape_cast %swap3A_550 : vector<1x1x16xf32> to vector<16xf32>
      %swap3A_552 = vector.shape_cast %add3A_544 : vector<16xf32> to vector<1x1x16xf32>
      tpu.vector_store %arg7[%swap3A_547, %swap3A_548, %swap3A_549], %swap3A_552 {strides = array<i32>} : memref<2x4x64xf32, #tpu.memory_space<vmem>>, vector<1x1x16xf32>,
      %add3A_553 = arith.addf %scan3A_528#2, %scan3A_528#6 : vector<16xf32>
      %swap3A_554 = arith.constant 0 : i32
      %swap3A_555 = arith.constant 3 : i32
      %swap3A_556 = arith.index_cast %swap3A_554 : i32 to index
      %swap3A_557 = arith.index_cast %swap3A_555 : i32 to index
      %swap3A_558 = arith.constant 32 : index
      %swap3A_559 = tpu.vector_load %arg7[%swap3A_556, %swap3A_557, %swap3A_558] {strides = array<i32>} : memref<2x4x64xf32, #tpu.memory_space<vmem>>, vector<1x1x16xf32>,
      %swap3A_560 = vector.shape_cast %swap3A_559 : vector<1x1x16xf32> to vector<16xf32>
      %swap3A_561 = vector.shape_cast %add3A_553 : vector<16xf32> to vector<1x1x16xf32>
      tpu.vector_store %arg7[%swap3A_556, %swap3A_557, %swap3A_558], %swap3A_561 {strides = array<i32>} : memref<2x4x64xf32, #tpu.memory_space<vmem>>, vector<1x1x16xf32>,
      %add3A_562 = arith.addf %scan3A_528#3, %scan3A_528#7 : vector<16xf32>
      %swap3A_563 = arith.constant 0 : i32
      %swap3A_564 = arith.constant 3 : i32
      %swap3A_565 = arith.index_cast %swap3A_563 : i32 to index
      %swap3A_566 = arith.index_cast %swap3A_564 : i32 to index
      %swap3A_567 = arith.constant 48 : index
      %swap3A_568 = tpu.vector_load %arg7[%swap3A_565, %swap3A_566, %swap3A_567] {strides = array<i32>} : memref<2x4x64xf32, #tpu.memory_space<vmem>>, vector<1x1x16xf32>,
      %swap3A_569 = vector.shape_cast %swap3A_568 : vector<1x1x16xf32> to vector<16xf32>
      %swap3A_570 = vector.shape_cast %add3A_562 : vector<16xf32> to vector<1x1x16xf32>
      tpu.vector_store %arg7[%swap3A_565, %swap3A_566, %swap3A_567], %swap3A_570 {strides = array<i32>} : memref<2x4x64xf32, #tpu.memory_space<vmem>>, vector<1x1x16xf32>,
      %mul3A_571 = arith.constant 4 : i32
      %mul3A_572 = arith.muli %add3A_358, %mul3A_571 : i32
      %add3A_573 = arith.addi %mul3A_2, %mul3A_572 : i32
      %dma_start3A_574 = arith.constant 0 : i32
      %dma_start3A_575 = arith.constant 0 : i32
      %dma_start3A_576 = arith.constant 0 : i32
      %dma_start3A_577 = tpu.memref_slice %arg7[%dma_start3A_574, %dma_start3A_575, %dma_start3A_576] : memref<2x4x64xf32, #tpu.memory_space<vmem>> -> memref<1x4x64xf32, #tpu.memory_space<vmem>>
      %dma_start3A_578 = tpu.memref_squeeze %dma_start3A_577 : memref<1x4x64xf32, #tpu.memory_space<vmem>> -> memref<4x64xf32, #tpu.memory_space<vmem>>
      %dma_start3A_579 = arith.constant 0 : i32
      %dma_start3A_580 = tpu.memref_slice %arg4[%add3A_573, %dma_start3A_579] : memref<16384x64xf32, #tpu.memory_space<hbm>> -> memref<4x64xf32, #tpu.memory_space<hbm>>
      %dma_start3A_581 = arith.constant 0 : i32
      %dma_start3A_582 = tpu.memref_slice %arg4[%add3A_573, %dma_start3A_581] : memref<16384x64xf32, #tpu.memory_space<hbm>> -> memref<4x64xf32, #tpu.memory_space<hbm>>
      %dma_start3A_583 = arith.constant 0 : i32
      %dma_start3A_584 = arith.constant 0 : i32
      %dma_start3A_585 = tpu.memref_slice %arg7[%dma_start3A_574, %dma_start3A_583, %dma_start3A_584] : memref<2x4x64xf32, #tpu.memory_space<vmem>> -> memref<1x4x64xf32, #tpu.memory_space<vmem>>
      %dma_start3A_586 = tpu.memref_squeeze %dma_start3A_585 : memref<1x4x64xf32, #tpu.memory_space<vmem>> -> memref<4x64xf32, #tpu.memory_space<vmem>>
      tpu.enqueue_dma source(%dma_start3A_586 : memref<4x64xf32, #tpu.memory_space<vmem>>) target(%dma_start3A_582 : memref<4x64xf32, #tpu.memory_space<hbm>>) target_semaphore(%arg12 : memref<!tpu.dma_semaphore, #tpu.memory_space<semaphore_mem>>)
      %add3A_587 = arith.constant 2 : i32
      %add3A_588 = arith.addi %add3A_358, %add3A_587 : i32
      %lt3A_589 = arith.constant 128 : i32
      %lt3A_590 = arith.cmpi slt, %add3A_588, %lt3A_589 : i32
      %convert_element_type3A_591 = arith.extui %lt3A_590 : i1 to i32
      %cond3A_592 = arith.constant 0 : i32
      %cond3A_593 = arith.cmpi ne, %convert_element_type3A_591, %cond3A_592 : i32
      scf.if %cond3A_593 {
        %mul3A_840 = arith.constant 200 : i32
        %mul3A_841 = arith.muli %mul3A_2, %mul3A_840 : i32
        %dma_wait3A_842 = arith.constant 0 : i32
        %dma_wait3A_843 = arith.constant 0 : i32
        %dma_wait3A_844 = tpu.memref_slice %arg5[%dma_wait3A_842, %dma_wait3A_843] : memref<2x800xi32, #tpu.memory_space<vmem>> -> memref<1x800xi32, #tpu.memory_space<vmem>>
        %dma_wait3A_845 = tpu.memref_squeeze %dma_wait3A_844 : memref<1x800xi32, #tpu.memory_space<vmem>> -> memref<800xi32, #tpu.memory_space<vmem>>
        %dma_wait3A_846 = tpu.memref_slice %arg2[%mul3A_841] : memref<3276800xi32, #tpu.memory_space<hbm>> -> memref<800xi32, #tpu.memory_space<hbm>>
        %dma_wait3A_847 = arith.constant 0 : i32
        %dma_wait3A_848 = tpu.memref_slice %arg5[%dma_wait3A_842, %dma_wait3A_847] : memref<2x800xi32, #tpu.memory_space<vmem>> -> memref<1x800xi32, #tpu.memory_space<vmem>>
        %dma_wait3A_849 = tpu.memref_squeeze %dma_wait3A_848 : memref<1x800xi32, #tpu.memory_space<vmem>> -> memref<800xi32, #tpu.memory_space<vmem>>
        %dma_wait3A_850 = tpu.memref_slice %arg2[%mul3A_841] : memref<3276800xi32, #tpu.memory_space<hbm>> -> memref<800xi32, #tpu.memory_space<hbm>>
        tpu.wait_dma2 semaphore(%arg8 : memref<!tpu.dma_semaphore, #tpu.memory_space<semaphore_mem>>) src(%dma_wait3A_850 : memref<800xi32, #tpu.memory_space<hbm>>) dst(%dma_wait3A_849 : memref<800xi32, #tpu.memory_space<vmem>>)
        %dma_start3A_851 = arith.constant 0 : i32
        %dma_start3A_852 = arith.constant 0 : i32
        %dma_start3A_853 = arith.constant 0 : i32
        %dma_start3A_854 = arith.constant 0 : i32
        %dma_start3A_855 = tpu.memref_slice %arg6[%dma_start3A_852, %dma_start3A_853, %dma_start3A_854] : memref<2x800x64xf32, #tpu.memory_space<vmem>> -> memref<1x800x64xf32, #tpu.memory_space<vmem>>
        %dma_start3A_856 = tpu.memref_squeeze %dma_start3A_855 : memref<1x800x64xf32, #tpu.memory_space<vmem>> -> memref<800x64xf32, #tpu.memory_space<vmem>>
        %dma_start3A_857 = arith.constant 0 : i32
        %dma_start3A_858 = arith.constant 0 : i32
        %dma_start3A_859 = tpu.memref_slice %dma_start3A_856[%dma_start3A_857, %dma_start3A_858] : memref<800x64xf32, #tpu.memory_space<vmem>> -> memref<128x64xf32, #tpu.memory_space<vmem>>
        %dma_start3A_860 = arith.constant 0 : i32
        %dma_start3A_861 = tpu.memref_slice %arg5[%dma_start3A_851, %dma_start3A_860] : memref<2x800xi32, #tpu.memory_space<vmem>> -> memref<1x800xi32, #tpu.memory_space<vmem>>
        %dma_start3A_862 = tpu.memref_squeeze %dma_start3A_861 : memref<1x800xi32, #tpu.memory_space<vmem>> -> memref<800xi32, #tpu.memory_space<vmem>>
        %dma_start3A_863 = arith.constant 0 : i32
        %dma_start3A_864 = tpu.memref_slice %dma_start3A_862[%dma_start3A_863] : memref<800xi32, #tpu.memory_space<vmem>> -> memref<128xi32, #tpu.memory_space<vmem>>
        %dma_start3A_865 = arith.constant 0 : i32
        %dma_start3A_866 = arith.constant 0 : i32
        %dma_start3A_867 = tpu.memref_slice %arg3[%dma_start3A_865, %dma_start3A_866] : memref<1000000x64xf32, #tpu.memory_space<hbm>> -> memref<1000000x64xf32, #tpu.memory_space<hbm>>
        tpu.enqueue_indirect_dma source(%dma_start3A_867 : memref<1000000x64xf32, #tpu.memory_space<hbm>>) target(%dma_start3A_859 : memref<128x64xf32, #tpu.memory_space<vmem>>) offsets(%dma_start3A_864 : memref<128xi32, #tpu.memory_space<vmem>>) semaphore(%arg10 : memref<!tpu.dma_semaphore, #tpu.memory_space<semaphore_mem>>)
        %dma_start3A_868 = arith.constant 0 : i32
        %dma_start3A_869 = arith.constant 0 : i32
        %dma_start3A_870 = arith.constant 0 : i32
        %dma_start3A_871 = arith.constant 0 : i32
        %dma_start3A_872 = tpu.memref_slice %arg6[%dma_start3A_869, %dma_start3A_870, %dma_start3A_871] : memref<2x800x64xf32, #tpu.memory_space<vmem>> -> memref<1x800x64xf32, #tpu.memory_space<vmem>>
        %dma_start3A_873 = tpu.memref_squeeze %dma_start3A_872 : memref<1x800x64xf32, #tpu.memory_space<vmem>> -> memref<800x64xf32, #tpu.memory_space<vmem>>
        %dma_start3A_874 = arith.constant 128 : i32
        %dma_start3A_875 = arith.constant 0 : i32
        %dma_start3A_876 = tpu.memref_slice %dma_start3A_873[%dma_start3A_874, %dma_start3A_875] : memref<800x64xf32, #tpu.memory_space<vmem>> -> memref<72x64xf32, #tpu.memory_space<vmem>>
        %dma_start3A_877 = arith.constant 0 : i32
        %dma_start3A_878 = tpu.memref_slice %arg5[%dma_start3A_868, %dma_start3A_877] : memref<2x800xi32, #tpu.memory_space<vmem>> -> memref<1x800xi32, #tpu.memory_space<vmem>>
        %dma_start3A_879 = tpu.memref_squeeze %dma_start3A_878 : memref<1x800xi32, #tpu.memory_space<vmem>> -> memref<800xi32, #tpu.memory_space<vmem>>
        %dma_start3A_880 = arith.constant 128 : i32
        %dma_start3A_881 = tpu.memref_slice %dma_start3A_879[%dma_start3A_880] : memref<800xi32, #tpu.memory_space<vmem>> -> memref<72xi32, #tpu.memory_space<vmem>>
        %dma_start3A_882 = arith.constant 0 : i32
        %dma_start3A_883 = arith.constant 0 : i32
        %dma_start3A_884 = tpu.memref_slice %arg3[%dma_start3A_882, %dma_start3A_883] : memref<1000000x64xf32, #tpu.memory_space<hbm>> -> memref<1000000x64xf32, #tpu.memory_space<hbm>>
        tpu.enqueue_indirect_dma source(%dma_start3A_884 : memref<1000000x64xf32, #tpu.memory_space<hbm>>) target(%dma_start3A_876 : memref<72x64xf32, #tpu.memory_space<vmem>>) offsets(%dma_start3A_881 : memref<72xi32, #tpu.memory_space<vmem>>) semaphore(%arg10 : memref<!tpu.dma_semaphore, #tpu.memory_space<semaphore_mem>>)
        %dma_start3A_885 = arith.constant 0 : i32
        %dma_start3A_886 = arith.constant 0 : i32
        %dma_start3A_887 = arith.constant 0 : i32
        %dma_start3A_888 = arith.constant 0 : i32
        %dma_start3A_889 = tpu.memref_slice %arg6[%dma_start3A_886, %dma_start3A_887, %dma_start3A_888] : memref<2x800x64xf32, #tpu.memory_space<vmem>> -> memref<1x800x64xf32, #tpu.memory_space<vmem>>
        %dma_start3A_890 = tpu.memref_squeeze %dma_start3A_889 : memref<1x800x64xf32, #tpu.memory_space<vmem>> -> memref<800x64xf32, #tpu.memory_space<vmem>>
        %dma_start3A_891 = arith.constant 200 : i32
        %dma_start3A_892 = arith.constant 0 : i32
        %dma_start3A_893 = tpu.memref_slice %dma_start3A_890[%dma_start3A_891, %dma_start3A_892] : memref<800x64xf32, #tpu.memory_space<vmem>> -> memref<128x64xf32, #tpu.memory_space<vmem>>
        %dma_start3A_894 = arith.constant 0 : i32
        %dma_start3A_895 = tpu.memref_slice %arg5[%dma_start3A_885, %dma_start3A_894] : memref<2x800xi32, #tpu.memory_space<vmem>> -> memref<1x800xi32, #tpu.memory_space<vmem>>
        %dma_start3A_896 = tpu.memref_squeeze %dma_start3A_895 : memref<1x800xi32, #tpu.memory_space<vmem>> -> memref<800xi32, #tpu.memory_space<vmem>>
        %dma_start3A_897 = arith.constant 200 : i32
        %dma_start3A_898 = tpu.memref_slice %dma_start3A_896[%dma_start3A_897] : memref<800xi32, #tpu.memory_space<vmem>> -> memref<128xi32, #tpu.memory_space<vmem>>
        %dma_start3A_899 = arith.constant 0 : i32
        %dma_start3A_900 = arith.constant 0 : i32
        %dma_start3A_901 = tpu.memref_slice %arg3[%dma_start3A_899, %dma_start3A_900] : memref<1000000x64xf32, #tpu.memory_space<hbm>> -> memref<1000000x64xf32, #tpu.memory_space<hbm>>
        tpu.enqueue_indirect_dma source(%dma_start3A_901 : memref<1000000x64xf32, #tpu.memory_space<hbm>>) target(%dma_start3A_893 : memref<128x64xf32, #tpu.memory_space<vmem>>) offsets(%dma_start3A_898 : memref<128xi32, #tpu.memory_space<vmem>>) semaphore(%arg10 : memref<!tpu.dma_semaphore, #tpu.memory_space<semaphore_mem>>)
        %dma_start3A_902 = arith.constant 0 : i32
        %dma_start3A_903 = arith.constant 0 : i32
        %dma_start3A_904 = arith.constant 0 : i32
        %dma_start3A_905 = arith.constant 0 : i32
        %dma_start3A_906 = tpu.memref_slice %arg6[%dma_start3A_903, %dma_start3A_904, %dma_start3A_905] : memref<2x800x64xf32, #tpu.memory_space<vmem>> -> memref<1x800x64xf32, #tpu.memory_space<vmem>>
        %dma_start3A_907 = tpu.memref_squeeze %dma_start3A_906 : memref<1x800x64xf32, #tpu.memory_space<vmem>> -> memref<800x64xf32, #tpu.memory_space<vmem>>
        %dma_start3A_908 = arith.constant 328 : i32
        %dma_start3A_909 = arith.constant 0 : i32
        %dma_start3A_910 = tpu.memref_slice %dma_start3A_907[%dma_start3A_908, %dma_start3A_909] : memref<800x64xf32, #tpu.memory_space<vmem>> -> memref<72x64xf32, #tpu.memory_space<vmem>>
        %dma_start3A_911 = arith.constant 0 : i32
        %dma_start3A_912 = tpu.memref_slice %arg5[%dma_start3A_902, %dma_start3A_911] : memref<2x800xi32, #tpu.memory_space<vmem>> -> memref<1x800xi32, #tpu.memory_space<vmem>>
        %dma_start3A_913 = tpu.memref_squeeze %dma_start3A_912 : memref<1x800xi32, #tpu.memory_space<vmem>> -> memref<800xi32, #tpu.memory_space<vmem>>
        %dma_start3A_914 = arith.constant 328 : i32
        %dma_start3A_915 = tpu.memref_slice %dma_start3A_913[%dma_start3A_914] : memref<800xi32, #tpu.memory_space<vmem>> -> memref<72xi32, #tpu.memory_space<vmem>>
        %dma_start3A_916 = arith.constant 0 : i32
        %dma_start3A_917 = arith.constant 0 : i32
        %dma_start3A_918 = tpu.memref_slice %arg3[%dma_start3A_916, %dma_start3A_917] : memref<1000000x64xf32, #tpu.memory_space<hbm>> -> memref<1000000x64xf32, #tpu.memory_space<hbm>>
        tpu.enqueue_indirect_dma source(%dma_start3A_918 : memref<1000000x64xf32, #tpu.memory_space<hbm>>) target(%dma_start3A_910 : memref<72x64xf32, #tpu.memory_space<vmem>>) offsets(%dma_start3A_915 : memref<72xi32, #tpu.memory_space<vmem>>) semaphore(%arg10 : memref<!tpu.dma_semaphore, #tpu.memory_space<semaphore_mem>>)
        %dma_start3A_919 = arith.constant 0 : i32
        %dma_start3A_920 = arith.constant 0 : i32
        %dma_start3A_921 = arith.constant 0 : i32
        %dma_start3A_922 = arith.constant 0 : i32
        %dma_start3A_923 = tpu.memref_slice %arg6[%dma_start3A_920, %dma_start3A_921, %dma_start3A_922] : memref<2x800x64xf32, #tpu.memory_space<vmem>> -> memref<1x800x64xf32, #tpu.memory_space<vmem>>
        %dma_start3A_924 = tpu.memref_squeeze %dma_start3A_923 : memref<1x800x64xf32, #tpu.memory_space<vmem>> -> memref<800x64xf32, #tpu.memory_space<vmem>>
        %dma_start3A_925 = arith.constant 400 : i32
        %dma_start3A_926 = arith.constant 0 : i32
        %dma_start3A_927 = tpu.memref_slice %dma_start3A_924[%dma_start3A_925, %dma_start3A_926] : memref<800x64xf32, #tpu.memory_space<vmem>> -> memref<128x64xf32, #tpu.memory_space<vmem>>
        %dma_start3A_928 = arith.constant 0 : i32
        %dma_start3A_929 = tpu.memref_slice %arg5[%dma_start3A_919, %dma_start3A_928] : memref<2x800xi32, #tpu.memory_space<vmem>> -> memref<1x800xi32, #tpu.memory_space<vmem>>
        %dma_start3A_930 = tpu.memref_squeeze %dma_start3A_929 : memref<1x800xi32, #tpu.memory_space<vmem>> -> memref<800xi32, #tpu.memory_space<vmem>>
        %dma_start3A_931 = arith.constant 400 : i32
        %dma_start3A_932 = tpu.memref_slice %dma_start3A_930[%dma_start3A_931] : memref<800xi32, #tpu.memory_space<vmem>> -> memref<128xi32, #tpu.memory_space<vmem>>
        %dma_start3A_933 = arith.constant 0 : i32
        %dma_start3A_934 = arith.constant 0 : i32
        %dma_start3A_935 = tpu.memref_slice %arg3[%dma_start3A_933, %dma_start3A_934] : memref<1000000x64xf32, #tpu.memory_space<hbm>> -> memref<1000000x64xf32, #tpu.memory_space<hbm>>
        tpu.enqueue_indirect_dma source(%dma_start3A_935 : memref<1000000x64xf32, #tpu.memory_space<hbm>>) target(%dma_start3A_927 : memref<128x64xf32, #tpu.memory_space<vmem>>) offsets(%dma_start3A_932 : memref<128xi32, #tpu.memory_space<vmem>>) semaphore(%arg10 : memref<!tpu.dma_semaphore, #tpu.memory_space<semaphore_mem>>)
        %dma_start3A_936 = arith.constant 0 : i32
        %dma_start3A_937 = arith.constant 0 : i32
        %dma_start3A_938 = arith.constant 0 : i32
        %dma_start3A_939 = arith.constant 0 : i32
        %dma_start3A_940 = tpu.memref_slice %arg6[%dma_start3A_937, %dma_start3A_938, %dma_start3A_939] : memref<2x800x64xf32, #tpu.memory_space<vmem>> -> memref<1x800x64xf32, #tpu.memory_space<vmem>>
        %dma_start3A_941 = tpu.memref_squeeze %dma_start3A_940 : memref<1x800x64xf32, #tpu.memory_space<vmem>> -> memref<800x64xf32, #tpu.memory_space<vmem>>
        %dma_start3A_942 = arith.constant 528 : i32
        %dma_start3A_943 = arith.constant 0 : i32
        %dma_start3A_944 = tpu.memref_slice %dma_start3A_941[%dma_start3A_942, %dma_start3A_943] : memref<800x64xf32, #tpu.memory_space<vmem>> -> memref<72x64xf32, #tpu.memory_space<vmem>>
        %dma_start3A_945 = arith.constant 0 : i32
        %dma_start3A_946 = tpu.memref_slice %arg5[%dma_start3A_936, %dma_start3A_945] : memref<2x800xi32, #tpu.memory_space<vmem>> -> memref<1x800xi32, #tpu.memory_space<vmem>>
        %dma_start3A_947 = tpu.memref_squeeze %dma_start3A_946 : memref<1x800xi32, #tpu.memory_space<vmem>> -> memref<800xi32, #tpu.memory_space<vmem>>
        %dma_start3A_948 = arith.constant 528 : i32
        %dma_start3A_949 = tpu.memref_slice %dma_start3A_947[%dma_start3A_948] : memref<800xi32, #tpu.memory_space<vmem>> -> memref<72xi32, #tpu.memory_space<vmem>>
        %dma_start3A_950 = arith.constant 0 : i32
        %dma_start3A_951 = arith.constant 0 : i32
        %dma_start3A_952 = tpu.memref_slice %arg3[%dma_start3A_950, %dma_start3A_951] : memref<1000000x64xf32, #tpu.memory_space<hbm>> -> memref<1000000x64xf32, #tpu.memory_space<hbm>>
        tpu.enqueue_indirect_dma source(%dma_start3A_952 : memref<1000000x64xf32, #tpu.memory_space<hbm>>) target(%dma_start3A_944 : memref<72x64xf32, #tpu.memory_space<vmem>>) offsets(%dma_start3A_949 : memref<72xi32, #tpu.memory_space<vmem>>) semaphore(%arg10 : memref<!tpu.dma_semaphore, #tpu.memory_space<semaphore_mem>>)
        %dma_start3A_953 = arith.constant 0 : i32
        %dma_start3A_954 = arith.constant 0 : i32
        %dma_start3A_955 = arith.constant 0 : i32
        %dma_start3A_956 = arith.constant 0 : i32
        %dma_start3A_957 = tpu.memref_slice %arg6[%dma_start3A_954, %dma_start3A_955, %dma_start3A_956] : memref<2x800x64xf32, #tpu.memory_space<vmem>> -> memref<1x800x64xf32, #tpu.memory_space<vmem>>
        %dma_start3A_958 = tpu.memref_squeeze %dma_start3A_957 : memref<1x800x64xf32, #tpu.memory_space<vmem>> -> memref<800x64xf32, #tpu.memory_space<vmem>>
        %dma_start3A_959 = arith.constant 600 : i32
        %dma_start3A_960 = arith.constant 0 : i32
        %dma_start3A_961 = tpu.memref_slice %dma_start3A_958[%dma_start3A_959, %dma_start3A_960] : memref<800x64xf32, #tpu.memory_space<vmem>> -> memref<128x64xf32, #tpu.memory_space<vmem>>
        %dma_start3A_962 = arith.constant 0 : i32
        %dma_start3A_963 = tpu.memref_slice %arg5[%dma_start3A_953, %dma_start3A_962] : memref<2x800xi32, #tpu.memory_space<vmem>> -> memref<1x800xi32, #tpu.memory_space<vmem>>
        %dma_start3A_964 = tpu.memref_squeeze %dma_start3A_963 : memref<1x800xi32, #tpu.memory_space<vmem>> -> memref<800xi32, #tpu.memory_space<vmem>>
        %dma_start3A_965 = arith.constant 600 : i32
        %dma_start3A_966 = tpu.memref_slice %dma_start3A_964[%dma_start3A_965] : memref<800xi32, #tpu.memory_space<vmem>> -> memref<128xi32, #tpu.memory_space<vmem>>
        %dma_start3A_967 = arith.constant 0 : i32
        %dma_start3A_968 = arith.constant 0 : i32
        %dma_start3A_969 = tpu.memref_slice %arg3[%dma_start3A_967, %dma_start3A_968] : memref<1000000x64xf32, #tpu.memory_space<hbm>> -> memref<1000000x64xf32, #tpu.memory_space<hbm>>
        tpu.enqueue_indirect_dma source(%dma_start3A_969 : memref<1000000x64xf32, #tpu.memory_space<hbm>>) target(%dma_start3A_961 : memref<128x64xf32, #tpu.memory_space<vmem>>) offsets(%dma_start3A_966 : memref<128xi32, #tpu.memory_space<vmem>>) semaphore(%arg10 : memref<!tpu.dma_semaphore, #tpu.memory_space<semaphore_mem>>)
        %dma_start3A_970 = arith.constant 0 : i32
        %dma_start3A_971 = arith.constant 0 : i32
        %dma_start3A_972 = arith.constant 0 : i32
        %dma_start3A_973 = arith.constant 0 : i32
        %dma_start3A_974 = tpu.memref_slice %arg6[%dma_start3A_971, %dma_start3A_972, %dma_start3A_973] : memref<2x800x64xf32, #tpu.memory_space<vmem>> -> memref<1x800x64xf32, #tpu.memory_space<vmem>>
        %dma_start3A_975 = tpu.memref_squeeze %dma_start3A_974 : memref<1x800x64xf32, #tpu.memory_space<vmem>> -> memref<800x64xf32, #tpu.memory_space<vmem>>
        %dma_start3A_976 = arith.constant 728 : i32
        %dma_start3A_977 = arith.constant 0 : i32
        %dma_start3A_978 = tpu.memref_slice %dma_start3A_975[%dma_start3A_976, %dma_start3A_977] : memref<800x64xf32, #tpu.memory_space<vmem>> -> memref<72x64xf32, #tpu.memory_space<vmem>>
        %dma_start3A_979 = arith.constant 0 : i32
        %dma_start3A_980 = tpu.memref_slice %arg5[%dma_start3A_970, %dma_start3A_979] : memref<2x800xi32, #tpu.memory_space<vmem>> -> memref<1x800xi32, #tpu.memory_space<vmem>>
        %dma_start3A_981 = tpu.memref_squeeze %dma_start3A_980 : memref<1x800xi32, #tpu.memory_space<vmem>> -> memref<800xi32, #tpu.memory_space<vmem>>
        %dma_start3A_982 = arith.constant 728 : i32
        %dma_start3A_983 = tpu.memref_slice %dma_start3A_981[%dma_start3A_982] : memref<800xi32, #tpu.memory_space<vmem>> -> memref<72xi32, #tpu.memory_space<vmem>>
        %dma_start3A_984 = arith.constant 0 : i32
        %dma_start3A_985 = arith.constant 0 : i32
        %dma_start3A_986 = tpu.memref_slice %arg3[%dma_start3A_984, %dma_start3A_985] : memref<1000000x64xf32, #tpu.memory_space<hbm>> -> memref<1000000x64xf32, #tpu.memory_space<hbm>>
        tpu.enqueue_indirect_dma source(%dma_start3A_986 : memref<1000000x64xf32, #tpu.memory_space<hbm>>) target(%dma_start3A_978 : memref<72x64xf32, #tpu.memory_space<vmem>>) offsets(%dma_start3A_983 : memref<72xi32, #tpu.memory_space<vmem>>) semaphore(%arg10 : memref<!tpu.dma_semaphore, #tpu.memory_space<semaphore_mem>>)
      } else {
      }
      %mul3A_594 = arith.constant 2 : i32
      %mul3A_595 = arith.muli %scan3A_353, %mul3A_594 : i32
      %add3A_596 = arith.constant 1 : i32
      %add3A_597 = arith.addi %mul3A_595, %add3A_596 : i32
      %dma_wait3A_598 = arith.constant 1 : i32
      %dma_wait3A_599 = arith.constant 0 : i32
      %dma_wait3A_600 = arith.constant 0 : i32
      %dma_wait3A_601 = tpu.memref_slice %arg6[%dma_wait3A_598, %dma_wait3A_599, %dma_wait3A_600] : memref<2x800x64xf32, #tpu.memory_space<vmem>> -> memref<1x800x64xf32, #tpu.memory_space<vmem>>
      %dma_wait3A_602 = tpu.memref_squeeze %dma_wait3A_601 : memref<1x800x64xf32, #tpu.memory_space<vmem>> -> memref<800x64xf32, #tpu.memory_space<vmem>>
      %dma_wait3A_603 = arith.constant 0 : i32
      %dma_wait3A_604 = arith.constant 0 : i32
      %dma_wait3A_605 = tpu.memref_slice %arg3[%dma_wait3A_603, %dma_wait3A_604] : memref<1000000x64xf32, #tpu.memory_space<hbm>> -> memref<800x64xf32, #tpu.memory_space<hbm>>
      %dma_wait3A_606 = arith.constant 0 : i32
      %dma_wait3A_607 = arith.constant 0 : i32
      %dma_wait3A_608 = tpu.memref_slice %arg6[%dma_wait3A_598, %dma_wait3A_606, %dma_wait3A_607] : memref<2x800x64xf32, #tpu.memory_space<vmem>> -> memref<1x800x64xf32, #tpu.memory_space<vmem>>
      %dma_wait3A_609 = tpu.memref_squeeze %dma_wait3A_608 : memref<1x800x64xf32, #tpu.memory_space<vmem>> -> memref<800x64xf32, #tpu.memory_space<vmem>>
      %dma_wait3A_610 = arith.constant 0 : i32
      %dma_wait3A_611 = arith.constant 0 : i32
      %dma_wait3A_612 = tpu.memref_slice %arg3[%dma_wait3A_610, %dma_wait3A_611] : memref<1000000x64xf32, #tpu.memory_space<hbm>> -> memref<800x64xf32, #tpu.memory_space<hbm>>
      tpu.wait_dma2 semaphore(%arg11 : memref<!tpu.dma_semaphore, #tpu.memory_space<semaphore_mem>>) src(%dma_wait3A_612 : memref<800x64xf32, #tpu.memory_space<hbm>>) dst(%dma_wait3A_609 : memref<800x64xf32, #tpu.memory_space<vmem>>)
      %add3A_613 = arith.constant 2 : i32
      %add3A_614 = arith.addi %add3A_597, %add3A_613 : i32
      %lt3A_615 = arith.constant 128 : i32
      %lt3A_616 = arith.cmpi slt, %add3A_614, %lt3A_615 : i32
      %convert_element_type3A_617 = arith.extui %lt3A_616 : i1 to i32
      %cond3A_618 = arith.constant 0 : i32
      %cond3A_619 = arith.cmpi ne, %convert_element_type3A_617, %cond3A_618 : i32
      scf.if %cond3A_619 {
        %add3A_840 = arith.constant 2 : i32
        %add3A_841 = arith.addi %add3A_597, %add3A_840 : i32
        %mul3A_842 = arith.constant 4 : i32
        %mul3A_843 = arith.muli %add3A_841, %mul3A_842 : i32
        %add3A_844 = arith.addi %mul3A_2, %mul3A_843 : i32
        %mul3A_845 = arith.constant 200 : i32
        %mul3A_846 = arith.muli %add3A_844, %mul3A_845 : i32
        %dma_start3A_847 = arith.constant 1 : i32
        %dma_start3A_848 = arith.constant 0 : i32
        %dma_start3A_849 = tpu.memref_slice %arg5[%dma_start3A_847, %dma_start3A_848] : memref<2x800xi32, #tpu.memory_space<vmem>> -> memref<1x800xi32, #tpu.memory_space<vmem>>
        %dma_start3A_850 = tpu.memref_squeeze %dma_start3A_849 : memref<1x800xi32, #tpu.memory_space<vmem>> -> memref<800xi32, #tpu.memory_space<vmem>>
        %dma_start3A_851 = tpu.memref_slice %arg2[%mul3A_846] : memref<3276800xi32, #tpu.memory_space<hbm>> -> memref<800xi32, #tpu.memory_space<hbm>>
        %dma_start3A_852 = arith.constant 0 : i32
        %dma_start3A_853 = tpu.memref_slice %arg5[%dma_start3A_847, %dma_start3A_852] : memref<2x800xi32, #tpu.memory_space<vmem>> -> memref<1x800xi32, #tpu.memory_space<vmem>>
        %dma_start3A_854 = tpu.memref_squeeze %dma_start3A_853 : memref<1x800xi32, #tpu.memory_space<vmem>> -> memref<800xi32, #tpu.memory_space<vmem>>
        %dma_start3A_855 = tpu.memref_slice %arg2[%mul3A_846] : memref<3276800xi32, #tpu.memory_space<hbm>> -> memref<800xi32, #tpu.memory_space<hbm>>
        tpu.enqueue_dma source(%dma_start3A_855 : memref<800xi32, #tpu.memory_space<hbm>>) target(%dma_start3A_854 : memref<800xi32, #tpu.memory_space<vmem>>) target_semaphore(%arg9 : memref<!tpu.dma_semaphore, #tpu.memory_space<semaphore_mem>>)
      } else {
      }
      %broadcast_in_dim3A_620 = arith.constant 0.000000e+00 : f32
      %broadcast_in_dim3A_621 = vector.broadcast %broadcast_in_dim3A_620 : f32 to vector<16xf32>
      %scan3A_622 = arith.constant 0 : i32
      %scan3A_623 = arith.constant 50 : i32
      %scan3A_624 = arith.addi %scan3A_622, %scan3A_623 : i32
      %scan3A_625 = arith.constant 1 : i32
      %scan3A_626:8 = scf.for %scan3A_840 = %scan3A_622 to %scan3A_624 step %scan3A_625 iter_args(%scan3A_841 = %broadcast_in_dim3A_621, %scan3A_842 = %broadcast_in_dim3A_621, %scan3A_843 = %broadcast_in_dim3A_621, %scan3A_844 = %broadcast_in_dim3A_621, %scan3A_845 = %broadcast_in_dim3A_621, %scan3A_846 = %broadcast_in_dim3A_621, %scan3A_847 = %broadcast_in_dim3A_621, %scan3A_848 = %broadcast_in_dim3A_621) -> (vector<16xf32>, vector<16xf32>, vector<16xf32>, vector<16xf32>, vector<16xf32>, vector<16xf32>, vector<16xf32>, vector<16xf32>)  : i32 {
        %mul3A_849 = arith.constant 4 : i32
        %mul3A_850 = arith.muli %scan3A_840, %mul3A_849 : i32
        %add3A_851 = arith.constant 0 : i32
        %add3A_852 = arith.addi %add3A_851, %mul3A_850 : i32
        %add3A_853 = arith.constant 0 : i32
        %add3A_854 = arith.addi %add3A_852, %add3A_853 : i32
        %get3A = arith.constant 1 : i32
        %get3A_855 = arith.index_cast %get3A : i32 to index
        %get3A_856 = arith.index_cast %add3A_854 : i32 to index
        %get3A_857 = arith.constant 0 : index
        %get3A_858 = tpu.vector_load %arg6[%get3A_855, %get3A_856, %get3A_857] {strides = array<i32>} : memref<2x800x64xf32, #tpu.memory_space<vmem>>, vector<1x1x16xf32>,
        %get3A_859 = vector.shape_cast %get3A_858 : vector<1x1x16xf32> to vector<16xf32>
        %add3A_860 = arith.addf %scan3A_841, %get3A_859 : vector<16xf32>
        %add3A_861 = arith.constant 0 : i32
        %add3A_862 = arith.addi %add3A_852, %add3A_861 : i32
        %get3A_863 = arith.constant 1 : i32
        %get3A_864 = arith.index_cast %get3A_863 : i32 to index
        %get3A_865 = arith.index_cast %add3A_862 : i32 to index
        %get3A_866 = arith.constant 16 : index
        %get3A_867 = tpu.vector_load %arg6[%get3A_864, %get3A_865, %get3A_866] {strides = array<i32>} : memref<2x800x64xf32, #tpu.memory_space<vmem>>, vector<1x1x16xf32>,
        %get3A_868 = vector.shape_cast %get3A_867 : vector<1x1x16xf32> to vector<16xf32>
        %add3A_869 = arith.addf %scan3A_842, %get3A_868 : vector<16xf32>
        %add3A_870 = arith.constant 0 : i32
        %add3A_871 = arith.addi %add3A_852, %add3A_870 : i32
        %get3A_872 = arith.constant 1 : i32
        %get3A_873 = arith.index_cast %get3A_872 : i32 to index
        %get3A_874 = arith.index_cast %add3A_871 : i32 to index
        %get3A_875 = arith.constant 32 : index
        %get3A_876 = tpu.vector_load %arg6[%get3A_873, %get3A_874, %get3A_875] {strides = array<i32>} : memref<2x800x64xf32, #tpu.memory_space<vmem>>, vector<1x1x16xf32>,
        %get3A_877 = vector.shape_cast %get3A_876 : vector<1x1x16xf32> to vector<16xf32>
        %add3A_878 = arith.addf %scan3A_843, %get3A_877 : vector<16xf32>
        %add3A_879 = arith.constant 0 : i32
        %add3A_880 = arith.addi %add3A_852, %add3A_879 : i32
        %get3A_881 = arith.constant 1 : i32
        %get3A_882 = arith.index_cast %get3A_881 : i32 to index
        %get3A_883 = arith.index_cast %add3A_880 : i32 to index
        %get3A_884 = arith.constant 48 : index
        %get3A_885 = tpu.vector_load %arg6[%get3A_882, %get3A_883, %get3A_884] {strides = array<i32>} : memref<2x800x64xf32, #tpu.memory_space<vmem>>, vector<1x1x16xf32>,
        %get3A_886 = vector.shape_cast %get3A_885 : vector<1x1x16xf32> to vector<16xf32>
        %add3A_887 = arith.addf %scan3A_844, %get3A_886 : vector<16xf32>
        %add3A_888 = arith.constant 1 : i32
        %add3A_889 = arith.addi %add3A_852, %add3A_888 : i32
        %get3A_890 = arith.constant 1 : i32
        %get3A_891 = arith.index_cast %get3A_890 : i32 to index
        %get3A_892 = arith.index_cast %add3A_889 : i32 to index
        %get3A_893 = arith.constant 0 : index
        %get3A_894 = tpu.vector_load %arg6[%get3A_891, %get3A_892, %get3A_893] {strides = array<i32>} : memref<2x800x64xf32, #tpu.memory_space<vmem>>, vector<1x1x16xf32>,
        %get3A_895 = vector.shape_cast %get3A_894 : vector<1x1x16xf32> to vector<16xf32>
        %add3A_896 = arith.addf %scan3A_845, %get3A_895 : vector<16xf32>
        %add3A_897 = arith.constant 1 : i32
        %add3A_898 = arith.addi %add3A_852, %add3A_897 : i32
        %get3A_899 = arith.constant 1 : i32
        %get3A_900 = arith.index_cast %get3A_899 : i32 to index
        %get3A_901 = arith.index_cast %add3A_898 : i32 to index
        %get3A_902 = arith.constant 16 : index
        %get3A_903 = tpu.vector_load %arg6[%get3A_900, %get3A_901, %get3A_902] {strides = array<i32>} : memref<2x800x64xf32, #tpu.memory_space<vmem>>, vector<1x1x16xf32>,
        %get3A_904 = vector.shape_cast %get3A_903 : vector<1x1x16xf32> to vector<16xf32>
        %add3A_905 = arith.addf %scan3A_846, %get3A_904 : vector<16xf32>
        %add3A_906 = arith.constant 1 : i32
        %add3A_907 = arith.addi %add3A_852, %add3A_906 : i32
        %get3A_908 = arith.constant 1 : i32
        %get3A_909 = arith.index_cast %get3A_908 : i32 to index
        %get3A_910 = arith.index_cast %add3A_907 : i32 to index
        %get3A_911 = arith.constant 32 : index
        %get3A_912 = tpu.vector_load %arg6[%get3A_909, %get3A_910, %get3A_911] {strides = array<i32>} : memref<2x800x64xf32, #tpu.memory_space<vmem>>, vector<1x1x16xf32>,
        %get3A_913 = vector.shape_cast %get3A_912 : vector<1x1x16xf32> to vector<16xf32>
        %add3A_914 = arith.addf %scan3A_847, %get3A_913 : vector<16xf32>
        %add3A_915 = arith.constant 1 : i32
        %add3A_916 = arith.addi %add3A_852, %add3A_915 : i32
        %get3A_917 = arith.constant 1 : i32
        %get3A_918 = arith.index_cast %get3A_917 : i32 to index
        %get3A_919 = arith.index_cast %add3A_916 : i32 to index
        %get3A_920 = arith.constant 48 : index
        %get3A_921 = tpu.vector_load %arg6[%get3A_918, %get3A_919, %get3A_920] {strides = array<i32>} : memref<2x800x64xf32, #tpu.memory_space<vmem>>, vector<1x1x16xf32>,
        %get3A_922 = vector.shape_cast %get3A_921 : vector<1x1x16xf32> to vector<16xf32>
        %add3A_923 = arith.addf %scan3A_848, %get3A_922 : vector<16xf32>
        %add3A_924 = arith.constant 2 : i32
        %add3A_925 = arith.addi %add3A_852, %add3A_924 : i32
        %get3A_926 = arith.constant 1 : i32
        %get3A_927 = arith.index_cast %get3A_926 : i32 to index
        %get3A_928 = arith.index_cast %add3A_925 : i32 to index
        %get3A_929 = arith.constant 0 : index
        %get3A_930 = tpu.vector_load %arg6[%get3A_927, %get3A_928, %get3A_929] {strides = array<i32>} : memref<2x800x64xf32, #tpu.memory_space<vmem>>, vector<1x1x16xf32>,
        %get3A_931 = vector.shape_cast %get3A_930 : vector<1x1x16xf32> to vector<16xf32>
        %add3A_932 = arith.addf %add3A_860, %get3A_931 : vector<16xf32>
        %add3A_933 = arith.constant 2 : i32
        %add3A_934 = arith.addi %add3A_852, %add3A_933 : i32
        %get3A_935 = arith.constant 1 : i32
        %get3A_936 = arith.index_cast %get3A_935 : i32 to index
        %get3A_937 = arith.index_cast %add3A_934 : i32 to index
        %get3A_938 = arith.constant 16 : index
        %get3A_939 = tpu.vector_load %arg6[%get3A_936, %get3A_937, %get3A_938] {strides = array<i32>} : memref<2x800x64xf32, #tpu.memory_space<vmem>>, vector<1x1x16xf32>,
        %get3A_940 = vector.shape_cast %get3A_939 : vector<1x1x16xf32> to vector<16xf32>
        %add3A_941 = arith.addf %add3A_869, %get3A_940 : vector<16xf32>
        %add3A_942 = arith.constant 2 : i32
        %add3A_943 = arith.addi %add3A_852, %add3A_942 : i32
        %get3A_944 = arith.constant 1 : i32
        %get3A_945 = arith.index_cast %get3A_944 : i32 to index
        %get3A_946 = arith.index_cast %add3A_943 : i32 to index
        %get3A_947 = arith.constant 32 : index
        %get3A_948 = tpu.vector_load %arg6[%get3A_945, %get3A_946, %get3A_947] {strides = array<i32>} : memref<2x800x64xf32, #tpu.memory_space<vmem>>, vector<1x1x16xf32>,
        %get3A_949 = vector.shape_cast %get3A_948 : vector<1x1x16xf32> to vector<16xf32>
        %add3A_950 = arith.addf %add3A_878, %get3A_949 : vector<16xf32>
        %add3A_951 = arith.constant 2 : i32
        %add3A_952 = arith.addi %add3A_852, %add3A_951 : i32
        %get3A_953 = arith.constant 1 : i32
        %get3A_954 = arith.index_cast %get3A_953 : i32 to index
        %get3A_955 = arith.index_cast %add3A_952 : i32 to index
        %get3A_956 = arith.constant 48 : index
        %get3A_957 = tpu.vector_load %arg6[%get3A_954, %get3A_955, %get3A_956] {strides = array<i32>} : memref<2x800x64xf32, #tpu.memory_space<vmem>>, vector<1x1x16xf32>,
        %get3A_958 = vector.shape_cast %get3A_957 : vector<1x1x16xf32> to vector<16xf32>
        %add3A_959 = arith.addf %add3A_887, %get3A_958 : vector<16xf32>
        %add3A_960 = arith.constant 3 : i32
        %add3A_961 = arith.addi %add3A_852, %add3A_960 : i32
        %get3A_962 = arith.constant 1 : i32
        %get3A_963 = arith.index_cast %get3A_962 : i32 to index
        %get3A_964 = arith.index_cast %add3A_961 : i32 to index
        %get3A_965 = arith.constant 0 : index
        %get3A_966 = tpu.vector_load %arg6[%get3A_963, %get3A_964, %get3A_965] {strides = array<i32>} : memref<2x800x64xf32, #tpu.memory_space<vmem>>, vector<1x1x16xf32>,
        %get3A_967 = vector.shape_cast %get3A_966 : vector<1x1x16xf32> to vector<16xf32>
        %add3A_968 = arith.addf %add3A_896, %get3A_967 : vector<16xf32>
        %add3A_969 = arith.constant 3 : i32
        %add3A_970 = arith.addi %add3A_852, %add3A_969 : i32
        %get3A_971 = arith.constant 1 : i32
        %get3A_972 = arith.index_cast %get3A_971 : i32 to index
        %get3A_973 = arith.index_cast %add3A_970 : i32 to index
        %get3A_974 = arith.constant 16 : index
        %get3A_975 = tpu.vector_load %arg6[%get3A_972, %get3A_973, %get3A_974] {strides = array<i32>} : memref<2x800x64xf32, #tpu.memory_space<vmem>>, vector<1x1x16xf32>,
        %get3A_976 = vector.shape_cast %get3A_975 : vector<1x1x16xf32> to vector<16xf32>
        %add3A_977 = arith.addf %add3A_905, %get3A_976 : vector<16xf32>
        %add3A_978 = arith.constant 3 : i32
        %add3A_979 = arith.addi %add3A_852, %add3A_978 : i32
        %get3A_980 = arith.constant 1 : i32
        %get3A_981 = arith.index_cast %get3A_980 : i32 to index
        %get3A_982 = arith.index_cast %add3A_979 : i32 to index
        %get3A_983 = arith.constant 32 : index
        %get3A_984 = tpu.vector_load %arg6[%get3A_981, %get3A_982, %get3A_983] {strides = array<i32>} : memref<2x800x64xf32, #tpu.memory_space<vmem>>, vector<1x1x16xf32>,
        %get3A_985 = vector.shape_cast %get3A_984 : vector<1x1x16xf32> to vector<16xf32>
        %add3A_986 = arith.addf %add3A_914, %get3A_985 : vector<16xf32>
        %add3A_987 = arith.constant 3 : i32
        %add3A_988 = arith.addi %add3A_852, %add3A_987 : i32
        %get3A_989 = arith.constant 1 : i32
        %get3A_990 = arith.index_cast %get3A_989 : i32 to index
        %get3A_991 = arith.index_cast %add3A_988 : i32 to index
        %get3A_992 = arith.constant 48 : index
        %get3A_993 = tpu.vector_load %arg6[%get3A_990, %get3A_991, %get3A_992] {strides = array<i32>} : memref<2x800x64xf32, #tpu.memory_space<vmem>>, vector<1x1x16xf32>,
        %get3A_994 = vector.shape_cast %get3A_993 : vector<1x1x16xf32> to vector<16xf32>
        %add3A_995 = arith.addf %add3A_923, %get3A_994 : vector<16xf32>
        scf.yield %add3A_932, %add3A_941, %add3A_950, %add3A_959, %add3A_968, %add3A_977, %add3A_986, %add3A_995 : vector<16xf32>, vector<16xf32>, vector<16xf32>, vector<16xf32>, vector<16xf32>, vector<16xf32>, vector<16xf32>, vector<16xf32>
      }
      %scan3A_627 = arith.constant 50 : i32
      %ge3A_628 = arith.constant 2 : i32
      %ge3A_629 = arith.cmpi sge, %add3A_597, %ge3A_628 : i32
      %convert_element_type3A_630 = arith.extui %ge3A_629 : i1 to i32
      %cond3A_631 = arith.constant 0 : i32
      %cond3A_632 = arith.cmpi ne, %convert_element_type3A_630, %cond3A_631 : i32
      scf.if %cond3A_632 {
        %dma_wait3A_840 = arith.constant 1 : i32
        %dma_wait3A_841 = arith.constant 0 : i32
        %dma_wait3A_842 = arith.constant 0 : i32
        %dma_wait3A_843 = tpu.memref_slice %arg7[%dma_wait3A_840, %dma_wait3A_841, %dma_wait3A_842] : memref<2x4x64xf32, #tpu.memory_space<vmem>> -> memref<1x4x64xf32, #tpu.memory_space<vmem>>
        %dma_wait3A_844 = tpu.memref_squeeze %dma_wait3A_843 : memref<1x4x64xf32, #tpu.memory_space<vmem>> -> memref<4x64xf32, #tpu.memory_space<vmem>>
        %dma_wait3A_845 = arith.constant 0 : i32
        %dma_wait3A_846 = tpu.memref_slice %arg4[%mul3A_2, %dma_wait3A_845] : memref<16384x64xf32, #tpu.memory_space<hbm>> -> memref<4x64xf32, #tpu.memory_space<hbm>>
        %dma_wait3A_847 = arith.constant 0 : i32
        %dma_wait3A_848 = tpu.memref_slice %arg4[%mul3A_2, %dma_wait3A_847] : memref<16384x64xf32, #tpu.memory_space<hbm>> -> memref<4x64xf32, #tpu.memory_space<hbm>>
        %dma_wait3A_849 = arith.constant 0 : i32
        %dma_wait3A_850 = arith.constant 0 : i32
        %dma_wait3A_851 = tpu.memref_slice %arg7[%dma_wait3A_840, %dma_wait3A_849, %dma_wait3A_850] : memref<2x4x64xf32, #tpu.memory_space<vmem>> -> memref<1x4x64xf32, #tpu.memory_space<vmem>>
        %dma_wait3A_852 = tpu.memref_squeeze %dma_wait3A_851 : memref<1x4x64xf32, #tpu.memory_space<vmem>> -> memref<4x64xf32, #tpu.memory_space<vmem>>
        tpu.wait_dma2 semaphore(%arg13 : memref<!tpu.dma_semaphore, #tpu.memory_space<semaphore_mem>>) src(%dma_wait3A_852 : memref<4x64xf32, #tpu.memory_space<vmem>>) dst(%dma_wait3A_848 : memref<4x64xf32, #tpu.memory_space<hbm>>)
      } else {
      }
      %add3A_633 = arith.addf %scan3A_626#0, %scan3A_626#4 : vector<16xf32>
      %swap3A_634 = arith.constant 1 : i32
      %swap3A_635 = arith.constant 0 : i32
      %swap3A_636 = arith.index_cast %swap3A_634 : i32 to index
      %swap3A_637 = arith.index_cast %swap3A_635 : i32 to index
      %swap3A_638 = arith.constant 0 : index
      %swap3A_639 = tpu.vector_load %arg7[%swap3A_636, %swap3A_637, %swap3A_638] {strides = array<i32>} : memref<2x4x64xf32, #tpu.memory_space<vmem>>, vector<1x1x16xf32>,
      %swap3A_640 = vector.shape_cast %swap3A_639 : vector<1x1x16xf32> to vector<16xf32>
      %swap3A_641 = vector.shape_cast %add3A_633 : vector<16xf32> to vector<1x1x16xf32>
      tpu.vector_store %arg7[%swap3A_636, %swap3A_637, %swap3A_638], %swap3A_641 {strides = array<i32>} : memref<2x4x64xf32, #tpu.memory_space<vmem>>, vector<1x1x16xf32>,
      %add3A_642 = arith.addf %scan3A_626#1, %scan3A_626#5 : vector<16xf32>
      %swap3A_643 = arith.constant 1 : i32
      %swap3A_644 = arith.constant 0 : i32
      %swap3A_645 = arith.index_cast %swap3A_643 : i32 to index
      %swap3A_646 = arith.index_cast %swap3A_644 : i32 to index
      %swap3A_647 = arith.constant 16 : index
      %swap3A_648 = tpu.vector_load %arg7[%swap3A_645, %swap3A_646, %swap3A_647] {strides = array<i32>} : memref<2x4x64xf32, #tpu.memory_space<vmem>>, vector<1x1x16xf32>,
      %swap3A_649 = vector.shape_cast %swap3A_648 : vector<1x1x16xf32> to vector<16xf32>
      %swap3A_650 = vector.shape_cast %add3A_642 : vector<16xf32> to vector<1x1x16xf32>
      tpu.vector_store %arg7[%swap3A_645, %swap3A_646, %swap3A_647], %swap3A_650 {strides = array<i32>} : memref<2x4x64xf32, #tpu.memory_space<vmem>>, vector<1x1x16xf32>,
      %add3A_651 = arith.addf %scan3A_626#2, %scan3A_626#6 : vector<16xf32>
      %swap3A_652 = arith.constant 1 : i32
      %swap3A_653 = arith.constant 0 : i32
      %swap3A_654 = arith.index_cast %swap3A_652 : i32 to index
      %swap3A_655 = arith.index_cast %swap3A_653 : i32 to index
      %swap3A_656 = arith.constant 32 : index
      %swap3A_657 = tpu.vector_load %arg7[%swap3A_654, %swap3A_655, %swap3A_656] {strides = array<i32>} : memref<2x4x64xf32, #tpu.memory_space<vmem>>, vector<1x1x16xf32>,
      %swap3A_658 = vector.shape_cast %swap3A_657 : vector<1x1x16xf32> to vector<16xf32>
      %swap3A_659 = vector.shape_cast %add3A_651 : vector<16xf32> to vector<1x1x16xf32>
      tpu.vector_store %arg7[%swap3A_654, %swap3A_655, %swap3A_656], %swap3A_659 {strides = array<i32>} : memref<2x4x64xf32, #tpu.memory_space<vmem>>, vector<1x1x16xf32>,
      %add3A_660 = arith.addf %scan3A_626#3, %scan3A_626#7 : vector<16xf32>
      %swap3A_661 = arith.constant 1 : i32
      %swap3A_662 = arith.constant 0 : i32
      %swap3A_663 = arith.index_cast %swap3A_661 : i32 to index
      %swap3A_664 = arith.index_cast %swap3A_662 : i32 to index
      %swap3A_665 = arith.constant 48 : index
      %swap3A_666 = tpu.vector_load %arg7[%swap3A_663, %swap3A_664, %swap3A_665] {strides = array<i32>} : memref<2x4x64xf32, #tpu.memory_space<vmem>>, vector<1x1x16xf32>,
      %swap3A_667 = vector.shape_cast %swap3A_666 : vector<1x1x16xf32> to vector<16xf32>
      %swap3A_668 = vector.shape_cast %add3A_660 : vector<16xf32> to vector<1x1x16xf32>
      tpu.vector_store %arg7[%swap3A_663, %swap3A_664, %swap3A_665], %swap3A_668 {strides = array<i32>} : memref<2x4x64xf32, #tpu.memory_space<vmem>>, vector<1x1x16xf32>,
      %broadcast_in_dim3A_669 = arith.constant 0.000000e+00 : f32
      %broadcast_in_dim3A_670 = vector.broadcast %broadcast_in_dim3A_669 : f32 to vector<16xf32>
      %scan3A_671 = arith.constant 0 : i32
      %scan3A_672 = arith.constant 50 : i32
      %scan3A_673 = arith.addi %scan3A_671, %scan3A_672 : i32
      %scan3A_674 = arith.constant 1 : i32
      %scan3A_675:8 = scf.for %scan3A_840 = %scan3A_671 to %scan3A_673 step %scan3A_674 iter_args(%scan3A_841 = %broadcast_in_dim3A_670, %scan3A_842 = %broadcast_in_dim3A_670, %scan3A_843 = %broadcast_in_dim3A_670, %scan3A_844 = %broadcast_in_dim3A_670, %scan3A_845 = %broadcast_in_dim3A_670, %scan3A_846 = %broadcast_in_dim3A_670, %scan3A_847 = %broadcast_in_dim3A_670, %scan3A_848 = %broadcast_in_dim3A_670) -> (vector<16xf32>, vector<16xf32>, vector<16xf32>, vector<16xf32>, vector<16xf32>, vector<16xf32>, vector<16xf32>, vector<16xf32>)  : i32 {
        %mul3A_849 = arith.constant 4 : i32
        %mul3A_850 = arith.muli %scan3A_840, %mul3A_849 : i32
        %add3A_851 = arith.constant 200 : i32
        %add3A_852 = arith.addi %add3A_851, %mul3A_850 : i32
        %add3A_853 = arith.constant 0 : i32
        %add3A_854 = arith.addi %add3A_852, %add3A_853 : i32
        %get3A = arith.constant 1 : i32
        %get3A_855 = arith.index_cast %get3A : i32 to index
        %get3A_856 = arith.index_cast %add3A_854 : i32 to index
        %get3A_857 = arith.constant 0 : index
        %get3A_858 = tpu.vector_load %arg6[%get3A_855, %get3A_856, %get3A_857] {strides = array<i32>} : memref<2x800x64xf32, #tpu.memory_space<vmem>>, vector<1x1x16xf32>,
        %get3A_859 = vector.shape_cast %get3A_858 : vector<1x1x16xf32> to vector<16xf32>
        %add3A_860 = arith.addf %scan3A_841, %get3A_859 : vector<16xf32>
        %add3A_861 = arith.constant 0 : i32
        %add3A_862 = arith.addi %add3A_852, %add3A_861 : i32
        %get3A_863 = arith.constant 1 : i32
        %get3A_864 = arith.index_cast %get3A_863 : i32 to index
        %get3A_865 = arith.index_cast %add3A_862 : i32 to index
        %get3A_866 = arith.constant 16 : index
        %get3A_867 = tpu.vector_load %arg6[%get3A_864, %get3A_865, %get3A_866] {strides = array<i32>} : memref<2x800x64xf32, #tpu.memory_space<vmem>>, vector<1x1x16xf32>,
        %get3A_868 = vector.shape_cast %get3A_867 : vector<1x1x16xf32> to vector<16xf32>
        %add3A_869 = arith.addf %scan3A_842, %get3A_868 : vector<16xf32>
        %add3A_870 = arith.constant 0 : i32
        %add3A_871 = arith.addi %add3A_852, %add3A_870 : i32
        %get3A_872 = arith.constant 1 : i32
        %get3A_873 = arith.index_cast %get3A_872 : i32 to index
        %get3A_874 = arith.index_cast %add3A_871 : i32 to index
        %get3A_875 = arith.constant 32 : index
        %get3A_876 = tpu.vector_load %arg6[%get3A_873, %get3A_874, %get3A_875] {strides = array<i32>} : memref<2x800x64xf32, #tpu.memory_space<vmem>>, vector<1x1x16xf32>,
        %get3A_877 = vector.shape_cast %get3A_876 : vector<1x1x16xf32> to vector<16xf32>
        %add3A_878 = arith.addf %scan3A_843, %get3A_877 : vector<16xf32>
        %add3A_879 = arith.constant 0 : i32
        %add3A_880 = arith.addi %add3A_852, %add3A_879 : i32
        %get3A_881 = arith.constant 1 : i32
        %get3A_882 = arith.index_cast %get3A_881 : i32 to index
        %get3A_883 = arith.index_cast %add3A_880 : i32 to index
        %get3A_884 = arith.constant 48 : index
        %get3A_885 = tpu.vector_load %arg6[%get3A_882, %get3A_883, %get3A_884] {strides = array<i32>} : memref<2x800x64xf32, #tpu.memory_space<vmem>>, vector<1x1x16xf32>,
        %get3A_886 = vector.shape_cast %get3A_885 : vector<1x1x16xf32> to vector<16xf32>
        %add3A_887 = arith.addf %scan3A_844, %get3A_886 : vector<16xf32>
        %add3A_888 = arith.constant 1 : i32
        %add3A_889 = arith.addi %add3A_852, %add3A_888 : i32
        %get3A_890 = arith.constant 1 : i32
        %get3A_891 = arith.index_cast %get3A_890 : i32 to index
        %get3A_892 = arith.index_cast %add3A_889 : i32 to index
        %get3A_893 = arith.constant 0 : index
        %get3A_894 = tpu.vector_load %arg6[%get3A_891, %get3A_892, %get3A_893] {strides = array<i32>} : memref<2x800x64xf32, #tpu.memory_space<vmem>>, vector<1x1x16xf32>,
        %get3A_895 = vector.shape_cast %get3A_894 : vector<1x1x16xf32> to vector<16xf32>
        %add3A_896 = arith.addf %scan3A_845, %get3A_895 : vector<16xf32>
        %add3A_897 = arith.constant 1 : i32
        %add3A_898 = arith.addi %add3A_852, %add3A_897 : i32
        %get3A_899 = arith.constant 1 : i32
        %get3A_900 = arith.index_cast %get3A_899 : i32 to index
        %get3A_901 = arith.index_cast %add3A_898 : i32 to index
        %get3A_902 = arith.constant 16 : index
        %get3A_903 = tpu.vector_load %arg6[%get3A_900, %get3A_901, %get3A_902] {strides = array<i32>} : memref<2x800x64xf32, #tpu.memory_space<vmem>>, vector<1x1x16xf32>,
        %get3A_904 = vector.shape_cast %get3A_903 : vector<1x1x16xf32> to vector<16xf32>
        %add3A_905 = arith.addf %scan3A_846, %get3A_904 : vector<16xf32>
        %add3A_906 = arith.constant 1 : i32
        %add3A_907 = arith.addi %add3A_852, %add3A_906 : i32
        %get3A_908 = arith.constant 1 : i32
        %get3A_909 = arith.index_cast %get3A_908 : i32 to index
        %get3A_910 = arith.index_cast %add3A_907 : i32 to index
        %get3A_911 = arith.constant 32 : index
        %get3A_912 = tpu.vector_load %arg6[%get3A_909, %get3A_910, %get3A_911] {strides = array<i32>} : memref<2x800x64xf32, #tpu.memory_space<vmem>>, vector<1x1x16xf32>,
        %get3A_913 = vector.shape_cast %get3A_912 : vector<1x1x16xf32> to vector<16xf32>
        %add3A_914 = arith.addf %scan3A_847, %get3A_913 : vector<16xf32>
        %add3A_915 = arith.constant 1 : i32
        %add3A_916 = arith.addi %add3A_852, %add3A_915 : i32
        %get3A_917 = arith.constant 1 : i32
        %get3A_918 = arith.index_cast %get3A_917 : i32 to index
        %get3A_919 = arith.index_cast %add3A_916 : i32 to index
        %get3A_920 = arith.constant 48 : index
        %get3A_921 = tpu.vector_load %arg6[%get3A_918, %get3A_919, %get3A_920] {strides = array<i32>} : memref<2x800x64xf32, #tpu.memory_space<vmem>>, vector<1x1x16xf32>,
        %get3A_922 = vector.shape_cast %get3A_921 : vector<1x1x16xf32> to vector<16xf32>
        %add3A_923 = arith.addf %scan3A_848, %get3A_922 : vector<16xf32>
        %add3A_924 = arith.constant 2 : i32
        %add3A_925 = arith.addi %add3A_852, %add3A_924 : i32
        %get3A_926 = arith.constant 1 : i32
        %get3A_927 = arith.index_cast %get3A_926 : i32 to index
        %get3A_928 = arith.index_cast %add3A_925 : i32 to index
        %get3A_929 = arith.constant 0 : index
        %get3A_930 = tpu.vector_load %arg6[%get3A_927, %get3A_928, %get3A_929] {strides = array<i32>} : memref<2x800x64xf32, #tpu.memory_space<vmem>>, vector<1x1x16xf32>,
        %get3A_931 = vector.shape_cast %get3A_930 : vector<1x1x16xf32> to vector<16xf32>
        %add3A_932 = arith.addf %add3A_860, %get3A_931 : vector<16xf32>
        %add3A_933 = arith.constant 2 : i32
        %add3A_934 = arith.addi %add3A_852, %add3A_933 : i32
        %get3A_935 = arith.constant 1 : i32
        %get3A_936 = arith.index_cast %get3A_935 : i32 to index
        %get3A_937 = arith.index_cast %add3A_934 : i32 to index
        %get3A_938 = arith.constant 16 : index
        %get3A_939 = tpu.vector_load %arg6[%get3A_936, %get3A_937, %get3A_938] {strides = array<i32>} : memref<2x800x64xf32, #tpu.memory_space<vmem>>, vector<1x1x16xf32>,
        %get3A_940 = vector.shape_cast %get3A_939 : vector<1x1x16xf32> to vector<16xf32>
        %add3A_941 = arith.addf %add3A_869, %get3A_940 : vector<16xf32>
        %add3A_942 = arith.constant 2 : i32
        %add3A_943 = arith.addi %add3A_852, %add3A_942 : i32
        %get3A_944 = arith.constant 1 : i32
        %get3A_945 = arith.index_cast %get3A_944 : i32 to index
        %get3A_946 = arith.index_cast %add3A_943 : i32 to index
        %get3A_947 = arith.constant 32 : index
        %get3A_948 = tpu.vector_load %arg6[%get3A_945, %get3A_946, %get3A_947] {strides = array<i32>} : memref<2x800x64xf32, #tpu.memory_space<vmem>>, vector<1x1x16xf32>,
        %get3A_949 = vector.shape_cast %get3A_948 : vector<1x1x16xf32> to vector<16xf32>
        %add3A_950 = arith.addf %add3A_878, %get3A_949 : vector<16xf32>
        %add3A_951 = arith.constant 2 : i32
        %add3A_952 = arith.addi %add3A_852, %add3A_951 : i32
        %get3A_953 = arith.constant 1 : i32
        %get3A_954 = arith.index_cast %get3A_953 : i32 to index
        %get3A_955 = arith.index_cast %add3A_952 : i32 to index
        %get3A_956 = arith.constant 48 : index
        %get3A_957 = tpu.vector_load %arg6[%get3A_954, %get3A_955, %get3A_956] {strides = array<i32>} : memref<2x800x64xf32, #tpu.memory_space<vmem>>, vector<1x1x16xf32>,
        %get3A_958 = vector.shape_cast %get3A_957 : vector<1x1x16xf32> to vector<16xf32>
        %add3A_959 = arith.addf %add3A_887, %get3A_958 : vector<16xf32>
        %add3A_960 = arith.constant 3 : i32
        %add3A_961 = arith.addi %add3A_852, %add3A_960 : i32
        %get3A_962 = arith.constant 1 : i32
        %get3A_963 = arith.index_cast %get3A_962 : i32 to index
        %get3A_964 = arith.index_cast %add3A_961 : i32 to index
        %get3A_965 = arith.constant 0 : index
        %get3A_966 = tpu.vector_load %arg6[%get3A_963, %get3A_964, %get3A_965] {strides = array<i32>} : memref<2x800x64xf32, #tpu.memory_space<vmem>>, vector<1x1x16xf32>,
        %get3A_967 = vector.shape_cast %get3A_966 : vector<1x1x16xf32> to vector<16xf32>
        %add3A_968 = arith.addf %add3A_896, %get3A_967 : vector<16xf32>
        %add3A_969 = arith.constant 3 : i32
        %add3A_970 = arith.addi %add3A_852, %add3A_969 : i32
        %get3A_971 = arith.constant 1 : i32
        %get3A_972 = arith.index_cast %get3A_971 : i32 to index
        %get3A_973 = arith.index_cast %add3A_970 : i32 to index
        %get3A_974 = arith.constant 16 : index
        %get3A_975 = tpu.vector_load %arg6[%get3A_972, %get3A_973, %get3A_974] {strides = array<i32>} : memref<2x800x64xf32, #tpu.memory_space<vmem>>, vector<1x1x16xf32>,
        %get3A_976 = vector.shape_cast %get3A_975 : vector<1x1x16xf32> to vector<16xf32>
        %add3A_977 = arith.addf %add3A_905, %get3A_976 : vector<16xf32>
        %add3A_978 = arith.constant 3 : i32
        %add3A_979 = arith.addi %add3A_852, %add3A_978 : i32
        %get3A_980 = arith.constant 1 : i32
        %get3A_981 = arith.index_cast %get3A_980 : i32 to index
        %get3A_982 = arith.index_cast %add3A_979 : i32 to index
        %get3A_983 = arith.constant 32 : index
        %get3A_984 = tpu.vector_load %arg6[%get3A_981, %get3A_982, %get3A_983] {strides = array<i32>} : memref<2x800x64xf32, #tpu.memory_space<vmem>>, vector<1x1x16xf32>,
        %get3A_985 = vector.shape_cast %get3A_984 : vector<1x1x16xf32> to vector<16xf32>
        %add3A_986 = arith.addf %add3A_914, %get3A_985 : vector<16xf32>
        %add3A_987 = arith.constant 3 : i32
        %add3A_988 = arith.addi %add3A_852, %add3A_987 : i32
        %get3A_989 = arith.constant 1 : i32
        %get3A_990 = arith.index_cast %get3A_989 : i32 to index
        %get3A_991 = arith.index_cast %add3A_988 : i32 to index
        %get3A_992 = arith.constant 48 : index
        %get3A_993 = tpu.vector_load %arg6[%get3A_990, %get3A_991, %get3A_992] {strides = array<i32>} : memref<2x800x64xf32, #tpu.memory_space<vmem>>, vector<1x1x16xf32>,
        %get3A_994 = vector.shape_cast %get3A_993 : vector<1x1x16xf32> to vector<16xf32>
        %add3A_995 = arith.addf %add3A_923, %get3A_994 : vector<16xf32>
        scf.yield %add3A_932, %add3A_941, %add3A_950, %add3A_959, %add3A_968, %add3A_977, %add3A_986, %add3A_995 : vector<16xf32>, vector<16xf32>, vector<16xf32>, vector<16xf32>, vector<16xf32>, vector<16xf32>, vector<16xf32>, vector<16xf32>
      }
      %scan3A_676 = arith.constant 50 : i32
      %ge3A_677 = arith.constant 2 : i32
      %ge3A_678 = arith.cmpi sge, %add3A_597, %ge3A_677 : i32
      %convert_element_type3A_679 = arith.extui %ge3A_678 : i1 to i32
      %cond3A_680 = arith.constant 0 : i32
      %cond3A_681 = arith.cmpi ne, %convert_element_type3A_679, %cond3A_680 : i32
      scf.if %cond3A_681 {
      } else {
      }
      %add3A_682 = arith.addf %scan3A_675#0, %scan3A_675#4 : vector<16xf32>
      %swap3A_683 = arith.constant 1 : i32
      %swap3A_684 = arith.constant 1 : i32
      %swap3A_685 = arith.index_cast %swap3A_683 : i32 to index
      %swap3A_686 = arith.index_cast %swap3A_684 : i32 to index
      %swap3A_687 = arith.constant 0 : index
      %swap3A_688 = tpu.vector_load %arg7[%swap3A_685, %swap3A_686, %swap3A_687] {strides = array<i32>} : memref<2x4x64xf32, #tpu.memory_space<vmem>>, vector<1x1x16xf32>,
      %swap3A_689 = vector.shape_cast %swap3A_688 : vector<1x1x16xf32> to vector<16xf32>
      %swap3A_690 = vector.shape_cast %add3A_682 : vector<16xf32> to vector<1x1x16xf32>
      tpu.vector_store %arg7[%swap3A_685, %swap3A_686, %swap3A_687], %swap3A_690 {strides = array<i32>} : memref<2x4x64xf32, #tpu.memory_space<vmem>>, vector<1x1x16xf32>,
      %add3A_691 = arith.addf %scan3A_675#1, %scan3A_675#5 : vector<16xf32>
      %swap3A_692 = arith.constant 1 : i32
      %swap3A_693 = arith.constant 1 : i32
      %swap3A_694 = arith.index_cast %swap3A_692 : i32 to index
      %swap3A_695 = arith.index_cast %swap3A_693 : i32 to index
      %swap3A_696 = arith.constant 16 : index
      %swap3A_697 = tpu.vector_load %arg7[%swap3A_694, %swap3A_695, %swap3A_696] {strides = array<i32>} : memref<2x4x64xf32, #tpu.memory_space<vmem>>, vector<1x1x16xf32>,
      %swap3A_698 = vector.shape_cast %swap3A_697 : vector<1x1x16xf32> to vector<16xf32>
      %swap3A_699 = vector.shape_cast %add3A_691 : vector<16xf32> to vector<1x1x16xf32>
      tpu.vector_store %arg7[%swap3A_694, %swap3A_695, %swap3A_696], %swap3A_699 {strides = array<i32>} : memref<2x4x64xf32, #tpu.memory_space<vmem>>, vector<1x1x16xf32>,
      %add3A_700 = arith.addf %scan3A_675#2, %scan3A_675#6 : vector<16xf32>
      %swap3A_701 = arith.constant 1 : i32
      %swap3A_702 = arith.constant 1 : i32
      %swap3A_703 = arith.index_cast %swap3A_701 : i32 to index
      %swap3A_704 = arith.index_cast %swap3A_702 : i32 to index
      %swap3A_705 = arith.constant 32 : index
      %swap3A_706 = tpu.vector_load %arg7[%swap3A_703, %swap3A_704, %swap3A_705] {strides = array<i32>} : memref<2x4x64xf32, #tpu.memory_space<vmem>>, vector<1x1x16xf32>,
      %swap3A_707 = vector.shape_cast %swap3A_706 : vector<1x1x16xf32> to vector<16xf32>
      %swap3A_708 = vector.shape_cast %add3A_700 : vector<16xf32> to vector<1x1x16xf32>
      tpu.vector_store %arg7[%swap3A_703, %swap3A_704, %swap3A_705], %swap3A_708 {strides = array<i32>} : memref<2x4x64xf32, #tpu.memory_space<vmem>>, vector<1x1x16xf32>,
      %add3A_709 = arith.addf %scan3A_675#3, %scan3A_675#7 : vector<16xf32>
      %swap3A_710 = arith.constant 1 : i32
      %swap3A_711 = arith.constant 1 : i32
      %swap3A_712 = arith.index_cast %swap3A_710 : i32 to index
      %swap3A_713 = arith.index_cast %swap3A_711 : i32 to index
      %swap3A_714 = arith.constant 48 : index
      %swap3A_715 = tpu.vector_load %arg7[%swap3A_712, %swap3A_713, %swap3A_714] {strides = array<i32>} : memref<2x4x64xf32, #tpu.memory_space<vmem>>, vector<1x1x16xf32>,
      %swap3A_716 = vector.shape_cast %swap3A_715 : vector<1x1x16xf32> to vector<16xf32>
      %swap3A_717 = vector.shape_cast %add3A_709 : vector<16xf32> to vector<1x1x16xf32>
      tpu.vector_store %arg7[%swap3A_712, %swap3A_713, %swap3A_714], %swap3A_717 {strides = array<i32>} : memref<2x4x64xf32, #tpu.memory_space<vmem>>, vector<1x1x16xf32>,
      %broadcast_in_dim3A_718 = arith.constant 0.000000e+00 : f32
      %broadcast_in_dim3A_719 = vector.broadcast %broadcast_in_dim3A_718 : f32 to vector<16xf32>
      %scan3A_720 = arith.constant 0 : i32
      %scan3A_721 = arith.constant 50 : i32
      %scan3A_722 = arith.addi %scan3A_720, %scan3A_721 : i32
      %scan3A_723 = arith.constant 1 : i32
      %scan3A_724:8 = scf.for %scan3A_840 = %scan3A_720 to %scan3A_722 step %scan3A_723 iter_args(%scan3A_841 = %broadcast_in_dim3A_719, %scan3A_842 = %broadcast_in_dim3A_719, %scan3A_843 = %broadcast_in_dim3A_719, %scan3A_844 = %broadcast_in_dim3A_719, %scan3A_845 = %broadcast_in_dim3A_719, %scan3A_846 = %broadcast_in_dim3A_719, %scan3A_847 = %broadcast_in_dim3A_719, %scan3A_848 = %broadcast_in_dim3A_719) -> (vector<16xf32>, vector<16xf32>, vector<16xf32>, vector<16xf32>, vector<16xf32>, vector<16xf32>, vector<16xf32>, vector<16xf32>)  : i32 {
        %mul3A_849 = arith.constant 4 : i32
        %mul3A_850 = arith.muli %scan3A_840, %mul3A_849 : i32
        %add3A_851 = arith.constant 400 : i32
        %add3A_852 = arith.addi %add3A_851, %mul3A_850 : i32
        %add3A_853 = arith.constant 0 : i32
        %add3A_854 = arith.addi %add3A_852, %add3A_853 : i32
        %get3A = arith.constant 1 : i32
        %get3A_855 = arith.index_cast %get3A : i32 to index
        %get3A_856 = arith.index_cast %add3A_854 : i32 to index
        %get3A_857 = arith.constant 0 : index
        %get3A_858 = tpu.vector_load %arg6[%get3A_855, %get3A_856, %get3A_857] {strides = array<i32>} : memref<2x800x64xf32, #tpu.memory_space<vmem>>, vector<1x1x16xf32>,
        %get3A_859 = vector.shape_cast %get3A_858 : vector<1x1x16xf32> to vector<16xf32>
        %add3A_860 = arith.addf %scan3A_841, %get3A_859 : vector<16xf32>
        %add3A_861 = arith.constant 0 : i32
        %add3A_862 = arith.addi %add3A_852, %add3A_861 : i32
        %get3A_863 = arith.constant 1 : i32
        %get3A_864 = arith.index_cast %get3A_863 : i32 to index
        %get3A_865 = arith.index_cast %add3A_862 : i32 to index
        %get3A_866 = arith.constant 16 : index
        %get3A_867 = tpu.vector_load %arg6[%get3A_864, %get3A_865, %get3A_866] {strides = array<i32>} : memref<2x800x64xf32, #tpu.memory_space<vmem>>, vector<1x1x16xf32>,
        %get3A_868 = vector.shape_cast %get3A_867 : vector<1x1x16xf32> to vector<16xf32>
        %add3A_869 = arith.addf %scan3A_842, %get3A_868 : vector<16xf32>
        %add3A_870 = arith.constant 0 : i32
        %add3A_871 = arith.addi %add3A_852, %add3A_870 : i32
        %get3A_872 = arith.constant 1 : i32
        %get3A_873 = arith.index_cast %get3A_872 : i32 to index
        %get3A_874 = arith.index_cast %add3A_871 : i32 to index
        %get3A_875 = arith.constant 32 : index
        %get3A_876 = tpu.vector_load %arg6[%get3A_873, %get3A_874, %get3A_875] {strides = array<i32>} : memref<2x800x64xf32, #tpu.memory_space<vmem>>, vector<1x1x16xf32>,
        %get3A_877 = vector.shape_cast %get3A_876 : vector<1x1x16xf32> to vector<16xf32>
        %add3A_878 = arith.addf %scan3A_843, %get3A_877 : vector<16xf32>
        %add3A_879 = arith.constant 0 : i32
        %add3A_880 = arith.addi %add3A_852, %add3A_879 : i32
        %get3A_881 = arith.constant 1 : i32
        %get3A_882 = arith.index_cast %get3A_881 : i32 to index
        %get3A_883 = arith.index_cast %add3A_880 : i32 to index
        %get3A_884 = arith.constant 48 : index
        %get3A_885 = tpu.vector_load %arg6[%get3A_882, %get3A_883, %get3A_884] {strides = array<i32>} : memref<2x800x64xf32, #tpu.memory_space<vmem>>, vector<1x1x16xf32>,
        %get3A_886 = vector.shape_cast %get3A_885 : vector<1x1x16xf32> to vector<16xf32>
        %add3A_887 = arith.addf %scan3A_844, %get3A_886 : vector<16xf32>
        %add3A_888 = arith.constant 1 : i32
        %add3A_889 = arith.addi %add3A_852, %add3A_888 : i32
        %get3A_890 = arith.constant 1 : i32
        %get3A_891 = arith.index_cast %get3A_890 : i32 to index
        %get3A_892 = arith.index_cast %add3A_889 : i32 to index
        %get3A_893 = arith.constant 0 : index
        %get3A_894 = tpu.vector_load %arg6[%get3A_891, %get3A_892, %get3A_893] {strides = array<i32>} : memref<2x800x64xf32, #tpu.memory_space<vmem>>, vector<1x1x16xf32>,
        %get3A_895 = vector.shape_cast %get3A_894 : vector<1x1x16xf32> to vector<16xf32>
        %add3A_896 = arith.addf %scan3A_845, %get3A_895 : vector<16xf32>
        %add3A_897 = arith.constant 1 : i32
        %add3A_898 = arith.addi %add3A_852, %add3A_897 : i32
        %get3A_899 = arith.constant 1 : i32
        %get3A_900 = arith.index_cast %get3A_899 : i32 to index
        %get3A_901 = arith.index_cast %add3A_898 : i32 to index
        %get3A_902 = arith.constant 16 : index
        %get3A_903 = tpu.vector_load %arg6[%get3A_900, %get3A_901, %get3A_902] {strides = array<i32>} : memref<2x800x64xf32, #tpu.memory_space<vmem>>, vector<1x1x16xf32>,
        %get3A_904 = vector.shape_cast %get3A_903 : vector<1x1x16xf32> to vector<16xf32>
        %add3A_905 = arith.addf %scan3A_846, %get3A_904 : vector<16xf32>
        %add3A_906 = arith.constant 1 : i32
        %add3A_907 = arith.addi %add3A_852, %add3A_906 : i32
        %get3A_908 = arith.constant 1 : i32
        %get3A_909 = arith.index_cast %get3A_908 : i32 to index
        %get3A_910 = arith.index_cast %add3A_907 : i32 to index
        %get3A_911 = arith.constant 32 : index
        %get3A_912 = tpu.vector_load %arg6[%get3A_909, %get3A_910, %get3A_911] {strides = array<i32>} : memref<2x800x64xf32, #tpu.memory_space<vmem>>, vector<1x1x16xf32>,
        %get3A_913 = vector.shape_cast %get3A_912 : vector<1x1x16xf32> to vector<16xf32>
        %add3A_914 = arith.addf %scan3A_847, %get3A_913 : vector<16xf32>
        %add3A_915 = arith.constant 1 : i32
        %add3A_916 = arith.addi %add3A_852, %add3A_915 : i32
        %get3A_917 = arith.constant 1 : i32
        %get3A_918 = arith.index_cast %get3A_917 : i32 to index
        %get3A_919 = arith.index_cast %add3A_916 : i32 to index
        %get3A_920 = arith.constant 48 : index
        %get3A_921 = tpu.vector_load %arg6[%get3A_918, %get3A_919, %get3A_920] {strides = array<i32>} : memref<2x800x64xf32, #tpu.memory_space<vmem>>, vector<1x1x16xf32>,
        %get3A_922 = vector.shape_cast %get3A_921 : vector<1x1x16xf32> to vector<16xf32>
        %add3A_923 = arith.addf %scan3A_848, %get3A_922 : vector<16xf32>
        %add3A_924 = arith.constant 2 : i32
        %add3A_925 = arith.addi %add3A_852, %add3A_924 : i32
        %get3A_926 = arith.constant 1 : i32
        %get3A_927 = arith.index_cast %get3A_926 : i32 to index
        %get3A_928 = arith.index_cast %add3A_925 : i32 to index
        %get3A_929 = arith.constant 0 : index
        %get3A_930 = tpu.vector_load %arg6[%get3A_927, %get3A_928, %get3A_929] {strides = array<i32>} : memref<2x800x64xf32, #tpu.memory_space<vmem>>, vector<1x1x16xf32>,
        %get3A_931 = vector.shape_cast %get3A_930 : vector<1x1x16xf32> to vector<16xf32>
        %add3A_932 = arith.addf %add3A_860, %get3A_931 : vector<16xf32>
        %add3A_933 = arith.constant 2 : i32
        %add3A_934 = arith.addi %add3A_852, %add3A_933 : i32
        %get3A_935 = arith.constant 1 : i32
        %get3A_936 = arith.index_cast %get3A_935 : i32 to index
        %get3A_937 = arith.index_cast %add3A_934 : i32 to index
        %get3A_938 = arith.constant 16 : index
        %get3A_939 = tpu.vector_load %arg6[%get3A_936, %get3A_937, %get3A_938] {strides = array<i32>} : memref<2x800x64xf32, #tpu.memory_space<vmem>>, vector<1x1x16xf32>,
        %get3A_940 = vector.shape_cast %get3A_939 : vector<1x1x16xf32> to vector<16xf32>
        %add3A_941 = arith.addf %add3A_869, %get3A_940 : vector<16xf32>
        %add3A_942 = arith.constant 2 : i32
        %add3A_943 = arith.addi %add3A_852, %add3A_942 : i32
        %get3A_944 = arith.constant 1 : i32
        %get3A_945 = arith.index_cast %get3A_944 : i32 to index
        %get3A_946 = arith.index_cast %add3A_943 : i32 to index
        %get3A_947 = arith.constant 32 : index
        %get3A_948 = tpu.vector_load %arg6[%get3A_945, %get3A_946, %get3A_947] {strides = array<i32>} : memref<2x800x64xf32, #tpu.memory_space<vmem>>, vector<1x1x16xf32>,
        %get3A_949 = vector.shape_cast %get3A_948 : vector<1x1x16xf32> to vector<16xf32>
        %add3A_950 = arith.addf %add3A_878, %get3A_949 : vector<16xf32>
        %add3A_951 = arith.constant 2 : i32
        %add3A_952 = arith.addi %add3A_852, %add3A_951 : i32
        %get3A_953 = arith.constant 1 : i32
        %get3A_954 = arith.index_cast %get3A_953 : i32 to index
        %get3A_955 = arith.index_cast %add3A_952 : i32 to index
        %get3A_956 = arith.constant 48 : index
        %get3A_957 = tpu.vector_load %arg6[%get3A_954, %get3A_955, %get3A_956] {strides = array<i32>} : memref<2x800x64xf32, #tpu.memory_space<vmem>>, vector<1x1x16xf32>,
        %get3A_958 = vector.shape_cast %get3A_957 : vector<1x1x16xf32> to vector<16xf32>
        %add3A_959 = arith.addf %add3A_887, %get3A_958 : vector<16xf32>
        %add3A_960 = arith.constant 3 : i32
        %add3A_961 = arith.addi %add3A_852, %add3A_960 : i32
        %get3A_962 = arith.constant 1 : i32
        %get3A_963 = arith.index_cast %get3A_962 : i32 to index
        %get3A_964 = arith.index_cast %add3A_961 : i32 to index
        %get3A_965 = arith.constant 0 : index
        %get3A_966 = tpu.vector_load %arg6[%get3A_963, %get3A_964, %get3A_965] {strides = array<i32>} : memref<2x800x64xf32, #tpu.memory_space<vmem>>, vector<1x1x16xf32>,
        %get3A_967 = vector.shape_cast %get3A_966 : vector<1x1x16xf32> to vector<16xf32>
        %add3A_968 = arith.addf %add3A_896, %get3A_967 : vector<16xf32>
        %add3A_969 = arith.constant 3 : i32
        %add3A_970 = arith.addi %add3A_852, %add3A_969 : i32
        %get3A_971 = arith.constant 1 : i32
        %get3A_972 = arith.index_cast %get3A_971 : i32 to index
        %get3A_973 = arith.index_cast %add3A_970 : i32 to index
        %get3A_974 = arith.constant 16 : index
        %get3A_975 = tpu.vector_load %arg6[%get3A_972, %get3A_973, %get3A_974] {strides = array<i32>} : memref<2x800x64xf32, #tpu.memory_space<vmem>>, vector<1x1x16xf32>,
        %get3A_976 = vector.shape_cast %get3A_975 : vector<1x1x16xf32> to vector<16xf32>
        %add3A_977 = arith.addf %add3A_905, %get3A_976 : vector<16xf32>
        %add3A_978 = arith.constant 3 : i32
        %add3A_979 = arith.addi %add3A_852, %add3A_978 : i32
        %get3A_980 = arith.constant 1 : i32
        %get3A_981 = arith.index_cast %get3A_980 : i32 to index
        %get3A_982 = arith.index_cast %add3A_979 : i32 to index
        %get3A_983 = arith.constant 32 : index
        %get3A_984 = tpu.vector_load %arg6[%get3A_981, %get3A_982, %get3A_983] {strides = array<i32>} : memref<2x800x64xf32, #tpu.memory_space<vmem>>, vector<1x1x16xf32>,
        %get3A_985 = vector.shape_cast %get3A_984 : vector<1x1x16xf32> to vector<16xf32>
        %add3A_986 = arith.addf %add3A_914, %get3A_985 : vector<16xf32>
        %add3A_987 = arith.constant 3 : i32
        %add3A_988 = arith.addi %add3A_852, %add3A_987 : i32
        %get3A_989 = arith.constant 1 : i32
        %get3A_990 = arith.index_cast %get3A_989 : i32 to index
        %get3A_991 = arith.index_cast %add3A_988 : i32 to index
        %get3A_992 = arith.constant 48 : index
        %get3A_993 = tpu.vector_load %arg6[%get3A_990, %get3A_991, %get3A_992] {strides = array<i32>} : memref<2x800x64xf32, #tpu.memory_space<vmem>>, vector<1x1x16xf32>,
        %get3A_994 = vector.shape_cast %get3A_993 : vector<1x1x16xf32> to vector<16xf32>
        %add3A_995 = arith.addf %add3A_923, %get3A_994 : vector<16xf32>
        scf.yield %add3A_932, %add3A_941, %add3A_950, %add3A_959, %add3A_968, %add3A_977, %add3A_986, %add3A_995 : vector<16xf32>, vector<16xf32>, vector<16xf32>, vector<16xf32>, vector<16xf32>, vector<16xf32>, vector<16xf32>, vector<16xf32>
      }
      %scan3A_725 = arith.constant 50 : i32
      %ge3A_726 = arith.constant 2 : i32
      %ge3A_727 = arith.cmpi sge, %add3A_597, %ge3A_726 : i32
      %convert_element_type3A_728 = arith.extui %ge3A_727 : i1 to i32
      %cond3A_729 = arith.constant 0 : i32
      %cond3A_730 = arith.cmpi ne, %convert_element_type3A_728, %cond3A_729 : i32
      scf.if %cond3A_730 {
      } else {
      }
      %add3A_731 = arith.addf %scan3A_724#0, %scan3A_724#4 : vector<16xf32>
      %swap3A_732 = arith.constant 1 : i32
      %swap3A_733 = arith.constant 2 : i32
      %swap3A_734 = arith.index_cast %swap3A_732 : i32 to index
      %swap3A_735 = arith.index_cast %swap3A_733 : i32 to index
      %swap3A_736 = arith.constant 0 : index
      %swap3A_737 = tpu.vector_load %arg7[%swap3A_734, %swap3A_735, %swap3A_736] {strides = array<i32>} : memref<2x4x64xf32, #tpu.memory_space<vmem>>, vector<1x1x16xf32>,
      %swap3A_738 = vector.shape_cast %swap3A_737 : vector<1x1x16xf32> to vector<16xf32>
      %swap3A_739 = vector.shape_cast %add3A_731 : vector<16xf32> to vector<1x1x16xf32>
      tpu.vector_store %arg7[%swap3A_734, %swap3A_735, %swap3A_736], %swap3A_739 {strides = array<i32>} : memref<2x4x64xf32, #tpu.memory_space<vmem>>, vector<1x1x16xf32>,
      %add3A_740 = arith.addf %scan3A_724#1, %scan3A_724#5 : vector<16xf32>
      %swap3A_741 = arith.constant 1 : i32
      %swap3A_742 = arith.constant 2 : i32
      %swap3A_743 = arith.index_cast %swap3A_741 : i32 to index
      %swap3A_744 = arith.index_cast %swap3A_742 : i32 to index
      %swap3A_745 = arith.constant 16 : index
      %swap3A_746 = tpu.vector_load %arg7[%swap3A_743, %swap3A_744, %swap3A_745] {strides = array<i32>} : memref<2x4x64xf32, #tpu.memory_space<vmem>>, vector<1x1x16xf32>,
      %swap3A_747 = vector.shape_cast %swap3A_746 : vector<1x1x16xf32> to vector<16xf32>
      %swap3A_748 = vector.shape_cast %add3A_740 : vector<16xf32> to vector<1x1x16xf32>
      tpu.vector_store %arg7[%swap3A_743, %swap3A_744, %swap3A_745], %swap3A_748 {strides = array<i32>} : memref<2x4x64xf32, #tpu.memory_space<vmem>>, vector<1x1x16xf32>,
      %add3A_749 = arith.addf %scan3A_724#2, %scan3A_724#6 : vector<16xf32>
      %swap3A_750 = arith.constant 1 : i32
      %swap3A_751 = arith.constant 2 : i32
      %swap3A_752 = arith.index_cast %swap3A_750 : i32 to index
      %swap3A_753 = arith.index_cast %swap3A_751 : i32 to index
      %swap3A_754 = arith.constant 32 : index
      %swap3A_755 = tpu.vector_load %arg7[%swap3A_752, %swap3A_753, %swap3A_754] {strides = array<i32>} : memref<2x4x64xf32, #tpu.memory_space<vmem>>, vector<1x1x16xf32>,
      %swap3A_756 = vector.shape_cast %swap3A_755 : vector<1x1x16xf32> to vector<16xf32>
      %swap3A_757 = vector.shape_cast %add3A_749 : vector<16xf32> to vector<1x1x16xf32>
      tpu.vector_store %arg7[%swap3A_752, %swap3A_753, %swap3A_754], %swap3A_757 {strides = array<i32>} : memref<2x4x64xf32, #tpu.memory_space<vmem>>, vector<1x1x16xf32>,
      %add3A_758 = arith.addf %scan3A_724#3, %scan3A_724#7 : vector<16xf32>
      %swap3A_759 = arith.constant 1 : i32
      %swap3A_760 = arith.constant 2 : i32
      %swap3A_761 = arith.index_cast %swap3A_759 : i32 to index
      %swap3A_762 = arith.index_cast %swap3A_760 : i32 to index
      %swap3A_763 = arith.constant 48 : index
      %swap3A_764 = tpu.vector_load %arg7[%swap3A_761, %swap3A_762, %swap3A_763] {strides = array<i32>} : memref<2x4x64xf32, #tpu.memory_space<vmem>>, vector<1x1x16xf32>,
      %swap3A_765 = vector.shape_cast %swap3A_764 : vector<1x1x16xf32> to vector<16xf32>
      %swap3A_766 = vector.shape_cast %add3A_758 : vector<16xf32> to vector<1x1x16xf32>
      tpu.vector_store %arg7[%swap3A_761, %swap3A_762, %swap3A_763], %swap3A_766 {strides = array<i32>} : memref<2x4x64xf32, #tpu.memory_space<vmem>>, vector<1x1x16xf32>,
      %broadcast_in_dim3A_767 = arith.constant 0.000000e+00 : f32
      %broadcast_in_dim3A_768 = vector.broadcast %broadcast_in_dim3A_767 : f32 to vector<16xf32>
      %scan3A_769 = arith.constant 0 : i32
      %scan3A_770 = arith.constant 50 : i32
      %scan3A_771 = arith.addi %scan3A_769, %scan3A_770 : i32
      %scan3A_772 = arith.constant 1 : i32
      %scan3A_773:8 = scf.for %scan3A_840 = %scan3A_769 to %scan3A_771 step %scan3A_772 iter_args(%scan3A_841 = %broadcast_in_dim3A_768, %scan3A_842 = %broadcast_in_dim3A_768, %scan3A_843 = %broadcast_in_dim3A_768, %scan3A_844 = %broadcast_in_dim3A_768, %scan3A_845 = %broadcast_in_dim3A_768, %scan3A_846 = %broadcast_in_dim3A_768, %scan3A_847 = %broadcast_in_dim3A_768, %scan3A_848 = %broadcast_in_dim3A_768) -> (vector<16xf32>, vector<16xf32>, vector<16xf32>, vector<16xf32>, vector<16xf32>, vector<16xf32>, vector<16xf32>, vector<16xf32>)  : i32 {
        %mul3A_849 = arith.constant 4 : i32
        %mul3A_850 = arith.muli %scan3A_840, %mul3A_849 : i32
        %add3A_851 = arith.constant 600 : i32
        %add3A_852 = arith.addi %add3A_851, %mul3A_850 : i32
        %add3A_853 = arith.constant 0 : i32
        %add3A_854 = arith.addi %add3A_852, %add3A_853 : i32
        %get3A = arith.constant 1 : i32
        %get3A_855 = arith.index_cast %get3A : i32 to index
        %get3A_856 = arith.index_cast %add3A_854 : i32 to index
        %get3A_857 = arith.constant 0 : index
        %get3A_858 = tpu.vector_load %arg6[%get3A_855, %get3A_856, %get3A_857] {strides = array<i32>} : memref<2x800x64xf32, #tpu.memory_space<vmem>>, vector<1x1x16xf32>,
        %get3A_859 = vector.shape_cast %get3A_858 : vector<1x1x16xf32> to vector<16xf32>
        %add3A_860 = arith.addf %scan3A_841, %get3A_859 : vector<16xf32>
        %add3A_861 = arith.constant 0 : i32
        %add3A_862 = arith.addi %add3A_852, %add3A_861 : i32
        %get3A_863 = arith.constant 1 : i32
        %get3A_864 = arith.index_cast %get3A_863 : i32 to index
        %get3A_865 = arith.index_cast %add3A_862 : i32 to index
        %get3A_866 = arith.constant 16 : index
        %get3A_867 = tpu.vector_load %arg6[%get3A_864, %get3A_865, %get3A_866] {strides = array<i32>} : memref<2x800x64xf32, #tpu.memory_space<vmem>>, vector<1x1x16xf32>,
        %get3A_868 = vector.shape_cast %get3A_867 : vector<1x1x16xf32> to vector<16xf32>
        %add3A_869 = arith.addf %scan3A_842, %get3A_868 : vector<16xf32>
        %add3A_870 = arith.constant 0 : i32
        %add3A_871 = arith.addi %add3A_852, %add3A_870 : i32
        %get3A_872 = arith.constant 1 : i32
        %get3A_873 = arith.index_cast %get3A_872 : i32 to index
        %get3A_874 = arith.index_cast %add3A_871 : i32 to index
        %get3A_875 = arith.constant 32 : index
        %get3A_876 = tpu.vector_load %arg6[%get3A_873, %get3A_874, %get3A_875] {strides = array<i32>} : memref<2x800x64xf32, #tpu.memory_space<vmem>>, vector<1x1x16xf32>,
        %get3A_877 = vector.shape_cast %get3A_876 : vector<1x1x16xf32> to vector<16xf32>
        %add3A_878 = arith.addf %scan3A_843, %get3A_877 : vector<16xf32>
        %add3A_879 = arith.constant 0 : i32
        %add3A_880 = arith.addi %add3A_852, %add3A_879 : i32
        %get3A_881 = arith.constant 1 : i32
        %get3A_882 = arith.index_cast %get3A_881 : i32 to index
        %get3A_883 = arith.index_cast %add3A_880 : i32 to index
        %get3A_884 = arith.constant 48 : index
        %get3A_885 = tpu.vector_load %arg6[%get3A_882, %get3A_883, %get3A_884] {strides = array<i32>} : memref<2x800x64xf32, #tpu.memory_space<vmem>>, vector<1x1x16xf32>,
        %get3A_886 = vector.shape_cast %get3A_885 : vector<1x1x16xf32> to vector<16xf32>
        %add3A_887 = arith.addf %scan3A_844, %get3A_886 : vector<16xf32>
        %add3A_888 = arith.constant 1 : i32
        %add3A_889 = arith.addi %add3A_852, %add3A_888 : i32
        %get3A_890 = arith.constant 1 : i32
        %get3A_891 = arith.index_cast %get3A_890 : i32 to index
        %get3A_892 = arith.index_cast %add3A_889 : i32 to index
        %get3A_893 = arith.constant 0 : index
        %get3A_894 = tpu.vector_load %arg6[%get3A_891, %get3A_892, %get3A_893] {strides = array<i32>} : memref<2x800x64xf32, #tpu.memory_space<vmem>>, vector<1x1x16xf32>,
        %get3A_895 = vector.shape_cast %get3A_894 : vector<1x1x16xf32> to vector<16xf32>
        %add3A_896 = arith.addf %scan3A_845, %get3A_895 : vector<16xf32>
        %add3A_897 = arith.constant 1 : i32
        %add3A_898 = arith.addi %add3A_852, %add3A_897 : i32
        %get3A_899 = arith.constant 1 : i32
        %get3A_900 = arith.index_cast %get3A_899 : i32 to index
        %get3A_901 = arith.index_cast %add3A_898 : i32 to index
        %get3A_902 = arith.constant 16 : index
        %get3A_903 = tpu.vector_load %arg6[%get3A_900, %get3A_901, %get3A_902] {strides = array<i32>} : memref<2x800x64xf32, #tpu.memory_space<vmem>>, vector<1x1x16xf32>,
        %get3A_904 = vector.shape_cast %get3A_903 : vector<1x1x16xf32> to vector<16xf32>
        %add3A_905 = arith.addf %scan3A_846, %get3A_904 : vector<16xf32>
        %add3A_906 = arith.constant 1 : i32
        %add3A_907 = arith.addi %add3A_852, %add3A_906 : i32
        %get3A_908 = arith.constant 1 : i32
        %get3A_909 = arith.index_cast %get3A_908 : i32 to index
        %get3A_910 = arith.index_cast %add3A_907 : i32 to index
        %get3A_911 = arith.constant 32 : index
        %get3A_912 = tpu.vector_load %arg6[%get3A_909, %get3A_910, %get3A_911] {strides = array<i32>} : memref<2x800x64xf32, #tpu.memory_space<vmem>>, vector<1x1x16xf32>,
        %get3A_913 = vector.shape_cast %get3A_912 : vector<1x1x16xf32> to vector<16xf32>
        %add3A_914 = arith.addf %scan3A_847, %get3A_913 : vector<16xf32>
        %add3A_915 = arith.constant 1 : i32
        %add3A_916 = arith.addi %add3A_852, %add3A_915 : i32
        %get3A_917 = arith.constant 1 : i32
        %get3A_918 = arith.index_cast %get3A_917 : i32 to index
        %get3A_919 = arith.index_cast %add3A_916 : i32 to index
        %get3A_920 = arith.constant 48 : index
        %get3A_921 = tpu.vector_load %arg6[%get3A_918, %get3A_919, %get3A_920] {strides = array<i32>} : memref<2x800x64xf32, #tpu.memory_space<vmem>>, vector<1x1x16xf32>,
        %get3A_922 = vector.shape_cast %get3A_921 : vector<1x1x16xf32> to vector<16xf32>
        %add3A_923 = arith.addf %scan3A_848, %get3A_922 : vector<16xf32>
        %add3A_924 = arith.constant 2 : i32
        %add3A_925 = arith.addi %add3A_852, %add3A_924 : i32
        %get3A_926 = arith.constant 1 : i32
        %get3A_927 = arith.index_cast %get3A_926 : i32 to index
        %get3A_928 = arith.index_cast %add3A_925 : i32 to index
        %get3A_929 = arith.constant 0 : index
        %get3A_930 = tpu.vector_load %arg6[%get3A_927, %get3A_928, %get3A_929] {strides = array<i32>} : memref<2x800x64xf32, #tpu.memory_space<vmem>>, vector<1x1x16xf32>,
        %get3A_931 = vector.shape_cast %get3A_930 : vector<1x1x16xf32> to vector<16xf32>
        %add3A_932 = arith.addf %add3A_860, %get3A_931 : vector<16xf32>
        %add3A_933 = arith.constant 2 : i32
        %add3A_934 = arith.addi %add3A_852, %add3A_933 : i32
        %get3A_935 = arith.constant 1 : i32
        %get3A_936 = arith.index_cast %get3A_935 : i32 to index
        %get3A_937 = arith.index_cast %add3A_934 : i32 to index
        %get3A_938 = arith.constant 16 : index
        %get3A_939 = tpu.vector_load %arg6[%get3A_936, %get3A_937, %get3A_938] {strides = array<i32>} : memref<2x800x64xf32, #tpu.memory_space<vmem>>, vector<1x1x16xf32>,
        %get3A_940 = vector.shape_cast %get3A_939 : vector<1x1x16xf32> to vector<16xf32>
        %add3A_941 = arith.addf %add3A_869, %get3A_940 : vector<16xf32>
        %add3A_942 = arith.constant 2 : i32
        %add3A_943 = arith.addi %add3A_852, %add3A_942 : i32
        %get3A_944 = arith.constant 1 : i32
        %get3A_945 = arith.index_cast %get3A_944 : i32 to index
        %get3A_946 = arith.index_cast %add3A_943 : i32 to index
        %get3A_947 = arith.constant 32 : index
        %get3A_948 = tpu.vector_load %arg6[%get3A_945, %get3A_946, %get3A_947] {strides = array<i32>} : memref<2x800x64xf32, #tpu.memory_space<vmem>>, vector<1x1x16xf32>,
        %get3A_949 = vector.shape_cast %get3A_948 : vector<1x1x16xf32> to vector<16xf32>
        %add3A_950 = arith.addf %add3A_878, %get3A_949 : vector<16xf32>
        %add3A_951 = arith.constant 2 : i32
        %add3A_952 = arith.addi %add3A_852, %add3A_951 : i32
        %get3A_953 = arith.constant 1 : i32
        %get3A_954 = arith.index_cast %get3A_953 : i32 to index
        %get3A_955 = arith.index_cast %add3A_952 : i32 to index
        %get3A_956 = arith.constant 48 : index
        %get3A_957 = tpu.vector_load %arg6[%get3A_954, %get3A_955, %get3A_956] {strides = array<i32>} : memref<2x800x64xf32, #tpu.memory_space<vmem>>, vector<1x1x16xf32>,
        %get3A_958 = vector.shape_cast %get3A_957 : vector<1x1x16xf32> to vector<16xf32>
        %add3A_959 = arith.addf %add3A_887, %get3A_958 : vector<16xf32>
        %add3A_960 = arith.constant 3 : i32
        %add3A_961 = arith.addi %add3A_852, %add3A_960 : i32
        %get3A_962 = arith.constant 1 : i32
        %get3A_963 = arith.index_cast %get3A_962 : i32 to index
        %get3A_964 = arith.index_cast %add3A_961 : i32 to index
        %get3A_965 = arith.constant 0 : index
        %get3A_966 = tpu.vector_load %arg6[%get3A_963, %get3A_964, %get3A_965] {strides = array<i32>} : memref<2x800x64xf32, #tpu.memory_space<vmem>>, vector<1x1x16xf32>,
        %get3A_967 = vector.shape_cast %get3A_966 : vector<1x1x16xf32> to vector<16xf32>
        %add3A_968 = arith.addf %add3A_896, %get3A_967 : vector<16xf32>
        %add3A_969 = arith.constant 3 : i32
        %add3A_970 = arith.addi %add3A_852, %add3A_969 : i32
        %get3A_971 = arith.constant 1 : i32
        %get3A_972 = arith.index_cast %get3A_971 : i32 to index
        %get3A_973 = arith.index_cast %add3A_970 : i32 to index
        %get3A_974 = arith.constant 16 : index
        %get3A_975 = tpu.vector_load %arg6[%get3A_972, %get3A_973, %get3A_974] {strides = array<i32>} : memref<2x800x64xf32, #tpu.memory_space<vmem>>, vector<1x1x16xf32>,
        %get3A_976 = vector.shape_cast %get3A_975 : vector<1x1x16xf32> to vector<16xf32>
        %add3A_977 = arith.addf %add3A_905, %get3A_976 : vector<16xf32>
        %add3A_978 = arith.constant 3 : i32
        %add3A_979 = arith.addi %add3A_852, %add3A_978 : i32
        %get3A_980 = arith.constant 1 : i32
        %get3A_981 = arith.index_cast %get3A_980 : i32 to index
        %get3A_982 = arith.index_cast %add3A_979 : i32 to index
        %get3A_983 = arith.constant 32 : index
        %get3A_984 = tpu.vector_load %arg6[%get3A_981, %get3A_982, %get3A_983] {strides = array<i32>} : memref<2x800x64xf32, #tpu.memory_space<vmem>>, vector<1x1x16xf32>,
        %get3A_985 = vector.shape_cast %get3A_984 : vector<1x1x16xf32> to vector<16xf32>
        %add3A_986 = arith.addf %add3A_914, %get3A_985 : vector<16xf32>
        %add3A_987 = arith.constant 3 : i32
        %add3A_988 = arith.addi %add3A_852, %add3A_987 : i32
        %get3A_989 = arith.constant 1 : i32
        %get3A_990 = arith.index_cast %get3A_989 : i32 to index
        %get3A_991 = arith.index_cast %add3A_988 : i32 to index
        %get3A_992 = arith.constant 48 : index
        %get3A_993 = tpu.vector_load %arg6[%get3A_990, %get3A_991, %get3A_992] {strides = array<i32>} : memref<2x800x64xf32, #tpu.memory_space<vmem>>, vector<1x1x16xf32>,
        %get3A_994 = vector.shape_cast %get3A_993 : vector<1x1x16xf32> to vector<16xf32>
        %add3A_995 = arith.addf %add3A_923, %get3A_994 : vector<16xf32>
        scf.yield %add3A_932, %add3A_941, %add3A_950, %add3A_959, %add3A_968, %add3A_977, %add3A_986, %add3A_995 : vector<16xf32>, vector<16xf32>, vector<16xf32>, vector<16xf32>, vector<16xf32>, vector<16xf32>, vector<16xf32>, vector<16xf32>
      }
      %scan3A_774 = arith.constant 50 : i32
      %ge3A_775 = arith.constant 2 : i32
      %ge3A_776 = arith.cmpi sge, %add3A_597, %ge3A_775 : i32
      %convert_element_type3A_777 = arith.extui %ge3A_776 : i1 to i32
      %cond3A_778 = arith.constant 0 : i32
      %cond3A_779 = arith.cmpi ne, %convert_element_type3A_777, %cond3A_778 : i32
      scf.if %cond3A_779 {
      } else {
      }
      %add3A_780 = arith.addf %scan3A_773#0, %scan3A_773#4 : vector<16xf32>
      %swap3A_781 = arith.constant 1 : i32
      %swap3A_782 = arith.constant 3 : i32
      %swap3A_783 = arith.index_cast %swap3A_781 : i32 to index
      %swap3A_784 = arith.index_cast %swap3A_782 : i32 to index
      %swap3A_785 = arith.constant 0 : index
      %swap3A_786 = tpu.vector_load %arg7[%swap3A_783, %swap3A_784, %swap3A_785] {strides = array<i32>} : memref<2x4x64xf32, #tpu.memory_space<vmem>>, vector<1x1x16xf32>,
      %swap3A_787 = vector.shape_cast %swap3A_786 : vector<1x1x16xf32> to vector<16xf32>
      %swap3A_788 = vector.shape_cast %add3A_780 : vector<16xf32> to vector<1x1x16xf32>
      tpu.vector_store %arg7[%swap3A_783, %swap3A_784, %swap3A_785], %swap3A_788 {strides = array<i32>} : memref<2x4x64xf32, #tpu.memory_space<vmem>>, vector<1x1x16xf32>,
      %add3A_789 = arith.addf %scan3A_773#1, %scan3A_773#5 : vector<16xf32>
      %swap3A_790 = arith.constant 1 : i32
      %swap3A_791 = arith.constant 3 : i32
      %swap3A_792 = arith.index_cast %swap3A_790 : i32 to index
      %swap3A_793 = arith.index_cast %swap3A_791 : i32 to index
      %swap3A_794 = arith.constant 16 : index
      %swap3A_795 = tpu.vector_load %arg7[%swap3A_792, %swap3A_793, %swap3A_794] {strides = array<i32>} : memref<2x4x64xf32, #tpu.memory_space<vmem>>, vector<1x1x16xf32>,
      %swap3A_796 = vector.shape_cast %swap3A_795 : vector<1x1x16xf32> to vector<16xf32>
      %swap3A_797 = vector.shape_cast %add3A_789 : vector<16xf32> to vector<1x1x16xf32>
      tpu.vector_store %arg7[%swap3A_792, %swap3A_793, %swap3A_794], %swap3A_797 {strides = array<i32>} : memref<2x4x64xf32, #tpu.memory_space<vmem>>, vector<1x1x16xf32>,
      %add3A_798 = arith.addf %scan3A_773#2, %scan3A_773#6 : vector<16xf32>
      %swap3A_799 = arith.constant 1 : i32
      %swap3A_800 = arith.constant 3 : i32
      %swap3A_801 = arith.index_cast %swap3A_799 : i32 to index
      %swap3A_802 = arith.index_cast %swap3A_800 : i32 to index
      %swap3A_803 = arith.constant 32 : index
      %swap3A_804 = tpu.vector_load %arg7[%swap3A_801, %swap3A_802, %swap3A_803] {strides = array<i32>} : memref<2x4x64xf32, #tpu.memory_space<vmem>>, vector<1x1x16xf32>,
      %swap3A_805 = vector.shape_cast %swap3A_804 : vector<1x1x16xf32> to vector<16xf32>
      %swap3A_806 = vector.shape_cast %add3A_798 : vector<16xf32> to vector<1x1x16xf32>
      tpu.vector_store %arg7[%swap3A_801, %swap3A_802, %swap3A_803], %swap3A_806 {strides = array<i32>} : memref<2x4x64xf32, #tpu.memory_space<vmem>>, vector<1x1x16xf32>,
      %add3A_807 = arith.addf %scan3A_773#3, %scan3A_773#7 : vector<16xf32>
      %swap3A_808 = arith.constant 1 : i32
      %swap3A_809 = arith.constant 3 : i32
      %swap3A_810 = arith.index_cast %swap3A_808 : i32 to index
      %swap3A_811 = arith.index_cast %swap3A_809 : i32 to index
      %swap3A_812 = arith.constant 48 : index
      %swap3A_813 = tpu.vector_load %arg7[%swap3A_810, %swap3A_811, %swap3A_812] {strides = array<i32>} : memref<2x4x64xf32, #tpu.memory_space<vmem>>, vector<1x1x16xf32>,
      %swap3A_814 = vector.shape_cast %swap3A_813 : vector<1x1x16xf32> to vector<16xf32>
      %swap3A_815 = vector.shape_cast %add3A_807 : vector<16xf32> to vector<1x1x16xf32>
      tpu.vector_store %arg7[%swap3A_810, %swap3A_811, %swap3A_812], %swap3A_815 {strides = array<i32>} : memref<2x4x64xf32, #tpu.memory_space<vmem>>, vector<1x1x16xf32>,
      %mul3A_816 = arith.constant 4 : i32
      %mul3A_817 = arith.muli %add3A_597, %mul3A_816 : i32
      %add3A_818 = arith.addi %mul3A_2, %mul3A_817 : i32
      %dma_start3A_819 = arith.constant 1 : i32
      %dma_start3A_820 = arith.constant 0 : i32
      %dma_start3A_821 = arith.constant 0 : i32
      %dma_start3A_822 = tpu.memref_slice %arg7[%dma_start3A_819, %dma_start3A_820, %dma_start3A_821] : memref<2x4x64xf32, #tpu.memory_space<vmem>> -> memref<1x4x64xf32, #tpu.memory_space<vmem>>
      %dma_start3A_823 = tpu.memref_squeeze %dma_start3A_822 : memref<1x4x64xf32, #tpu.memory_space<vmem>> -> memref<4x64xf32, #tpu.memory_space<vmem>>
      %dma_start3A_824 = arith.constant 0 : i32
      %dma_start3A_825 = tpu.memref_slice %arg4[%add3A_818, %dma_start3A_824] : memref<16384x64xf32, #tpu.memory_space<hbm>> -> memref<4x64xf32, #tpu.memory_space<hbm>>
      %dma_start3A_826 = arith.constant 0 : i32
      %dma_start3A_827 = tpu.memref_slice %arg4[%add3A_818, %dma_start3A_826] : memref<16384x64xf32, #tpu.memory_space<hbm>> -> memref<4x64xf32, #tpu.memory_space<hbm>>
      %dma_start3A_828 = arith.constant 0 : i32
      %dma_start3A_829 = arith.constant 0 : i32
      %dma_start3A_830 = tpu.memref_slice %arg7[%dma_start3A_819, %dma_start3A_828, %dma_start3A_829] : memref<2x4x64xf32, #tpu.memory_space<vmem>> -> memref<1x4x64xf32, #tpu.memory_space<vmem>>
      %dma_start3A_831 = tpu.memref_squeeze %dma_start3A_830 : memref<1x4x64xf32, #tpu.memory_space<vmem>> -> memref<4x64xf32, #tpu.memory_space<vmem>>
      tpu.enqueue_dma source(%dma_start3A_831 : memref<4x64xf32, #tpu.memory_space<vmem>>) target(%dma_start3A_827 : memref<4x64xf32, #tpu.memory_space<hbm>>) target_semaphore(%arg13 : memref<!tpu.dma_semaphore, #tpu.memory_space<semaphore_mem>>)
      %add3A_832 = arith.constant 2 : i32
      %add3A_833 = arith.addi %add3A_597, %add3A_832 : i32
      %lt3A_834 = arith.constant 128 : i32
      %lt3A_835 = arith.cmpi slt, %add3A_833, %lt3A_834 : i32
      %convert_element_type3A_836 = arith.extui %lt3A_835 : i1 to i32
      %cond3A_837 = arith.constant 0 : i32
      %cond3A_838 = arith.cmpi ne, %convert_element_type3A_836, %cond3A_837 : i32
      scf.if %cond3A_838 {
        %mul3A_840 = arith.constant 200 : i32
        %mul3A_841 = arith.muli %mul3A_2, %mul3A_840 : i32
        %dma_wait3A_842 = arith.constant 1 : i32
        %dma_wait3A_843 = arith.constant 0 : i32
        %dma_wait3A_844 = tpu.memref_slice %arg5[%dma_wait3A_842, %dma_wait3A_843] : memref<2x800xi32, #tpu.memory_space<vmem>> -> memref<1x800xi32, #tpu.memory_space<vmem>>
        %dma_wait3A_845 = tpu.memref_squeeze %dma_wait3A_844 : memref<1x800xi32, #tpu.memory_space<vmem>> -> memref<800xi32, #tpu.memory_space<vmem>>
        %dma_wait3A_846 = tpu.memref_slice %arg2[%mul3A_841] : memref<3276800xi32, #tpu.memory_space<hbm>> -> memref<800xi32, #tpu.memory_space<hbm>>
        %dma_wait3A_847 = arith.constant 0 : i32
        %dma_wait3A_848 = tpu.memref_slice %arg5[%dma_wait3A_842, %dma_wait3A_847] : memref<2x800xi32, #tpu.memory_space<vmem>> -> memref<1x800xi32, #tpu.memory_space<vmem>>
        %dma_wait3A_849 = tpu.memref_squeeze %dma_wait3A_848 : memref<1x800xi32, #tpu.memory_space<vmem>> -> memref<800xi32, #tpu.memory_space<vmem>>
        %dma_wait3A_850 = tpu.memref_slice %arg2[%mul3A_841] : memref<3276800xi32, #tpu.memory_space<hbm>> -> memref<800xi32, #tpu.memory_space<hbm>>
        tpu.wait_dma2 semaphore(%arg9 : memref<!tpu.dma_semaphore, #tpu.memory_space<semaphore_mem>>) src(%dma_wait3A_850 : memref<800xi32, #tpu.memory_space<hbm>>) dst(%dma_wait3A_849 : memref<800xi32, #tpu.memory_space<vmem>>)
        %dma_start3A_851 = arith.constant 1 : i32
        %dma_start3A_852 = arith.constant 1 : i32
        %dma_start3A_853 = arith.constant 0 : i32
        %dma_start3A_854 = arith.constant 0 : i32
        %dma_start3A_855 = tpu.memref_slice %arg6[%dma_start3A_852, %dma_start3A_853, %dma_start3A_854] : memref<2x800x64xf32, #tpu.memory_space<vmem>> -> memref<1x800x64xf32, #tpu.memory_space<vmem>>
        %dma_start3A_856 = tpu.memref_squeeze %dma_start3A_855 : memref<1x800x64xf32, #tpu.memory_space<vmem>> -> memref<800x64xf32, #tpu.memory_space<vmem>>
        %dma_start3A_857 = arith.constant 0 : i32
        %dma_start3A_858 = arith.constant 0 : i32
        %dma_start3A_859 = tpu.memref_slice %dma_start3A_856[%dma_start3A_857, %dma_start3A_858] : memref<800x64xf32, #tpu.memory_space<vmem>> -> memref<128x64xf32, #tpu.memory_space<vmem>>
        %dma_start3A_860 = arith.constant 0 : i32
        %dma_start3A_861 = tpu.memref_slice %arg5[%dma_start3A_851, %dma_start3A_860] : memref<2x800xi32, #tpu.memory_space<vmem>> -> memref<1x800xi32, #tpu.memory_space<vmem>>
        %dma_start3A_862 = tpu.memref_squeeze %dma_start3A_861 : memref<1x800xi32, #tpu.memory_space<vmem>> -> memref<800xi32, #tpu.memory_space<vmem>>
        %dma_start3A_863 = arith.constant 0 : i32
        %dma_start3A_864 = tpu.memref_slice %dma_start3A_862[%dma_start3A_863] : memref<800xi32, #tpu.memory_space<vmem>> -> memref<128xi32, #tpu.memory_space<vmem>>
        %dma_start3A_865 = arith.constant 0 : i32
        %dma_start3A_866 = arith.constant 0 : i32
        %dma_start3A_867 = tpu.memref_slice %arg3[%dma_start3A_865, %dma_start3A_866] : memref<1000000x64xf32, #tpu.memory_space<hbm>> -> memref<1000000x64xf32, #tpu.memory_space<hbm>>
        tpu.enqueue_indirect_dma source(%dma_start3A_867 : memref<1000000x64xf32, #tpu.memory_space<hbm>>) target(%dma_start3A_859 : memref<128x64xf32, #tpu.memory_space<vmem>>) offsets(%dma_start3A_864 : memref<128xi32, #tpu.memory_space<vmem>>) semaphore(%arg11 : memref<!tpu.dma_semaphore, #tpu.memory_space<semaphore_mem>>)
        %dma_start3A_868 = arith.constant 1 : i32
        %dma_start3A_869 = arith.constant 1 : i32
        %dma_start3A_870 = arith.constant 0 : i32
        %dma_start3A_871 = arith.constant 0 : i32
        %dma_start3A_872 = tpu.memref_slice %arg6[%dma_start3A_869, %dma_start3A_870, %dma_start3A_871] : memref<2x800x64xf32, #tpu.memory_space<vmem>> -> memref<1x800x64xf32, #tpu.memory_space<vmem>>
        %dma_start3A_873 = tpu.memref_squeeze %dma_start3A_872 : memref<1x800x64xf32, #tpu.memory_space<vmem>> -> memref<800x64xf32, #tpu.memory_space<vmem>>
        %dma_start3A_874 = arith.constant 128 : i32
        %dma_start3A_875 = arith.constant 0 : i32
        %dma_start3A_876 = tpu.memref_slice %dma_start3A_873[%dma_start3A_874, %dma_start3A_875] : memref<800x64xf32, #tpu.memory_space<vmem>> -> memref<72x64xf32, #tpu.memory_space<vmem>>
        %dma_start3A_877 = arith.constant 0 : i32
        %dma_start3A_878 = tpu.memref_slice %arg5[%dma_start3A_868, %dma_start3A_877] : memref<2x800xi32, #tpu.memory_space<vmem>> -> memref<1x800xi32, #tpu.memory_space<vmem>>
        %dma_start3A_879 = tpu.memref_squeeze %dma_start3A_878 : memref<1x800xi32, #tpu.memory_space<vmem>> -> memref<800xi32, #tpu.memory_space<vmem>>
        %dma_start3A_880 = arith.constant 128 : i32
        %dma_start3A_881 = tpu.memref_slice %dma_start3A_879[%dma_start3A_880] : memref<800xi32, #tpu.memory_space<vmem>> -> memref<72xi32, #tpu.memory_space<vmem>>
        %dma_start3A_882 = arith.constant 0 : i32
        %dma_start3A_883 = arith.constant 0 : i32
        %dma_start3A_884 = tpu.memref_slice %arg3[%dma_start3A_882, %dma_start3A_883] : memref<1000000x64xf32, #tpu.memory_space<hbm>> -> memref<1000000x64xf32, #tpu.memory_space<hbm>>
        tpu.enqueue_indirect_dma source(%dma_start3A_884 : memref<1000000x64xf32, #tpu.memory_space<hbm>>) target(%dma_start3A_876 : memref<72x64xf32, #tpu.memory_space<vmem>>) offsets(%dma_start3A_881 : memref<72xi32, #tpu.memory_space<vmem>>) semaphore(%arg11 : memref<!tpu.dma_semaphore, #tpu.memory_space<semaphore_mem>>)
        %dma_start3A_885 = arith.constant 1 : i32
        %dma_start3A_886 = arith.constant 1 : i32
        %dma_start3A_887 = arith.constant 0 : i32
        %dma_start3A_888 = arith.constant 0 : i32
        %dma_start3A_889 = tpu.memref_slice %arg6[%dma_start3A_886, %dma_start3A_887, %dma_start3A_888] : memref<2x800x64xf32, #tpu.memory_space<vmem>> -> memref<1x800x64xf32, #tpu.memory_space<vmem>>
        %dma_start3A_890 = tpu.memref_squeeze %dma_start3A_889 : memref<1x800x64xf32, #tpu.memory_space<vmem>> -> memref<800x64xf32, #tpu.memory_space<vmem>>
        %dma_start3A_891 = arith.constant 200 : i32
        %dma_start3A_892 = arith.constant 0 : i32
        %dma_start3A_893 = tpu.memref_slice %dma_start3A_890[%dma_start3A_891, %dma_start3A_892] : memref<800x64xf32, #tpu.memory_space<vmem>> -> memref<128x64xf32, #tpu.memory_space<vmem>>
        %dma_start3A_894 = arith.constant 0 : i32
        %dma_start3A_895 = tpu.memref_slice %arg5[%dma_start3A_885, %dma_start3A_894] : memref<2x800xi32, #tpu.memory_space<vmem>> -> memref<1x800xi32, #tpu.memory_space<vmem>>
        %dma_start3A_896 = tpu.memref_squeeze %dma_start3A_895 : memref<1x800xi32, #tpu.memory_space<vmem>> -> memref<800xi32, #tpu.memory_space<vmem>>
        %dma_start3A_897 = arith.constant 200 : i32
        %dma_start3A_898 = tpu.memref_slice %dma_start3A_896[%dma_start3A_897] : memref<800xi32, #tpu.memory_space<vmem>> -> memref<128xi32, #tpu.memory_space<vmem>>
        %dma_start3A_899 = arith.constant 0 : i32
        %dma_start3A_900 = arith.constant 0 : i32
        %dma_start3A_901 = tpu.memref_slice %arg3[%dma_start3A_899, %dma_start3A_900] : memref<1000000x64xf32, #tpu.memory_space<hbm>> -> memref<1000000x64xf32, #tpu.memory_space<hbm>>
        tpu.enqueue_indirect_dma source(%dma_start3A_901 : memref<1000000x64xf32, #tpu.memory_space<hbm>>) target(%dma_start3A_893 : memref<128x64xf32, #tpu.memory_space<vmem>>) offsets(%dma_start3A_898 : memref<128xi32, #tpu.memory_space<vmem>>) semaphore(%arg11 : memref<!tpu.dma_semaphore, #tpu.memory_space<semaphore_mem>>)
        %dma_start3A_902 = arith.constant 1 : i32
        %dma_start3A_903 = arith.constant 1 : i32
        %dma_start3A_904 = arith.constant 0 : i32
        %dma_start3A_905 = arith.constant 0 : i32
        %dma_start3A_906 = tpu.memref_slice %arg6[%dma_start3A_903, %dma_start3A_904, %dma_start3A_905] : memref<2x800x64xf32, #tpu.memory_space<vmem>> -> memref<1x800x64xf32, #tpu.memory_space<vmem>>
        %dma_start3A_907 = tpu.memref_squeeze %dma_start3A_906 : memref<1x800x64xf32, #tpu.memory_space<vmem>> -> memref<800x64xf32, #tpu.memory_space<vmem>>
        %dma_start3A_908 = arith.constant 328 : i32
        %dma_start3A_909 = arith.constant 0 : i32
        %dma_start3A_910 = tpu.memref_slice %dma_start3A_907[%dma_start3A_908, %dma_start3A_909] : memref<800x64xf32, #tpu.memory_space<vmem>> -> memref<72x64xf32, #tpu.memory_space<vmem>>
        %dma_start3A_911 = arith.constant 0 : i32
        %dma_start3A_912 = tpu.memref_slice %arg5[%dma_start3A_902, %dma_start3A_911] : memref<2x800xi32, #tpu.memory_space<vmem>> -> memref<1x800xi32, #tpu.memory_space<vmem>>
        %dma_start3A_913 = tpu.memref_squeeze %dma_start3A_912 : memref<1x800xi32, #tpu.memory_space<vmem>> -> memref<800xi32, #tpu.memory_space<vmem>>
        %dma_start3A_914 = arith.constant 328 : i32
        %dma_start3A_915 = tpu.memref_slice %dma_start3A_913[%dma_start3A_914] : memref<800xi32, #tpu.memory_space<vmem>> -> memref<72xi32, #tpu.memory_space<vmem>>
        %dma_start3A_916 = arith.constant 0 : i32
        %dma_start3A_917 = arith.constant 0 : i32
        %dma_start3A_918 = tpu.memref_slice %arg3[%dma_start3A_916, %dma_start3A_917] : memref<1000000x64xf32, #tpu.memory_space<hbm>> -> memref<1000000x64xf32, #tpu.memory_space<hbm>>
        tpu.enqueue_indirect_dma source(%dma_start3A_918 : memref<1000000x64xf32, #tpu.memory_space<hbm>>) target(%dma_start3A_910 : memref<72x64xf32, #tpu.memory_space<vmem>>) offsets(%dma_start3A_915 : memref<72xi32, #tpu.memory_space<vmem>>) semaphore(%arg11 : memref<!tpu.dma_semaphore, #tpu.memory_space<semaphore_mem>>)
        %dma_start3A_919 = arith.constant 1 : i32
        %dma_start3A_920 = arith.constant 1 : i32
        %dma_start3A_921 = arith.constant 0 : i32
        %dma_start3A_922 = arith.constant 0 : i32
        %dma_start3A_923 = tpu.memref_slice %arg6[%dma_start3A_920, %dma_start3A_921, %dma_start3A_922] : memref<2x800x64xf32, #tpu.memory_space<vmem>> -> memref<1x800x64xf32, #tpu.memory_space<vmem>>
        %dma_start3A_924 = tpu.memref_squeeze %dma_start3A_923 : memref<1x800x64xf32, #tpu.memory_space<vmem>> -> memref<800x64xf32, #tpu.memory_space<vmem>>
        %dma_start3A_925 = arith.constant 400 : i32
        %dma_start3A_926 = arith.constant 0 : i32
        %dma_start3A_927 = tpu.memref_slice %dma_start3A_924[%dma_start3A_925, %dma_start3A_926] : memref<800x64xf32, #tpu.memory_space<vmem>> -> memref<128x64xf32, #tpu.memory_space<vmem>>
        %dma_start3A_928 = arith.constant 0 : i32
        %dma_start3A_929 = tpu.memref_slice %arg5[%dma_start3A_919, %dma_start3A_928] : memref<2x800xi32, #tpu.memory_space<vmem>> -> memref<1x800xi32, #tpu.memory_space<vmem>>
        %dma_start3A_930 = tpu.memref_squeeze %dma_start3A_929 : memref<1x800xi32, #tpu.memory_space<vmem>> -> memref<800xi32, #tpu.memory_space<vmem>>
        %dma_start3A_931 = arith.constant 400 : i32
        %dma_start3A_932 = tpu.memref_slice %dma_start3A_930[%dma_start3A_931] : memref<800xi32, #tpu.memory_space<vmem>> -> memref<128xi32, #tpu.memory_space<vmem>>
        %dma_start3A_933 = arith.constant 0 : i32
        %dma_start3A_934 = arith.constant 0 : i32
        %dma_start3A_935 = tpu.memref_slice %arg3[%dma_start3A_933, %dma_start3A_934] : memref<1000000x64xf32, #tpu.memory_space<hbm>> -> memref<1000000x64xf32, #tpu.memory_space<hbm>>
        tpu.enqueue_indirect_dma source(%dma_start3A_935 : memref<1000000x64xf32, #tpu.memory_space<hbm>>) target(%dma_start3A_927 : memref<128x64xf32, #tpu.memory_space<vmem>>) offsets(%dma_start3A_932 : memref<128xi32, #tpu.memory_space<vmem>>) semaphore(%arg11 : memref<!tpu.dma_semaphore, #tpu.memory_space<semaphore_mem>>)
        %dma_start3A_936 = arith.constant 1 : i32
        %dma_start3A_937 = arith.constant 1 : i32
        %dma_start3A_938 = arith.constant 0 : i32
        %dma_start3A_939 = arith.constant 0 : i32
        %dma_start3A_940 = tpu.memref_slice %arg6[%dma_start3A_937, %dma_start3A_938, %dma_start3A_939] : memref<2x800x64xf32, #tpu.memory_space<vmem>> -> memref<1x800x64xf32, #tpu.memory_space<vmem>>
        %dma_start3A_941 = tpu.memref_squeeze %dma_start3A_940 : memref<1x800x64xf32, #tpu.memory_space<vmem>> -> memref<800x64xf32, #tpu.memory_space<vmem>>
        %dma_start3A_942 = arith.constant 528 : i32
        %dma_start3A_943 = arith.constant 0 : i32
        %dma_start3A_944 = tpu.memref_slice %dma_start3A_941[%dma_start3A_942, %dma_start3A_943] : memref<800x64xf32, #tpu.memory_space<vmem>> -> memref<72x64xf32, #tpu.memory_space<vmem>>
        %dma_start3A_945 = arith.constant 0 : i32
        %dma_start3A_946 = tpu.memref_slice %arg5[%dma_start3A_936, %dma_start3A_945] : memref<2x800xi32, #tpu.memory_space<vmem>> -> memref<1x800xi32, #tpu.memory_space<vmem>>
        %dma_start3A_947 = tpu.memref_squeeze %dma_start3A_946 : memref<1x800xi32, #tpu.memory_space<vmem>> -> memref<800xi32, #tpu.memory_space<vmem>>
        %dma_start3A_948 = arith.constant 528 : i32
        %dma_start3A_949 = tpu.memref_slice %dma_start3A_947[%dma_start3A_948] : memref<800xi32, #tpu.memory_space<vmem>> -> memref<72xi32, #tpu.memory_space<vmem>>
        %dma_start3A_950 = arith.constant 0 : i32
        %dma_start3A_951 = arith.constant 0 : i32
        %dma_start3A_952 = tpu.memref_slice %arg3[%dma_start3A_950, %dma_start3A_951] : memref<1000000x64xf32, #tpu.memory_space<hbm>> -> memref<1000000x64xf32, #tpu.memory_space<hbm>>
        tpu.enqueue_indirect_dma source(%dma_start3A_952 : memref<1000000x64xf32, #tpu.memory_space<hbm>>) target(%dma_start3A_944 : memref<72x64xf32, #tpu.memory_space<vmem>>) offsets(%dma_start3A_949 : memref<72xi32, #tpu.memory_space<vmem>>) semaphore(%arg11 : memref<!tpu.dma_semaphore, #tpu.memory_space<semaphore_mem>>)
        %dma_start3A_953 = arith.constant 1 : i32
        %dma_start3A_954 = arith.constant 1 : i32
        %dma_start3A_955 = arith.constant 0 : i32
        %dma_start3A_956 = arith.constant 0 : i32
        %dma_start3A_957 = tpu.memref_slice %arg6[%dma_start3A_954, %dma_start3A_955, %dma_start3A_956] : memref<2x800x64xf32, #tpu.memory_space<vmem>> -> memref<1x800x64xf32, #tpu.memory_space<vmem>>
        %dma_start3A_958 = tpu.memref_squeeze %dma_start3A_957 : memref<1x800x64xf32, #tpu.memory_space<vmem>> -> memref<800x64xf32, #tpu.memory_space<vmem>>
        %dma_start3A_959 = arith.constant 600 : i32
        %dma_start3A_960 = arith.constant 0 : i32
        %dma_start3A_961 = tpu.memref_slice %dma_start3A_958[%dma_start3A_959, %dma_start3A_960] : memref<800x64xf32, #tpu.memory_space<vmem>> -> memref<128x64xf32, #tpu.memory_space<vmem>>
        %dma_start3A_962 = arith.constant 0 : i32
        %dma_start3A_963 = tpu.memref_slice %arg5[%dma_start3A_953, %dma_start3A_962] : memref<2x800xi32, #tpu.memory_space<vmem>> -> memref<1x800xi32, #tpu.memory_space<vmem>>
        %dma_start3A_964 = tpu.memref_squeeze %dma_start3A_963 : memref<1x800xi32, #tpu.memory_space<vmem>> -> memref<800xi32, #tpu.memory_space<vmem>>
        %dma_start3A_965 = arith.constant 600 : i32
        %dma_start3A_966 = tpu.memref_slice %dma_start3A_964[%dma_start3A_965] : memref<800xi32, #tpu.memory_space<vmem>> -> memref<128xi32, #tpu.memory_space<vmem>>
        %dma_start3A_967 = arith.constant 0 : i32
        %dma_start3A_968 = arith.constant 0 : i32
        %dma_start3A_969 = tpu.memref_slice %arg3[%dma_start3A_967, %dma_start3A_968] : memref<1000000x64xf32, #tpu.memory_space<hbm>> -> memref<1000000x64xf32, #tpu.memory_space<hbm>>
        tpu.enqueue_indirect_dma source(%dma_start3A_969 : memref<1000000x64xf32, #tpu.memory_space<hbm>>) target(%dma_start3A_961 : memref<128x64xf32, #tpu.memory_space<vmem>>) offsets(%dma_start3A_966 : memref<128xi32, #tpu.memory_space<vmem>>) semaphore(%arg11 : memref<!tpu.dma_semaphore, #tpu.memory_space<semaphore_mem>>)
        %dma_start3A_970 = arith.constant 1 : i32
        %dma_start3A_971 = arith.constant 1 : i32
        %dma_start3A_972 = arith.constant 0 : i32
        %dma_start3A_973 = arith.constant 0 : i32
        %dma_start3A_974 = tpu.memref_slice %arg6[%dma_start3A_971, %dma_start3A_972, %dma_start3A_973] : memref<2x800x64xf32, #tpu.memory_space<vmem>> -> memref<1x800x64xf32, #tpu.memory_space<vmem>>
        %dma_start3A_975 = tpu.memref_squeeze %dma_start3A_974 : memref<1x800x64xf32, #tpu.memory_space<vmem>> -> memref<800x64xf32, #tpu.memory_space<vmem>>
        %dma_start3A_976 = arith.constant 728 : i32
        %dma_start3A_977 = arith.constant 0 : i32
        %dma_start3A_978 = tpu.memref_slice %dma_start3A_975[%dma_start3A_976, %dma_start3A_977] : memref<800x64xf32, #tpu.memory_space<vmem>> -> memref<72x64xf32, #tpu.memory_space<vmem>>
        %dma_start3A_979 = arith.constant 0 : i32
        %dma_start3A_980 = tpu.memref_slice %arg5[%dma_start3A_970, %dma_start3A_979] : memref<2x800xi32, #tpu.memory_space<vmem>> -> memref<1x800xi32, #tpu.memory_space<vmem>>
        %dma_start3A_981 = tpu.memref_squeeze %dma_start3A_980 : memref<1x800xi32, #tpu.memory_space<vmem>> -> memref<800xi32, #tpu.memory_space<vmem>>
        %dma_start3A_982 = arith.constant 728 : i32
        %dma_start3A_983 = tpu.memref_slice %dma_start3A_981[%dma_start3A_982] : memref<800xi32, #tpu.memory_space<vmem>> -> memref<72xi32, #tpu.memory_space<vmem>>
        %dma_start3A_984 = arith.constant 0 : i32
        %dma_start3A_985 = arith.constant 0 : i32
        %dma_start3A_986 = tpu.memref_slice %arg3[%dma_start3A_984, %dma_start3A_985] : memref<1000000x64xf32, #tpu.memory_space<hbm>> -> memref<1000000x64xf32, #tpu.memory_space<hbm>>
        tpu.enqueue_indirect_dma source(%dma_start3A_986 : memref<1000000x64xf32, #tpu.memory_space<hbm>>) target(%dma_start3A_978 : memref<72x64xf32, #tpu.memory_space<vmem>>) offsets(%dma_start3A_983 : memref<72xi32, #tpu.memory_space<vmem>>) semaphore(%arg11 : memref<!tpu.dma_semaphore, #tpu.memory_space<semaphore_mem>>)
      } else {
      }
      %scan3A_839 = arith.constant 0 : i32
      scf.yield %scan3A_839 : i32
    }
    %scan3A_326 = arith.constant 64 : i32
    %dma_wait3A_327 = arith.constant 0 : i32
    %dma_wait3A_328 = arith.constant 0 : i32
    %dma_wait3A_329 = arith.constant 0 : i32
    %dma_wait3A_330 = tpu.memref_slice %arg7[%dma_wait3A_327, %dma_wait3A_328, %dma_wait3A_329] : memref<2x4x64xf32, #tpu.memory_space<vmem>> -> memref<1x4x64xf32, #tpu.memory_space<vmem>>
    %dma_wait3A_331 = tpu.memref_squeeze %dma_wait3A_330 : memref<1x4x64xf32, #tpu.memory_space<vmem>> -> memref<4x64xf32, #tpu.memory_space<vmem>>
    %dma_wait3A_332 = arith.constant 0 : i32
    %dma_wait3A_333 = tpu.memref_slice %arg4[%mul3A_2, %dma_wait3A_332] : memref<16384x64xf32, #tpu.memory_space<hbm>> -> memref<4x64xf32, #tpu.memory_space<hbm>>
    %dma_wait3A_334 = arith.constant 0 : i32
    %dma_wait3A_335 = tpu.memref_slice %arg4[%mul3A_2, %dma_wait3A_334] : memref<16384x64xf32, #tpu.memory_space<hbm>> -> memref<4x64xf32, #tpu.memory_space<hbm>>
    %dma_wait3A_336 = arith.constant 0 : i32
    %dma_wait3A_337 = arith.constant 0 : i32
    %dma_wait3A_338 = tpu.memref_slice %arg7[%dma_wait3A_327, %dma_wait3A_336, %dma_wait3A_337] : memref<2x4x64xf32, #tpu.memory_space<vmem>> -> memref<1x4x64xf32, #tpu.memory_space<vmem>>
    %dma_wait3A_339 = tpu.memref_squeeze %dma_wait3A_338 : memref<1x4x64xf32, #tpu.memory_space<vmem>> -> memref<4x64xf32, #tpu.memory_space<vmem>>
    tpu.wait_dma2 semaphore(%arg12 : memref<!tpu.dma_semaphore, #tpu.memory_space<semaphore_mem>>) src(%dma_wait3A_339 : memref<4x64xf32, #tpu.memory_space<vmem>>) dst(%dma_wait3A_335 : memref<4x64xf32, #tpu.memory_space<hbm>>)
    %dma_wait3A_340 = arith.constant 1 : i32
    %dma_wait3A_341 = arith.constant 0 : i32
    %dma_wait3A_342 = arith.constant 0 : i32
    %dma_wait3A_343 = tpu.memref_slice %arg7[%dma_wait3A_340, %dma_wait3A_341, %dma_wait3A_342] : memref<2x4x64xf32, #tpu.memory_space<vmem>> -> memref<1x4x64xf32, #tpu.memory_space<vmem>>
    %dma_wait3A_344 = tpu.memref_squeeze %dma_wait3A_343 : memref<1x4x64xf32, #tpu.memory_space<vmem>> -> memref<4x64xf32, #tpu.memory_space<vmem>>
    %dma_wait3A_345 = arith.constant 0 : i32
    %dma_wait3A_346 = tpu.memref_slice %arg4[%mul3A_2, %dma_wait3A_345] : memref<16384x64xf32, #tpu.memory_space<hbm>> -> memref<4x64xf32, #tpu.memory_space<hbm>>
    %dma_wait3A_347 = arith.constant 0 : i32
    %dma_wait3A_348 = tpu.memref_slice %arg4[%mul3A_2, %dma_wait3A_347] : memref<16384x64xf32, #tpu.memory_space<hbm>> -> memref<4x64xf32, #tpu.memory_space<hbm>>
    %dma_wait3A_349 = arith.constant 0 : i32
    %dma_wait3A_350 = arith.constant 0 : i32
    %dma_wait3A_351 = tpu.memref_slice %arg7[%dma_wait3A_340, %dma_wait3A_349, %dma_wait3A_350] : memref<2x4x64xf32, #tpu.memory_space<vmem>> -> memref<1x4x64xf32, #tpu.memory_space<vmem>>
    %dma_wait3A_352 = tpu.memref_squeeze %dma_wait3A_351 : memref<1x4x64xf32, #tpu.memory_space<vmem>> -> memref<4x64xf32, #tpu.memory_space<vmem>>
    tpu.wait_dma2 semaphore(%arg13 : memref<!tpu.dma_semaphore, #tpu.memory_space<semaphore_mem>>) src(%dma_wait3A_352 : memref<4x64xf32, #tpu.memory_space<vmem>>) dst(%dma_wait3A_348 : memref<4x64xf32, #tpu.memory_space<hbm>>)
    return
  }
}

module attributes {stable_mosaic.version = 14 : i64} {
  func.func @body(%arg0: i32, %arg1: memref<2048x64xf32, #tpu.memory_space<vmem>>, %arg2: memref<64x256xf32, #tpu.memory_space<vmem>>, %arg3: memref<1x256xf32, #tpu.memory_space<vmem>>, %arg4: memref<256x1xf32, #tpu.memory_space<vmem>>, %arg5: memref<1x1xf32, #tpu.memory_space<vmem>>, %arg6: memref<2048x1xf32, #tpu.memory_space<vmem>>) attributes {dimension_semantics = [#tpu.dimension_semantics<arbitrary>], iteration_bounds = array<i64: 8>, scalar_prefetch = 0 : i64, scratch_operands = 0 : i64, tpu.core_type = #tpu.core_type<tc>, window_params = [{transform_indices = @transform_0, window_bounds = array<i64: 2048, 64>}, {pipeline_mode = #tpu.pipeline_mode<synchronous>, transform_indices = @transform_1, window_bounds = array<i64: 64, 256>}, {pipeline_mode = #tpu.pipeline_mode<synchronous>, transform_indices = @transform_2, window_bounds = array<i64: 1, 256>}, {pipeline_mode = #tpu.pipeline_mode<synchronous>, transform_indices = @transform_3, window_bounds = array<i64: 256, 1>}, {pipeline_mode = #tpu.pipeline_mode<synchronous>, transform_indices = @transform_4, window_bounds = array<i64: 1, 1>}, {transform_indices = @transform_5, window_bounds = array<i64: 2048, 1>}]} {
    %get3A = arith.constant 0 : index
    %get3A_0 = arith.constant 0 : index
    %get3A_1 = vector.load %arg1[%get3A, %get3A_0] : memref<2048x64xf32, #tpu.memory_space<vmem>>, vector<2048x64xf32>
    %get3A_2 = arith.constant 0 : index
    %get3A_3 = arith.constant 0 : index
    %get3A_4 = vector.load %arg2[%get3A_2, %get3A_3] : memref<64x256xf32, #tpu.memory_space<vmem>>, vector<64x256xf32>
    %dot_general3A = arith.constant dense<0.000000e+00> : vector<2048x256xf32>
    %dot_general3A_5 = tpu.matmul %get3A_1, %get3A_4, %dot_general3A {dimension_numbers = #tpu.dot_dimension_numbers<[1], [0], [0], [1], [0, 0, 1, 1], [], []>, transpose_lhs_hint = false} : vector<2048x64xf32>, vector<64x256xf32>, vector<2048x256xf32> -> vector<2048x256xf32>
    %get3A_6 = arith.constant 0 : index
    %get3A_7 = arith.constant 0 : index
    %get3A_8 = vector.load %arg3[%get3A_6, %get3A_7] : memref<1x256xf32, #tpu.memory_space<vmem>>, vector<1x256xf32>
    %add3A = vector.broadcast %get3A_8 : vector<1x256xf32> to vector<2048x256xf32>
    %add3A_9 = arith.addf %dot_general3A_5, %add3A : vector<2048x256xf32>
    %neg3A = arith.constant 0.000000e+00 : f32
    %neg3A_10 = vector.broadcast %neg3A : f32 to vector<2048x256xf32>
    %neg3A_11 = arith.subf %neg3A_10, %add3A_9 : vector<2048x256xf32>
    %exp3A = math.exp %neg3A_11 : vector<2048x256xf32>
    %add3A_12 = arith.constant 1.000000e+00 : f32
    %add3A_13 = vector.broadcast %add3A_12 : f32 to vector<2048x256xf32>
    %add3A_14 = arith.addf %add3A_13, %exp3A : vector<2048x256xf32>
    %div3A = arith.constant 1.000000e+00 : f32
    %div3A_15 = vector.broadcast %div3A : f32 to vector<2048x256xf32>
    %div3A_16 = arith.divf %div3A_15, %add3A_14 : vector<2048x256xf32>
    %mul3A = arith.mulf %add3A_9, %div3A_16 : vector<2048x256xf32>
    %get3A_17 = arith.constant 0 : index
    %get3A_18 = arith.constant 0 : index
    %get3A_19 = vector.load %arg4[%get3A_17, %get3A_18] : memref<256x1xf32, #tpu.memory_space<vmem>>, vector<256x1xf32>
    %dot_general3A_20 = arith.constant dense<0.000000e+00> : vector<2048x1xf32>
    %dot_general3A_21 = tpu.matmul %mul3A, %get3A_19, %dot_general3A_20 {dimension_numbers = #tpu.dot_dimension_numbers<[1], [0], [0], [1], [0, 0, 1, 1], [], []>, transpose_lhs_hint = false} : vector<2048x256xf32>, vector<256x1xf32>, vector<2048x1xf32> -> vector<2048x1xf32>
    %get3A_22 = arith.constant 0 : index
    %get3A_23 = arith.constant 0 : index
    %get3A_24 = vector.load %arg5[%get3A_22, %get3A_23] : memref<1x1xf32, #tpu.memory_space<vmem>>, vector<1x1xf32>
    %add3A_25 = vector.broadcast %get3A_24 : vector<1x1xf32> to vector<2048x1xf32>
    %add3A_26 = arith.addf %dot_general3A_21, %add3A_25 : vector<2048x1xf32>
    %neg3A_27 = arith.constant 0.000000e+00 : f32
    %neg3A_28 = vector.broadcast %neg3A_27 : f32 to vector<2048x1xf32>
    %neg3A_29 = arith.subf %neg3A_28, %add3A_26 : vector<2048x1xf32>
    %exp3A_30 = math.exp %neg3A_29 : vector<2048x1xf32>
    %add3A_31 = arith.constant 1.000000e+00 : f32
    %add3A_32 = vector.broadcast %add3A_31 : f32 to vector<2048x1xf32>
    %add3A_33 = arith.addf %add3A_32, %exp3A_30 : vector<2048x1xf32>
    %div3A_34 = arith.constant 1.000000e+00 : f32
    %div3A_35 = vector.broadcast %div3A_34 : f32 to vector<2048x1xf32>
    %div3A_36 = arith.divf %div3A_35, %add3A_33 : vector<2048x1xf32>
    %swap3A = arith.constant 0 : index
    %swap3A_37 = arith.constant 0 : index
    %swap3A_38 = vector.load %arg6[%swap3A, %swap3A_37] : memref<2048x1xf32, #tpu.memory_space<vmem>>, vector<2048x1xf32>
    tpu.vector_store %arg6[%swap3A, %swap3A_37], %div3A_36 {strides = array<i32>} : memref<2048x1xf32, #tpu.memory_space<vmem>>, vector<2048x1xf32>,
    return
  }
  func.func @transform_0(%arg0: i32) -> (i32, i32) {
    %c0_i32 = arith.constant 0 : i32
    %c0_i32_0 = arith.constant 0 : i32
    return %arg0, %c0_i32 : i32, i32
  }
  func.func @transform_1(%arg0: i32) -> (i32, i32) {
    %c0_i32 = arith.constant 0 : i32
    %c0_i32_0 = arith.constant 0 : i32
    %c0_i32_1 = arith.constant 0 : i32
    return %c0_i32, %c0_i32_0 : i32, i32
  }
  func.func @transform_2(%arg0: i32) -> (i32, i32) {
    %c0_i32 = arith.constant 0 : i32
    %c0_i32_0 = arith.constant 0 : i32
    %c0_i32_1 = arith.constant 0 : i32
    return %c0_i32, %c0_i32_0 : i32, i32
  }
  func.func @transform_3(%arg0: i32) -> (i32, i32) {
    %c0_i32 = arith.constant 0 : i32
    %c0_i32_0 = arith.constant 0 : i32
    %c0_i32_1 = arith.constant 0 : i32
    return %c0_i32, %c0_i32_0 : i32, i32
  }
  func.func @transform_4(%arg0: i32) -> (i32, i32) {
    %c0_i32 = arith.constant 0 : i32
    %c0_i32_0 = arith.constant 0 : i32
    %c0_i32_1 = arith.constant 0 : i32
    return %c0_i32, %c0_i32_0 : i32, i32
  }
  func.func @transform_5(%arg0: i32) -> (i32, i32) {
    %c0_i32 = arith.constant 0 : i32
    %c0_i32_0 = arith.constant 0 : i32
    return %arg0, %c0_i32 : i32, i32
  }
}

</mosaic_0001>

<sc_bundles>
// kernel: kernel.4.cloned.1.call-start
scs
__scs_entry_jumppad:
0x0: {  	(pc) =	sbr.rel $0x88, $3  }
0x1: {  	(tag) =	ssettag $0x0;
	lr =	simm.s32 $0x1  }
0x2: {  	[smem:$0x3F9B] =	sst lr;
	_ =	strace $0xD0000000  }
0x3: {  	_ = 	snop  }
0x4: {  	_ = 	snop  }
0x5: {  	_ = 	snop  }
0x6: {  	_ = 	snop  }
0x7: {  	_ = 	snop  }
__scs_overlays_trampoline_lowered:
0x8: {  	[smem:$0x3FAA] =	sst s0  }
0x9: {  	[smem:$0x3FAB] =	sst s1  }
0xa: {  	[smem:$0x3FAC] =	sst s2  }
0xb: {  	[smem:$0x3FAD] =	sst s3  }
0xc: {  	[smem:$0x3FAE] =	sst s4  }
0xd: {  	[smem:$0x3FAF] =	sst s5  }
0xe: {  	[smem:$0x3FB0] =	sst s6  }
0xf: {  	[smem:$0x3FB1] =	sst s7  }
0x10: {  	[smem:$0x3FB2] =	sst s8  }
0x11: {  	[smem:$0x3FB3] =	sst s9;
	s0 =	simm.s32 @!p0 $0x0  }
0x12: {  	s1 =	sld [smem:$0x3F99];
	s0 =	simm.s32 @p0 $0x1  }
0x13: {  	[smem:$0x3FB4] =	sst s0;
	s0 =	simm.s32 @!p1 $0x0  }
0x14: {  	s2 =	sld [smem:$0x3F98];
	s0 =	simm.s32 @p1 $0x1  }
0x15: {  	[smem:$0x3FB5] =	sst s0;
	s0 =	simm.s32 @!p2 $0x0  }
0x16: {  	s3 =	sld [smem:$0x3FDB];
	s0 =	simm.s32 @p2 $0x1  }
0x17: {  	s4 =	simm.s32 $0x1BF5;
	[smem:$0x3FB7] =	sst s0  }
0x18: {  	s0 =	sld [smem:$0x3F9A];
	_ =	swait.ge [sflag:s4], $0x0  }
0x19: {  	s7 =	sld [smem:$0x3F9B]  }
0x1a: {  	s8 =	sadd.s32 $0xFFFFE003, lr  }
0x1b: {  	s9 =	sadd.s32 $0xFFFFFEF7, lr;
	s5 =	simm.s32 $0xFFFFFFFF;
	p2 =	slt.u32 s8, $0xFFFFF086  }
0x1c: {  	p1 =	slt.u32 s9, $0xF7A;
	s5 =	simm.s32 @!p2 $0x0  }
0x1d: {  	s5 =	simm.s32 @p1 $0x1;
	p0 =	seq.s32 s7, s2  }
0x1e: {  	s7 =	smul.u32 @!p0 $0xF7A, s2;
	p2 =	seq.s32 @!p0 s5, $0x0  }
0x1f: {  	s9 =	smul.u32 $0xF7A, s1;
	s8 =	simm.s32 @!p0 $0x1BF5;
	p2 =	por !p2, p0  }
0x20: {  	[sflag:s8] =	ssyncset.s32 @!p0 $0xFFFFF086;
	s6 =	sadd.s32 @!p0 s3, s7;
	s7 =	simm.s32 @!p0 $0x108  }
0x21: {  	s3 =	sadd.s32 s3, s9;
	s6 =	sadd.s32 @!p0 $0x88, s6;
	s7 =	simm.s32 @p2 $0x1082  }
0x22: {  	[simem:s7], [sflag:s8] =	dma.local @!p0 [hbm:s6], $0xF7A  }
0x23: {  	s9 =	sor.u32 $0xD0000000, s2;
	s6 =	simm.s32 $0x108;
	_ =	swait.ge @!p0 [sflag:s8], $0x0  }
0x24: {  	s3 =	sadd.s32 $0x88, s3;
	s6 =	simm.s32 @!p1 $0x1082;
	[sflag:s4] =	ssyncset.s32 $0xFFFFF086  }
0x25: {  	[simem:s6], [sflag:s4] =	dma.local [hbm:s3], $0xF7A  }
0x26: {  	[smem:$0x3F9B] =	sst s1;
	(tag) =	ssettag s2;
	_ =	strace s9  }
0x27: {  	s1 =	sld [smem:$0x3FAB]  }
0x28: {  	s2 =	sld [smem:$0x3FAC]  }
0x29: {  	s4 =	sld [smem:$0x3FAE]  }
0x2a: {  	p0 =	seq.s32 s5, $0x0;
	s5 =	sld [smem:$0x3FAF]  }
0x2b: {  	s6 =	sld [smem:$0x3FB0]  }
0x2c: {  	s7 =	sld [smem:$0x3FB1]  }
0x2d: {  	s3 =	simm.s32 $0x108;
	s8 =	sld [smem:$0x3FB2]  }
0x2e: {  	s3 =	simm.s32 @!p0 $0x1082;
	s9 =	sld [smem:$0x3FB3]  }
0x2f: {  	lr =	sadd.s32 s0, s3;
	s0 =	sld [smem:$0x3FAA]  }
0x30: {  	s3 =	sld [smem:$0x3FAD]  }
0x31: {  	[smem:$0x3FB6] =	sst s10  }
0x32: {  	s10 =	sld [smem:$0x3FB4];
	_ =	sdelay $0x3  }
0x33: {  	p0 =	seq.s32 s10, $0x1;
	s10 =	sld [smem:$0x3FB6];
	_ =	sdelay $0x3  }
0x34: {  	[smem:$0x3FB6] =	sst s10  }
0x35: {  	s10 =	sld [smem:$0x3FB5];
	_ =	sdelay $0x3  }
0x36: {  	p1 =	seq.s32 s10, $0x1;
	s10 =	sld [smem:$0x3FB6];
	_ =	sdelay $0x3  }
0x37: {  	[smem:$0x3FB6] =	sst s10  }
0x38: {  	s10 =	sld [smem:$0x3FB7]  }
0x39: {  	_ = 	snop;
	(pc) =	sbr.ind lr, $3  }
0x3a: {  	_ = 	snop  }
0x3b: {  	_ = 	snop  }
0x3c: {  	p2 =	seq.s32 s10, $0x1;
	s10 =	sld [smem:$0x3FB6]  }
0x3d: {  	_ =	shalt  }
0x3e: {  	_ =	shalt  }
0x3f: {  	_ =	shalt  }
0x40: {  	_ =	shalt  }
0x41: {  	_ =	shalt  }
0x42: {  	_ =	shalt  }
0x43: {  	_ =	shalt  }
0x44: {  	_ =	shalt  }
0x45: {  	_ =	shalt  }
0x46: {  	_ =	shalt  }
0x47: {  	_ =	shalt  }
0x48: {  	_ =	shalt  }
0x49: {  	_ =	shalt  }
0x4a: {  	_ =	shalt  }
0x4b: {  	_ =	shalt  }
0x4c: {  	_ =	shalt  }
0x4d: {  	_ =	shalt  }
0x4e: {  	_ =	shalt  }
0x4f: {  	_ =	shalt  }
0x50: {  	_ =	shalt  }
0x51: {  	_ =	shalt  }
0x52: {  	_ =	shalt  }
0x53: {  	_ =	shalt  }
0x54: {  	_ =	shalt  }
0x55: {  	_ =	shalt  }
0x56: {  	_ =	shalt  }
0x57: {  	_ =	shalt  }
0x58: {  	_ =	shalt  }
0x59: {  	_ =	shalt  }
0x5a: {  	_ =	shalt  }
0x5b: {  	_ =	shalt  }
0x5c: {  	_ =	shalt  }
0x5d: {  	_ =	shalt  }
0x5e: {  	_ =	shalt  }
0x5f: {  	_ =	shalt  }
0x60: {  	_ =	shalt  }
0x61: {  	_ =	shalt  }
0x62: {  	_ =	shalt  }
0x63: {  	_ =	shalt  }
0x64: {  	_ =	shalt  }
0x65: {  	_ =	shalt  }
0x66: {  	_ =	shalt  }
0x67: {  	_ =	shalt  }
0x68: {  	_ =	shalt  }
0x69: {  	_ =	shalt  }
0x6a: {  	_ =	shalt  }
0x6b: {  	_ =	shalt  }
0x6c: {  	_ =	shalt  }
0x6d: {  	_ =	shalt  }
0x6e: {  	_ =	shalt  }
0x6f: {  	_ =	shalt  }
0x70: {  	_ =	shalt  }
0x71: {  	_ =	shalt  }
0x72: {  	_ =	shalt  }
0x73: {  	_ =	shalt  }
0x74: {  	_ =	shalt  }
0x75: {  	_ =	shalt  }
0x76: {  	_ =	shalt  }
0x77: {  	_ =	shalt  }
0x78: {  	_ =	shalt  }
0x79: {  	_ =	shalt  }
0x7a: {  	_ =	shalt  }
0x7b: {  	_ =	shalt  }
0x7c: {  	_ =	shalt  }
0x7d: {  	_ =	shalt  }
0x7e: {  	_ =	shalt  }
0x7f: {  	_ =	shalt  }
0x80: {  	_ =	shalt  }
0x81: {  	_ =	shalt  }
0x82: {  	_ =	shalt  }
0x83: {  	_ =	shalt  }
0x84: {  	_ =	shalt  }
0x85: {  	_ =	shalt  }
0x86: {  	_ =	shalt  }
0x87: {  	_ =	shalt  }
.Lfunc_end0:
.L_simem_size_0:
called_computation_lowered:
.L_overlay_start_0:
0x88: {  	s2 =	sld [smem:$0x3FD9]  }
0x89: {  	s3 =	sld [smem:$0x3FFE];
	_ =	sdelay $0x1  }
0x8a: {  	s1 =	srdreg.scid  }
0x8b: {  	s0 =	sand.u32 $0x1, s1  }
0x8c: {  	s16 =	sshll.u32 s0, $0xA;
	s2 =	sadd.s32 s3, s2  }
0x8d: {  	s2 =	sadd.s32 s2, s16  }
0x8e: {  	[smem:$0x3FC2] =	sst s2  }
0x8f: {  	_ = 	snop  }
0x90: {  	(tm) =	ssettm $0x1  }
0x91: {  	s17 =	sld [smem:$0x3FFB];
	_ =	sdelay $0x3  }
0x92: {  	_ =	strace s17  }
0x93: {  	s2 =	sld [smem:$0x3FFC];
	_ =	sdelay $0x3  }
0x94: {  	_ =	strace s2  }
0x95: {  	s2 =	sld [smem:$0x3FFD];
	_ =	sdelay $0x3  }
0x96: {  	_ =	strace s2  }
0x97: {  	_ =	strace $0x8FFFFFFF  }
0x98: {  	s18 =	sld [smem:$0x3FDB];
	_ =	sdelay $0x1  }
0x99: {  	s19 =	simm.s32 $_scs_section_size  }
0x9a: {  	s4 =	simm.s32 $_size__tile_overlayer_lowered;
	s5 =	simm.s32 $_tile_overlayer_lowered  }
0x9b: {  	s22 =	simm.s32 $0x1BFF;
	s21 =	sshll.u32 s5, $0x1;
	s2 =	sadd.s32 s19, s18  }
0x9c: {  	s6 =	simm.s32 $0x0;
	s20 =	sshll.u32 s4, $0x1;
	s4 =	sadd.s32 s21, s2  }
0x9d: {  	[timem:s6], [sflag:s22] =	dma.local [hbm:s4], s20  }
0x9e: {  	_ =	swait.ge [sflag:s22], s20  }
0x9f: {  	s3 =	ssub.s32 $0x0, s20;
	[sflag:s22] =	ssyncset.done $0x0  }
0xa0: {  	[sflag:s22] =	ssyncadd.s32 s3;
	_ =	sdelay $0x1  }
0xa1: {  	s23 =	simm.s32 $0x1B8B  }
0xa2: {  	_ =	swait.ge [sflag:s23], $0x1  }
0xa3: {  	[sflag:s23] =	ssyncset.done $0x0  }
0xa4: {  	s25 =	simm.s32 $0x1B8E;
	s24 =	sld [smem:$0x3FFE];
	[sflag:s23] =	ssyncadd.s32 $0xFFFFFFFF  }
0xa5: {  	s26 =	simm.s32 $execute0_lowered;
	[smem:$0x3FD2] =	sst s25  }
0xa6: {  	s4 =	sshll.u32 s26, $0x1;
	_ =	strace $0x80000046;
	[dreg:$0x1] =	wrdreg $0xFFFFFFFF  }
0xa7: {  	s28 =	simm.s32 $_size_execute0_lowered;
	s2 =	sadd.s32 s2, s4;
	[dreg:$0x0] =	wrdreg $0x0  }
0xa8: {  	s4 =	sshll.u32 s28, $0x1;
	[dreg:$0x2] =	wrdreg s2  }
0xa9: {  	[dreg:$0x3] =	wrdreg s4  }
0xaa: {  	[dreg:$0x4] =	wrdreg $0xC0  }
0xab: {  	_ =	task [dreg:s6], $0x5FFFF  }
0xac: {  	[dreg:$0x1] =	wrdreg $0xFFFFFFFF  }
0xad: {  	[dreg:$0x0] =	wrdreg $0x60  }
0xae: {  	[dreg:$0x2] =	wrdreg s24  }
0xaf: {  	[dreg:$0x3] =	wrdreg $0x9  }
0xb0: {  	_ =	task.clear_ibuf [dreg:s6], $0x4FFFF;
	_ =	strace $0x90000046  }
0xb1: {  	s29 =	simm.s32 $0x9;
	_ =	strace $0x80000048  }
0xb2: {  	_ =	swait.ge [sflag:s29], $0x1  }
0xb3: {  	[sflag:s29] =	ssyncadd.s32 $0xFFFFFFFF  }
0xb4: {  	_ =	strace $0x90000048  }
0xb5: {  	_ =	sfence  }
0xb6: {  	s30 =	sld [smem:$0x0];
	_ =	sdelay $0x2  }
0xb7: {  	s31 =	sshll.u32 s1, $0xD;
	s1 =	sshrl.u32 s1, $0x2  }
0xb8: {  	s3 =	sand.u32 $0x4000, s31;
	s1 =	sadd.s32 s1, s30  }
0xb9: {  	s0 =	sor.u32 s3, s0;
	s1 =	sshll.u32 s1, $0x11  }
0xba: {  	s0 =	sor.u32 s1, s0  }
0xbb: {  	s0 =	sadd.s32 $0x8F2B, s0  }
0xbc: {  	[sflag:s0] =	ssyncadd.remote.s32 $0x1  }
0xbd: {  	_ =	sfence.sel $0xFFFF  }
0xbe: {  	[dreg:$0x0] =	wrdreg $0xFFFFFFFF;
	(pc) =	sbr.abs _section_cstart, $3  }
0xbf: {  	[dreg:$0x1] =	wrdreg $0xFFFFFFFF  }
0xc0: {  	_ =	task.clear_ibuf [dreg:s6], $0x2FFFF;
	_ =	strace $0x9FFFFFFF  }
0xc1: {  	(tm) =	ssettm $0x7FFFFFFF  }
tec
execute0_lowered:
.L_overlay_start_1:
0x0: {  	(tag) =	ssettag $0x1  }
0x1: {  	s0 =	rddreg [dreg:$0x0];
	s1 =	srdreg.scid  }
0x2: {  	s3 =	stileid.u32;
	s2 =	simm.s32 $0x0;
	s12 =	simm.s32 $0x320  }
0x3: {  	s14 =	simm.s32 $0x80;
	s16 =	simm.s32 $0x48;
	s31 =	simm.s32 $0x2  }
0x4: {  	s19 =	simm.s32 $0x468;
	s20 =	simm.s32 $0x12040;
	s21 =	simm.s32 $0x4B0  }
0x5: {  	s22 =	simm.s32 $0x13240;
	s23 =	simm.s32 $0x530;
	s24 =	simm.s32 $0x15240  }
0x6: {  	s25 =	simm.s32 $0x578;
	s28 =	simm.s32 $0x5F8;
	s29 =	simm.s32 $0x18440  }
0x7: {  	s30 =	simm.s32 $0x3;
	s10 =	simm.s32 $0x19740;
	s1 =	sand.u32 $0x1, s1  }
0x8: {  	s3 =	sshll.u32 s3, $0x1;
	[smem:$0x7FF] =	sst s2;
	s4 =	sadd.s32 $0xF43000, s0  }
0x9: {  	s5 =	sor.u32 s1, s3;
	_ =	strace $0x80000047;
	s3 =	sadd.s32 $0xC00, s0  }
0xa: {  	s1 =	ssub.s32 $0x2, s1;
	s6 =	smul.u32 $0x3200, s5;
	s7 =	sshll.u32 s5, $0xC  }
0xb: {  	s26 =	sshrl.u32 s1, $0x1;
	s5 =	sshll.u32 s5, $0x9;
	s0 =	sadd.s32 s7, s0  }
.Ltmp0:
0xc: {  	s1 =	ssub.s32 s1, s26;
	s7 =	sor.u32 $0x8, s5;
	(pc) =	sbr.rel .LBB2_1-.Ltmp0, $4  }
0xd: {  	s9 =	sor.u32 $0xC, s5;
	s26 =	simm.s32 $0x16440;
	s6 =	sadd.s32 s3, s6  }
0xe: {  	s5 =	simm.s32 $0x0;
	s1 =	smax.u32 s1, $0x1;
	[dreg:$0x2] =	wrdreg s6  }
0xf: {  	s8 =	sadd.s32 $0x64C00, s0;
	s6 =	sadd.s32 $0x64, s6;
	[dreg:$0x4] =	wrdreg s1  }
0x10: {  	s11 =	sadd.s32 $0x64C20, s0;
	[dreg:$0x3] =	wrdreg s6;
	s6 =	simm.s32 $0x19640  }
.LBB2_20:
0x11: {  	s0 =	simm.s32 $0x5  }
0x12: {  	_ =	swait.ge [sflag:s0], $0x100  }
0x13: {  	[sflag:s0] =	ssyncset.done $0x0  }
0x14: {  	s1 =	simm.s32 $0x6;
	[sflag:s0] =	ssyncadd.s32 $0xFFFFFF00  }
0x15: {  	_ =	swait.ge [sflag:s1], $0x100  }
0x16: {  	s5 =	rddreg [dreg:$0x5]  }
0x17: {  	s18 =	rddreg [dreg:$0x4];
	s5 =	sadd.s32 $0x1, s5  }
0x18: {  	p0 =	sne.s32 s5, s18  }
.Ltmp1:
0x19: {  	_ = 	snop;
	(pc) =	sbr.rel @!p0 .LBB2_21-.Ltmp1, $3  }
0x1a: {  	_ =	sdelay $0x1  }
0x1b: {  	[sflag:s1] =	ssyncset.done $0x0  }
0x1c: {  	[sflag:s1] =	ssyncadd.s32 $0xFFFFFF00  }
.LBB2_1:
0x1d: {  	[dreg:$0x5] =	wrdreg s5  }
0x1e: {  	s0 =	rddreg [dreg:$0x2]  }
0x1f: {  	[tilespmem:s2], [sflag:$0x1] =	stream.linear.gather [hbm4b:s0+s2], $0x320, $0x38;
	[tilespmem:$0x19840] =	vst v63  }
0x20: {  	s15 =	rddreg [dreg:$0x3];
	s17 =	simm.s32 $0x1  }
0x21: {  	[tilespmem:s12], [sflag:$0x2] =	stream.linear.gather [hbm4b:s15+s2], $0x320, $0x38;
	[tilespmem:$0x19840] =	vst v63  }
0x22: {  	_ =	swait.ge [sflag:s17], $0x320  }
0x23: {  	[sflag:s17] =	ssyncset.done $0x0  }
0x24: {  	s18 =	simm.s32 $0x640;
	[sflag:s17] =	ssyncadd.s32 $0xFFFFFCE0  }
0x25: {  	[tilespmem:s18], [sflag:$0x3] =	stream.indirect.gather [hbm4b:s4+s14], $0x40, s2, s14, $0xb8;
	[tilespmem:$0x19840] =	vst v63  }
0x26: {  	s1 =	simm.s32 $0x2640  }
0x27: {  	[tilespmem:s1], [sflag:$0x3] =	stream.indirect.gather [hbm4b:s4+s16], $0x40, s14, s16, $0xb8;
	[tilespmem:$0x19840] =	vst v63  }
0x28: {  	s5 =	simm.s32 $0xC8;
	s1 =	simm.s32 $0x3840  }
0x29: {  	[tilespmem:s1], [sflag:$0x3] =	stream.indirect.gather [hbm4b:s4+s14], $0x40, s5, s14, $0xb8;
	[tilespmem:$0x19840] =	vst v63  }
0x2a: {  	s13 =	simm.s32 $0x148;
	s15 =	simm.s32 $0x5840  }
0x2b: {  	[tilespmem:s15], [sflag:$0x3] =	stream.indirect.gather [hbm4b:s4+s16], $0x40, s13, s16, $0xb8;
	[tilespmem:$0x19840] =	vst v63  }
0x2c: {  	s17 =	simm.s32 $0x190;
	s18 =	simm.s32 $0x6A40  }
0x2d: {  	[tilespmem:s18], [sflag:$0x3] =	stream.indirect.gather [hbm4b:s4+s14], $0x40, s17, s14, $0xb8;
	[tilespmem:$0x19840] =	vst v63  }
0x2e: {  	s1 =	simm.s32 $0x210;
	s5 =	simm.s32 $0x8A40  }
0x2f: {  	[tilespmem:s5], [sflag:$0x3] =	stream.indirect.gather [hbm4b:s4+s16], $0x40, s1, s16, $0xb8;
	[tilespmem:$0x19840] =	vst v63  }
0x30: {  	s13 =	simm.s32 $0x258;
	s15 =	simm.s32 $0x9C40  }
0x31: {  	[tilespmem:s15], [sflag:$0x3] =	stream.indirect.gather [hbm4b:s4+s14], $0x40, s13, s14, $0xb8;
	[tilespmem:$0x19840] =	vst v63  }
0x32: {  	s17 =	simm.s32 $0x2D8;
	s18 =	simm.s32 $0xBC40  }
0x33: {  	[tilespmem:s18], [sflag:$0x3] =	stream.indirect.gather [hbm4b:s4+s16], $0x40, s17, s16, $0xb8;
	[tilespmem:$0x19840] =	vst v63  }
0x34: {  	_ =	swait.ge [sflag:s31], $0x320  }
0x35: {  	[sflag:s31] =	ssyncset.done $0x0  }
0x36: {  	s5 =	simm.s32 $0xCE40;
	[sflag:s31] =	ssyncadd.s32 $0xFFFFFCE0  }
0x37: {  	[tilespmem:s5], [sflag:$0x4] =	stream.indirect.gather [hbm4b:s4+s14], $0x40, s12, s14, $0xb8;
	[tilespmem:$0x19840] =	vst v63  }
0x38: {  	s13 =	simm.s32 $0x3A0;
	s15 =	simm.s32 $0xEE40  }
0x39: {  	[tilespmem:s15], [sflag:$0x4] =	stream.indirect.gather [hbm4b:s4+s16], $0x40, s13, s16, $0xb8;
	[tilespmem:$0x19840] =	vst v63  }
0x3a: {  	s17 =	simm.s32 $0x3E8;
	s18 =	simm.s32 $0x10040  }
0x3b: {  	[tilespmem:s18], [sflag:$0x4] =	stream.indirect.gather [hbm4b:s4+s14], $0x40, s17, s14, $0xb8;
	[tilespmem:$0x19840] =	vst v63  }
0x3c: {  	_ = 	snop  }
0x3d: {  	[tilespmem:s20], [sflag:$0x4] =	stream.indirect.gather [hbm4b:s4+s16], $0x40, s19, s16, $0xb8;
	[tilespmem:$0x19840] =	vst v63  }
0x3e: {  	_ = 	snop  }
0x3f: {  	[tilespmem:s22], [sflag:$0x4] =	stream.indirect.gather [hbm4b:s4+s14], $0x40, s21, s14, $0xb8;
	[tilespmem:$0x19840] =	vst v63  }
0x40: {  	_ = 	snop  }
0x41: {  	[tilespmem:s24], [sflag:$0x4] =	stream.indirect.gather [hbm4b:s4+s16], $0x40, s23, s16, $0xb8;
	[tilespmem:$0x19840] =	vst v63  }
0x42: {  	_ = 	snop  }
0x43: {  	[tilespmem:s26], [sflag:$0x4] =	stream.indirect.gather [hbm4b:s4+s14], $0x40, s25, s14, $0xb8;
	[tilespmem:$0x19840] =	vst v63  }
0x44: {  	s13 =	simm.s32 $0x0  }
0x45: {  	[tilespmem:s29], [sflag:$0x4] =	stream.indirect.gather [hbm4b:s4+s16], $0x40, s28, s16, $0xb8;
	[tilespmem:$0x19840] =	vst v63  }
.LBB2_2:
0x46: {  	p0 =	seq.s32 s13, $0x3F  }
0x47: {  	s0 =	sshll.u32 @!p0 s13, $0x3  }
0x48: {  	s0 =	sadd.s32 @!p0 s0, s7  }
0x49: {  	_ =	swait.ge [sflag:s30], $0xC800;
	s0 =	smul.u32 @!p0 $0x19, s0  }
0x4a: {  	s5 =	simm.s32 $0x0;
	[sflag:s30] =	ssyncset.done $0x0  }
0x4b: {  	s1 =	simm.s32 @!p0 $0x0;
	[sflag:s30] =	ssyncadd.s32 $0xFFFF3800;
	s0 =	sadd.s32 @!p0 s3, s0  }
0x4c: {  	[tilespmem:s1], [sflag:$0x1] =	stream.linear.gather @!p0 [hbm4b:s0+s1], $0x320, $0x38;
	[tilespmem:$0x19840] =	vst v63  }
0x4d: {  	v2 =	vld [tilespmem:s5+$0x6C0]  }
0x4e: {  	v4 =	vld [tilespmem:s5+$0x6D0]  }
0x4f: {  	v3 =	vld [tilespmem:s5+$0x6E0]  }
0x50: {  	v5 =	vld [tilespmem:s5+$0x6F0]  }
0x51: {  	v0 =	vld [tilespmem:s5+$0x700]  }
0x52: {  	v1 =	vld [tilespmem:s5+$0x710]  }
0x53: {  	v18 =	vld [tilespmem:s5+$0x640]  }
0x54: {  	v20 =	vld [tilespmem:s5+$0x650]  }
0x55: {  	v17 =	vld [tilespmem:s5+$0x660]  }
0x56: {  	v19 =	vld [tilespmem:s5+$0x670]  }
0x57: {  	v10 =	vimm.f32 $0.0e+00;
	v11 =	vimm.f32 $0.0e+00;
	v14 =	vld [tilespmem:s5+$0x680]  }
0x58: {  	v12 =	vimm.f32 $0.0e+00;
	v13 =	vimm.f32 $0.0e+00;
	v7 =	vimm.f32 $0.0e+00;
	v15 =	vld [tilespmem:s5+$0x690]  }
0x59: {  	v9 =	vimm.f32 $0.0e+00;
	v8 =	vimm.f32 $0.0e+00;
	v6 =	vimm.f32 $0.0e+00;
	s0 =	simm.s32 $0x400;
	v16 =	vld [tilespmem:s5+$0x6A0]  }
.LBB2_3:
0x5a: {  	p1 =	sne.s32 s0, $0xC400;
	v10 =	vadd.f32 v18, v10;
	v11 =	vadd.f32 v20, v11;
	v18 =	vld [tilespmem:s5+$0x6B0]  }
0x5b: {  	v12 =	vadd.f32 v17, v12;
	v13 =	vadd.f32 v19, v13;
	v17 =	vld [tilespmem:s5+$0x720]  }
0x5c: {  	v10 =	vadd.f32 v2, v10;
	v11 =	vadd.f32 v4, v11;
	v19 =	vld [tilespmem:s5+$0x730];
	s5 =	sshra.s32 s0, $0x2  }
0x5d: {  	v12 =	vadd.f32 v3, v12;
	v2 =	vld [tilespmem:s5+$0x6C0];
	v13 =	vadd.f32 v5, v13  }
0x5e: {  	v7 =	vadd.f32 v14, v7;
	v9 =	vadd.f32 v15, v9;
	v4 =	vld [tilespmem:s5+$0x6D0]  }
0x5f: {  	v8 =	vadd.f32 v16, v8;
	v3 =	vld [tilespmem:s5+$0x6E0];
	v6 =	vadd.f32 v18, v6  }
0x60: {  	v7 =	vadd.f32 v0, v7;
	v9 =	vadd.f32 v1, v9;
	v5 =	vld [tilespmem:s5+$0x6F0]  }
0x61: {  	v8 =	vadd.f32 v17, v8;
	v0 =	vld [tilespmem:s5+$0x700];
	v6 =	vadd.f32 v19, v6  }
0x62: {  	v1 =	vld [tilespmem:s5+$0x710]  }
0x63: {  	v18 =	vld [tilespmem:s5+$0x640]  }
0x64: {  	v20 =	vld [tilespmem:s5+$0x650]  }
.Ltmp2:
0x65: {  	v17 =	vld [tilespmem:s5+$0x660];
	(pc) =	sbr.rel @p1 .LBB2_3-.Ltmp2, $4  }
0x66: {  	v19 =	vld [tilespmem:s5+$0x670]  }
0x67: {  	v14 =	vld [tilespmem:s5+$0x680]  }
0x68: {  	v15 =	vld [tilespmem:s5+$0x690]  }
0x69: {  	s0 =	sadd.s32 $0x400, s0;
	v16 =	vld [tilespmem:s5+$0x6A0]  }
0x6a: {  	v10 =	vadd.f32 v18, v10;
	v11 =	vadd.f32 v20, v11  }
0x6b: {  	v18 =	vld [tilespmem:s5+$0x6B0];
	v12 =	vadd.f32 v17, v12;
	v13 =	vadd.f32 v19, v13  }
0x6c: {  	v17 =	vld [tilespmem:s5+$0x720];
	v2 =	vadd.f32 v2, v10;
	v4 =	vadd.f32 v4, v11  }
0x6d: {  	v10 =	vld [tilespmem:s5+$0x730];
	v3 =	vadd.f32 v3, v12;
	v7 =	vadd.f32 v14, v7  }
0x6e: {  	p1 =	seq.s32 s13, $0x0;
	v5 =	vadd.f32 v5, v13;
	v9 =	vadd.f32 v15, v9  }
0x6f: {  	s0 =	simm.s32 @!p1 $0x5;
	v8 =	vadd.f32 v16, v8;
	v0 =	vadd.f32 v0, v7  }
0x70: {  	_ =	swait.ge @!p1 [sflag:s0], $0x100;
	v6 =	vadd.f32 v18, v6;
	v1 =	vadd.f32 v1, v9  }
0x71: {  	[sflag:s0] =	ssyncset.done @!p1 $0x0;
	v7 =	vadd.f32 v17, v8;
	v0 =	vadd.f32 v0, v2  }
0x72: {  	[sflag:s0] =	ssyncadd.s32 @!p1 $0xFFFFFF00;
	v2 =	vadd.f32 v10, v6;
	v1 =	vadd.f32 v1, v4  }
0x73: {  	[tilespmem:$0x19640] =	vst v0;
	v0 =	vadd.f32 v7, v3  }
0x74: {  	[tilespmem:$0x19650] =	vst v1;
	v1 =	vadd.f32 v2, v5  }
0x75: {  	[tilespmem:$0x19660] =	vst v0  }
0x76: {  	s5 =	simm.s32 $0x0;
	[tilespmem:$0x19670] =	vst v1  }
0x77: {  	v2 =	vld [tilespmem:s5+$0x38C0]  }
0x78: {  	v4 =	vld [tilespmem:s5+$0x38D0]  }
0x79: {  	v3 =	vld [tilespmem:s5+$0x38E0]  }
0x7a: {  	v5 =	vld [tilespmem:s5+$0x38F0]  }
0x7b: {  	v0 =	vld [tilespmem:s5+$0x3900]  }
0x7c: {  	v1 =	vld [tilespmem:s5+$0x3910]  }
0x7d: {  	v18 =	vld [tilespmem:s5+$0x3840]  }
0x7e: {  	v20 =	vld [tilespmem:s5+$0x3850]  }
0x7f: {  	v17 =	vld [tilespmem:s5+$0x3860]  }
0x80: {  	v19 =	vld [tilespmem:s5+$0x3870]  }
0x81: {  	v11 =	vimm.f32 $0.0e+00;
	v12 =	vimm.f32 $0.0e+00;
	v14 =	vld [tilespmem:s5+$0x3880]  }
0x82: {  	v13 =	vimm.f32 $0.0e+00;
	v9 =	vimm.f32 $0.0e+00;
	v8 =	vimm.f32 $0.0e+00;
	v15 =	vld [tilespmem:s5+$0x3890]  }
0x83: {  	s0 =	simm.s32 $0x400;
	v10 =	vimm.f32 $0.0e+00;
	v6 =	vimm.f32 $0.0e+00;
	v7 =	vimm.f32 $0.0e+00;
	v16 =	vld [tilespmem:s5+$0x38A0]  }
.LBB2_5:
0x84: {  	p2 =	sne.s32 s0, $0xC400;
	v10 =	vadd.f32 v18, v10;
	v11 =	vadd.f32 v20, v11;
	v18 =	vld [tilespmem:s5+$0x38B0]  }
0x85: {  	v12 =	vadd.f32 v17, v12;
	v13 =	vadd.f32 v19, v13;
	v17 =	vld [tilespmem:s5+$0x3920]  }
0x86: {  	v10 =	vadd.f32 v2, v10;
	v11 =	vadd.f32 v4, v11;
	v19 =	vld [tilespmem:s5+$0x3930];
	s5 =	sshra.s32 s0, $0x2  }
0x87: {  	v12 =	vadd.f32 v3, v12;
	v2 =	vld [tilespmem:s5+$0x38C0];
	v13 =	vadd.f32 v5, v13  }
0x88: {  	v6 =	vadd.f32 v14, v6;
	v8 =	vadd.f32 v15, v8;
	v4 =	vld [tilespmem:s5+$0x38D0]  }
0x89: {  	v9 =	vadd.f32 v16, v9;
	v3 =	vld [tilespmem:s5+$0x38E0];
	v7 =	vadd.f32 v18, v7  }
0x8a: {  	v6 =	vadd.f32 v0, v6;
	v8 =	vadd.f32 v1, v8;
	v5 =	vld [tilespmem:s5+$0x38F0]  }
0x8b: {  	v9 =	vadd.f32 v17, v9;
	v0 =	vld [tilespmem:s5+$0x3900];
	v7 =	vadd.f32 v19, v7  }
0x8c: {  	v1 =	vld [tilespmem:s5+$0x3910]  }
0x8d: {  	v18 =	vld [tilespmem:s5+$0x3840]  }
0x8e: {  	v20 =	vld [tilespmem:s5+$0x3850]  }
.Ltmp3:
0x8f: {  	v17 =	vld [tilespmem:s5+$0x3860];
	(pc) =	sbr.rel @p2 .LBB2_5-.Ltmp3, $4  }
0x90: {  	v19 =	vld [tilespmem:s5+$0x3870]  }
0x91: {  	v14 =	vld [tilespmem:s5+$0x3880]  }
0x92: {  	v15 =	vld [tilespmem:s5+$0x3890]  }
0x93: {  	s0 =	sadd.s32 $0x400, s0;
	v16 =	vld [tilespmem:s5+$0x38A0]  }
0x94: {  	v10 =	vadd.f32 v18, v10;
	v11 =	vadd.f32 v20, v11  }
0x95: {  	v18 =	vld [tilespmem:s5+$0x38B0];
	v12 =	vadd.f32 v17, v12;
	v13 =	vadd.f32 v19, v13  }
0x96: {  	v17 =	vld [tilespmem:s5+$0x3920];
	v2 =	vadd.f32 v2, v10;
	v4 =	vadd.f32 v4, v11  }
0x97: {  	v10 =	vld [tilespmem:s5+$0x3930];
	v3 =	vadd.f32 v3, v12;
	v6 =	vadd.f32 v14, v6  }
0x98: {  	v5 =	vadd.f32 v5, v13;
	v8 =	vadd.f32 v15, v8  }
0x99: {  	v9 =	vadd.f32 v16, v9;
	v0 =	vadd.f32 v0, v6  }
0x9a: {  	v6 =	vadd.f32 v18, v7;
	v1 =	vadd.f32 v1, v8  }
0x9b: {  	v7 =	vadd.f32 v17, v9;
	v0 =	vadd.f32 v0, v2  }
0x9c: {  	v2 =	vadd.f32 v10, v6;
	v1 =	vadd.f32 v1, v4  }
0x9d: {  	[tilespmem:$0x19680] =	vst v0;
	v0 =	vadd.f32 v7, v3  }
0x9e: {  	[tilespmem:$0x19690] =	vst v1;
	v1 =	vadd.f32 v2, v5  }
0x9f: {  	[tilespmem:$0x196A0] =	vst v0  }
0xa0: {  	s5 =	simm.s32 $0x0;
	[tilespmem:$0x196B0] =	vst v1  }
0xa1: {  	v2 =	vld [tilespmem:s5+$0x6AC0]  }
0xa2: {  	v4 =	vld [tilespmem:s5+$0x6AD0]  }
0xa3: {  	v3 =	vld [tilespmem:s5+$0x6AE0]  }
0xa4: {  	v5 =	vld [tilespmem:s5+$0x6AF0]  }
0xa5: {  	v0 =	vld [tilespmem:s5+$0x6B00]  }
0xa6: {  	v1 =	vld [tilespmem:s5+$0x6B10]  }
0xa7: {  	v18 =	vld [tilespmem:s5+$0x6A40]  }
0xa8: {  	v20 =	vld [tilespmem:s5+$0x6A50]  }
0xa9: {  	v17 =	vld [tilespmem:s5+$0x6A60]  }
0xaa: {  	v19 =	vld [tilespmem:s5+$0x6A70]  }
0xab: {  	v11 =	vimm.f32 $0.0e+00;
	v12 =	vimm.f32 $0.0e+00;
	v14 =	vld [tilespmem:s5+$0x6A80]  }
0xac: {  	v13 =	vimm.f32 $0.0e+00;
	v8 =	vimm.f32 $0.0e+00;
	v9 =	vimm.f32 $0.0e+00;
	v15 =	vld [tilespmem:s5+$0x6A90]  }
0xad: {  	s0 =	simm.s32 $0x400;
	v10 =	vimm.f32 $0.0e+00;
	v6 =	vimm.f32 $0.0e+00;
	v7 =	vimm.f32 $0.0e+00;
	v16 =	vld [tilespmem:s5+$0x6AA0]  }
.LBB2_7:
0xae: {  	p2 =	sne.s32 s0, $0xC400;
	v10 =	vadd.f32 v18, v10;
	v11 =	vadd.f32 v20, v11;
	v18 =	vld [tilespmem:s5+$0x6AB0]  }
0xaf: {  	v12 =	vadd.f32 v17, v12;
	v13 =	vadd.f32 v19, v13;
	v17 =	vld [tilespmem:s5+$0x6B20]  }
0xb0: {  	v10 =	vadd.f32 v2, v10;
	v11 =	vadd.f32 v4, v11;
	v19 =	vld [tilespmem:s5+$0x6B30];
	s5 =	sshra.s32 s0, $0x2  }
0xb1: {  	v12 =	vadd.f32 v3, v12;
	v2 =	vld [tilespmem:s5+$0x6AC0];
	v13 =	vadd.f32 v5, v13  }
0xb2: {  	v6 =	vadd.f32 v14, v6;
	v8 =	vadd.f32 v15, v8;
	v4 =	vld [tilespmem:s5+$0x6AD0]  }
0xb3: {  	v9 =	vadd.f32 v16, v9;
	v3 =	vld [tilespmem:s5+$0x6AE0];
	v7 =	vadd.f32 v18, v7  }
0xb4: {  	v6 =	vadd.f32 v0, v6;
	v8 =	vadd.f32 v1, v8;
	v5 =	vld [tilespmem:s5+$0x6AF0]  }
0xb5: {  	v9 =	vadd.f32 v17, v9;
	v0 =	vld [tilespmem:s5+$0x6B00];
	v7 =	vadd.f32 v19, v7  }
0xb6: {  	v1 =	vld [tilespmem:s5+$0x6B10]  }
0xb7: {  	v18 =	vld [tilespmem:s5+$0x6A40]  }
0xb8: {  	v20 =	vld [tilespmem:s5+$0x6A50]  }
.Ltmp4:
0xb9: {  	v17 =	vld [tilespmem:s5+$0x6A60];
	(pc) =	sbr.rel @p2 .LBB2_7-.Ltmp4, $4  }
0xba: {  	v19 =	vld [tilespmem:s5+$0x6A70]  }
0xbb: {  	v14 =	vld [tilespmem:s5+$0x6A80]  }
0xbc: {  	v15 =	vld [tilespmem:s5+$0x6A90]  }
0xbd: {  	s0 =	sadd.s32 $0x400, s0;
	v16 =	vld [tilespmem:s5+$0x6AA0]  }
0xbe: {  	v10 =	vadd.f32 v18, v10;
	v11 =	vadd.f32 v20, v11  }
0xbf: {  	v18 =	vld [tilespmem:s5+$0x6AB0];
	v12 =	vadd.f32 v17, v12;
	v13 =	vadd.f32 v19, v13  }
0xc0: {  	v17 =	vld [tilespmem:s5+$0x6B20];
	v2 =	vadd.f32 v2, v10;
	v4 =	vadd.f32 v4, v11  }
0xc1: {  	v10 =	vld [tilespmem:s5+$0x6B30];
	v3 =	vadd.f32 v3, v12;
	v6 =	vadd.f32 v14, v6  }
0xc2: {  	v5 =	vadd.f32 v5, v13;
	v8 =	vadd.f32 v15, v8  }
0xc3: {  	v9 =	vadd.f32 v16, v9;
	v0 =	vadd.f32 v0, v6  }
0xc4: {  	v6 =	vadd.f32 v18, v7;
	v1 =	vadd.f32 v1, v8  }
0xc5: {  	v7 =	vadd.f32 v17, v9;
	v0 =	vadd.f32 v0, v2  }
0xc6: {  	v2 =	vadd.f32 v10, v6;
	v1 =	vadd.f32 v1, v4  }
0xc7: {  	[tilespmem:$0x196C0] =	vst v0;
	v0 =	vadd.f32 v7, v3  }
0xc8: {  	[tilespmem:$0x196D0] =	vst v1;
	v1 =	vadd.f32 v2, v5  }
0xc9: {  	[tilespmem:$0x196E0] =	vst v0  }
0xca: {  	s5 =	simm.s32 $0x0;
	[tilespmem:$0x196F0] =	vst v1  }
0xcb: {  	v2 =	vld [tilespmem:s5+$0x9CC0]  }
0xcc: {  	v4 =	vld [tilespmem:s5+$0x9CD0]  }
0xcd: {  	v3 =	vld [tilespmem:s5+$0x9CE0]  }
0xce: {  	v5 =	vld [tilespmem:s5+$0x9CF0]  }
0xcf: {  	v0 =	vld [tilespmem:s5+$0x9D00]  }
0xd0: {  	v1 =	vld [tilespmem:s5+$0x9D10]  }
0xd1: {  	v18 =	vld [tilespmem:s5+$0x9C40]  }
0xd2: {  	v20 =	vld [tilespmem:s5+$0x9C50]  }
0xd3: {  	v17 =	vld [tilespmem:s5+$0x9C60]  }
0xd4: {  	v19 =	vld [tilespmem:s5+$0x9C70]  }
0xd5: {  	v11 =	vimm.f32 $0.0e+00;
	v12 =	vimm.f32 $0.0e+00;
	v14 =	vld [tilespmem:s5+$0x9C80]  }
0xd6: {  	v13 =	vimm.f32 $0.0e+00;
	v8 =	vimm.f32 $0.0e+00;
	v9 =	vimm.f32 $0.0e+00;
	v15 =	vld [tilespmem:s5+$0x9C90]  }
0xd7: {  	s0 =	simm.s32 $0x400;
	v10 =	vimm.f32 $0.0e+00;
	v6 =	vimm.f32 $0.0e+00;
	v7 =	vimm.f32 $0.0e+00;
	v16 =	vld [tilespmem:s5+$0x9CA0]  }
.LBB2_9:
0xd8: {  	p2 =	sne.s32 s0, $0xC400;
	v10 =	vadd.f32 v18, v10;
	v11 =	vadd.f32 v20, v11;
	v18 =	vld [tilespmem:s5+$0x9CB0]  }
0xd9: {  	v12 =	vadd.f32 v17, v12;
	v13 =	vadd.f32 v19, v13;
	v17 =	vld [tilespmem:s5+$0x9D20]  }
0xda: {  	v10 =	vadd.f32 v2, v10;
	v11 =	vadd.f32 v4, v11;
	v19 =	vld [tilespmem:s5+$0x9D30];
	s5 =	sshra.s32 s0, $0x2  }
0xdb: {  	v12 =	vadd.f32 v3, v12;
	v2 =	vld [tilespmem:s5+$0x9CC0];
	v13 =	vadd.f32 v5, v13  }
0xdc: {  	v6 =	vadd.f32 v14, v6;
	v8 =	vadd.f32 v15, v8;
	v4 =	vld [tilespmem:s5+$0x9CD0]  }
0xdd: {  	v9 =	vadd.f32 v16, v9;
	v3 =	vld [tilespmem:s5+$0x9CE0];
	v7 =	vadd.f32 v18, v7  }
0xde: {  	v6 =	vadd.f32 v0, v6;
	v8 =	vadd.f32 v1, v8;
	v5 =	vld [tilespmem:s5+$0x9CF0]  }
0xdf: {  	v9 =	vadd.f32 v17, v9;
	v0 =	vld [tilespmem:s5+$0x9D00];
	v7 =	vadd.f32 v19, v7  }
0xe0: {  	v1 =	vld [tilespmem:s5+$0x9D10]  }
0xe1: {  	v18 =	vld [tilespmem:s5+$0x9C40]  }
0xe2: {  	v20 =	vld [tilespmem:s5+$0x9C50]  }
.Ltmp5:
0xe3: {  	v17 =	vld [tilespmem:s5+$0x9C60];
	(pc) =	sbr.rel @p2 .LBB2_9-.Ltmp5, $4  }
0xe4: {  	v19 =	vld [tilespmem:s5+$0x9C70]  }
0xe5: {  	v14 =	vld [tilespmem:s5+$0x9C80]  }
0xe6: {  	v15 =	vld [tilespmem:s5+$0x9C90]  }
0xe7: {  	s0 =	sadd.s32 $0x400, s0;
	v16 =	vld [tilespmem:s5+$0x9CA0]  }
0xe8: {  	v10 =	vadd.f32 v18, v10;
	v11 =	vadd.f32 v20, v11  }
0xe9: {  	v18 =	vld [tilespmem:s5+$0x9CB0];
	v12 =	vadd.f32 v17, v12;
	v13 =	vadd.f32 v19, v13  }
0xea: {  	v17 =	vld [tilespmem:s5+$0x9D20];
	v2 =	vadd.f32 v2, v10;
	v4 =	vadd.f32 v4, v11  }
0xeb: {  	v10 =	vld [tilespmem:s5+$0x9D30];
	v3 =	vadd.f32 v3, v12;
	v6 =	vadd.f32 v14, v6  }
0xec: {  	v5 =	vadd.f32 v5, v13;
	v8 =	vadd.f32 v15, v8  }
0xed: {  	v9 =	vadd.f32 v16, v9;
	v0 =	vadd.f32 v0, v6  }
0xee: {  	v6 =	vadd.f32 v18, v7;
	v1 =	vadd.f32 v1, v8  }
0xef: {  	v7 =	vadd.f32 v17, v9;
	v0 =	vadd.f32 v0, v2  }
0xf0: {  	v2 =	vadd.f32 v10, v6;
	v1 =	vadd.f32 v1, v4  }
0xf1: {  	[tilespmem:$0x19700] =	vst v0;
	v0 =	vadd.f32 v7, v3  }
0xf2: {  	[tilespmem:$0x19710] =	vst v1;
	v1 =	vadd.f32 v2, v5  }
0xf3: {  	s5 =	sshll.u32 s13, $0x6;
	[tilespmem:$0x19720] =	vst v0  }
0xf4: {  	p2 =	sne.s32 s13, $0x3F;
	s0 =	sadd.s32 s5, s8;
	[tilespmem:$0x19730] =	vst v1  }
0xf5: {  	[hbm4b:s0+s2] =	stream.linear.scatter [tilespmem:s6], [sflag:$0x5], $0x100, $0x38;
	[tilespmem:$0x19840] =	vst v63  }
0xf6: {  	s0 =	simm.s32 @p2 $0x1  }
0xf7: {  	_ =	swait.ge @p2 [sflag:s0], $0x320  }
0xf8: {  	s1 =	simm.s32 @p2 $0x0;
	[sflag:s0] =	ssyncset.done @p2 $0x0  }
0xf9: {  	s15 =	simm.s32 @p2 $0x640;
	[sflag:s0] =	ssyncadd.s32 @p2 $0xFFFFFCE0;
	s0 =	simm.s32 @p2 $0x80  }
0xfa: {  	[tilespmem:s15], [sflag:$0x3] =	stream.indirect.gather @p2 [hbm4b:s4+s0], $0x40, s1, s0, $0xb8;
	[tilespmem:$0x19840] =	vst v63  }
0xfb: {  	s17 =	simm.s32 @p2 $0x2640;
	s15 =	simm.s32 @p2 $0x48  }
0xfc: {  	[tilespmem:s17], [sflag:$0x3] =	stream.indirect.gather @p2 [hbm4b:s4+s15], $0x40, s0, s15, $0xb8;
	[tilespmem:$0x19840] =	vst v63  }
0xfd: {  	s18 =	simm.s32 @p2 $0x3840;
	s17 =	simm.s32 @p2 $0xC8  }
0xfe: {  	[tilespmem:s18], [sflag:$0x3] =	stream.indirect.gather @p2 [hbm4b:s4+s0], $0x40, s17, s0, $0xb8;
	[tilespmem:$0x19840] =	vst v63  }
0xff: {  	s17 =	simm.s32 @p2 $0x148;
	s18 =	simm.s32 @p2 $0x5840  }
0x100: {  	[tilespmem:s18], [sflag:$0x3] =	stream.indirect.gather @p2 [hbm4b:s4+s15], $0x40, s17, s15, $0xb8;
	[tilespmem:$0x19840] =	vst v63  }
0x101: {  	s17 =	simm.s32 @p2 $0x190;
	s18 =	simm.s32 @p2 $0x6A40  }
0x102: {  	[tilespmem:s18], [sflag:$0x3] =	stream.indirect.gather @p2 [hbm4b:s4+s0], $0x40, s17, s0, $0xb8;
	[tilespmem:$0x19840] =	vst v63  }
0x103: {  	s17 =	simm.s32 @p2 $0x210;
	s18 =	simm.s32 @p2 $0x8A40  }
0x104: {  	[tilespmem:s18], [sflag:$0x3] =	stream.indirect.gather @p2 [hbm4b:s4+s15], $0x40, s17, s15, $0xb8;
	[tilespmem:$0x19840] =	vst v63  }
0x105: {  	s17 =	simm.s32 @p2 $0x258;
	s18 =	simm.s32 @p2 $0x9C40  }
0x106: {  	[tilespmem:s18], [sflag:$0x3] =	stream.indirect.gather @p2 [hbm4b:s4+s0], $0x40, s17, s0, $0xb8;
	[tilespmem:$0x19840] =	vst v63  }
0x107: {  	s0 =	simm.s32 @p2 $0x2D8;
	s17 =	simm.s32 @p2 $0xBC40  }
0x108: {  	[tilespmem:s17], [sflag:$0x3] =	stream.indirect.gather @p2 [hbm4b:s4+s15], $0x40, s0, s15, $0xb8;
	[tilespmem:$0x19840] =	vst v63  }
0x109: {  	s0 =	sshll.u32 @p2 s13, $0x3  }
0x10a: {  	s15 =	simm.s32 @p2 $0x4;
	s0 =	sadd.s32 @p2 s0, s9  }
0x10b: {  	_ =	swait.ge @p2 [sflag:s15], $0xC800;
	s0 =	smul.u32 @p2 $0x19, s0  }
0x10c: {  	[sflag:s15] =	ssyncset.done @p2 $0x0  }
0x10d: {  	[sflag:s15] =	ssyncadd.s32 @p2 $0xFFFF3800;
	s15 =	simm.s32 @p2 $0x320;
	s0 =	sadd.s32 @p2 s3, s0  }
0x10e: {  	[tilespmem:s15], [sflag:$0x2] =	stream.linear.gather @p2 [hbm4b:s0+s1], $0x320, $0x38;
	[tilespmem:$0x19840] =	vst v63  }
0x10f: {  	s0 =	simm.s32 @!p2 $0x4  }
0x110: {  	_ =	swait.ge @!p2 [sflag:s0], $0xC800  }
0x111: {  	[sflag:s0] =	ssyncset.done @!p2 $0x0  }
0x112: {  	[sflag:s0] =	ssyncadd.s32 @!p2 $0xFFFF3800;
	s0 =	simm.s32 $0x0  }
0x113: {  	v2 =	vld [tilespmem:s0+$0xCEC0]  }
0x114: {  	v4 =	vld [tilespmem:s0+$0xCED0]  }
0x115: {  	v3 =	vld [tilespmem:s0+$0xCEE0]  }
0x116: {  	v5 =	vld [tilespmem:s0+$0xCEF0]  }
0x117: {  	v0 =	vld [tilespmem:s0+$0xCF00]  }
0x118: {  	v1 =	vld [tilespmem:s0+$0xCF10]  }
0x119: {  	v18 =	vld [tilespmem:s0+$0xCE40]  }
0x11a: {  	v20 =	vld [tilespmem:s0+$0xCE50]  }
0x11b: {  	v17 =	vld [tilespmem:s0+$0xCE60]  }
0x11c: {  	v19 =	vld [tilespmem:s0+$0xCE70]  }
0x11d: {  	v11 =	vimm.f32 $0.0e+00;
	v12 =	vimm.f32 $0.0e+00;
	v14 =	vld [tilespmem:s0+$0xCE80]  }
0x11e: {  	v13 =	vimm.f32 $0.0e+00;
	v8 =	vimm.f32 $0.0e+00;
	v9 =	vimm.f32 $0.0e+00;
	v15 =	vld [tilespmem:s0+$0xCE90]  }
0x11f: {  	v10 =	vimm.f32 $0.0e+00;
	v6 =	vimm.f32 $0.0e+00;
	v7 =	vimm.f32 $0.0e+00;
	s1 =	simm.s32 $0x400;
	v16 =	vld [tilespmem:s0+$0xCEA0]  }
.LBB2_11:
0x120: {  	p2 =	sne.s32 s1, $0xC400;
	v10 =	vadd.f32 v18, v10;
	v11 =	vadd.f32 v20, v11;
	v18 =	vld [tilespmem:s0+$0xCEB0]  }
0x121: {  	v12 =	vadd.f32 v17, v12;
	v13 =	vadd.f32 v19, v13;
	v17 =	vld [tilespmem:s0+$0xCF20]  }
0x122: {  	v10 =	vadd.f32 v2, v10;
	v11 =	vadd.f32 v4, v11;
	v19 =	vld [tilespmem:s0+$0xCF30];
	s0 =	sshra.s32 s1, $0x2  }
0x123: {  	v12 =	vadd.f32 v3, v12;
	v2 =	vld [tilespmem:s0+$0xCEC0];
	v13 =	vadd.f32 v5, v13  }
0x124: {  	v7 =	vadd.f32 v14, v7;
	v8 =	vadd.f32 v15, v8;
	v4 =	vld [tilespmem:s0+$0xCED0]  }
0x125: {  	v9 =	vadd.f32 v16, v9;
	v3 =	vld [tilespmem:s0+$0xCEE0];
	v6 =	vadd.f32 v18, v6  }
0x126: {  	v7 =	vadd.f32 v0, v7;
	v8 =	vadd.f32 v1, v8;
	v5 =	vld [tilespmem:s0+$0xCEF0]  }
0x127: {  	v9 =	vadd.f32 v17, v9;
	v0 =	vld [tilespmem:s0+$0xCF00];
	v6 =	vadd.f32 v19, v6  }
0x128: {  	v1 =	vld [tilespmem:s0+$0xCF10]  }
0x129: {  	v18 =	vld [tilespmem:s0+$0xCE40]  }
0x12a: {  	v20 =	vld [tilespmem:s0+$0xCE50]  }
.Ltmp6:
0x12b: {  	v17 =	vld [tilespmem:s0+$0xCE60];
	(pc) =	sbr.rel @p2 .LBB2_11-.Ltmp6, $4  }
0x12c: {  	v19 =	vld [tilespmem:s0+$0xCE70]  }
0x12d: {  	v14 =	vld [tilespmem:s0+$0xCE80]  }
0x12e: {  	v15 =	vld [tilespmem:s0+$0xCE90]  }
0x12f: {  	s1 =	sadd.s32 $0x400, s1;
	v16 =	vld [tilespmem:s0+$0xCEA0]  }
0x130: {  	v10 =	vadd.f32 v18, v10;
	v11 =	vadd.f32 v20, v11  }
0x131: {  	v18 =	vld [tilespmem:s0+$0xCEB0];
	v12 =	vadd.f32 v17, v12;
	v13 =	vadd.f32 v19, v13  }
0x132: {  	v17 =	vld [tilespmem:s0+$0xCF20];
	v2 =	vadd.f32 v2, v10;
	v4 =	vadd.f32 v4, v11  }
0x133: {  	v10 =	vld [tilespmem:s0+$0xCF30];
	v3 =	vadd.f32 v3, v12;
	v7 =	vadd.f32 v14, v7  }
0x134: {  	v5 =	vadd.f32 v5, v13;
	v8 =	vadd.f32 v15, v8  }
0x135: {  	s0 =	simm.s32 @!p1 $0x6;
	v9 =	vadd.f32 v16, v9;
	v0 =	vadd.f32 v0, v7  }
0x136: {  	_ =	swait.ge @!p1 [sflag:s0], $0x100;
	v6 =	vadd.f32 v18, v6;
	v1 =	vadd.f32 v1, v8  }
0x137: {  	[sflag:s0] =	ssyncset.done @!p1 $0x0;
	v7 =	vadd.f32 v17, v9;
	v0 =	vadd.f32 v0, v2  }
0x138: {  	[sflag:s0] =	ssyncadd.s32 @!p1 $0xFFFFFF00;
	v2 =	vadd.f32 v10, v6;
	v1 =	vadd.f32 v1, v4  }
0x139: {  	[tilespmem:$0x19740] =	vst v0;
	v0 =	vadd.f32 v7, v3  }
0x13a: {  	[tilespmem:$0x19750] =	vst v1;
	v1 =	vadd.f32 v2, v5  }
0x13b: {  	[tilespmem:$0x19760] =	vst v0  }
0x13c: {  	s0 =	simm.s32 $0x0;
	[tilespmem:$0x19770] =	vst v1  }
0x13d: {  	v2 =	vld [tilespmem:s0+$0x100C0]  }
0x13e: {  	v4 =	vld [tilespmem:s0+$0x100D0]  }
0x13f: {  	v3 =	vld [tilespmem:s0+$0x100E0]  }
0x140: {  	v5 =	vld [tilespmem:s0+$0x100F0]  }
0x141: {  	v0 =	vld [tilespmem:s0+$0x10100]  }
0x142: {  	v1 =	vld [tilespmem:s0+$0x10110]  }
0x143: {  	v18 =	vld [tilespmem:s0+$0x10040]  }
0x144: {  	v20 =	vld [tilespmem:s0+$0x10050]  }
0x145: {  	v17 =	vld [tilespmem:s0+$0x10060]  }
0x146: {  	v19 =	vld [tilespmem:s0+$0x10070]  }
0x147: {  	v11 =	vimm.f32 $0.0e+00;
	v12 =	vimm.f32 $0.0e+00;
	v14 =	vld [tilespmem:s0+$0x10080]  }
0x148: {  	v13 =	vimm.f32 $0.0e+00;
	v8 =	vimm.f32 $0.0e+00;
	v9 =	vimm.f32 $0.0e+00;
	v15 =	vld [tilespmem:s0+$0x10090]  }
0x149: {  	s1 =	simm.s32 $0x400;
	v10 =	vimm.f32 $0.0e+00;
	v6 =	vimm.f32 $0.0e+00;
	v7 =	vimm.f32 $0.0e+00;
	v16 =	vld [tilespmem:s0+$0x100A0]  }
.LBB2_13:
0x14a: {  	p1 =	sne.s32 s1, $0xC400;
	v10 =	vadd.f32 v18, v10;
	v11 =	vadd.f32 v20, v11;
	v18 =	vld [tilespmem:s0+$0x100B0]  }
0x14b: {  	v12 =	vadd.f32 v17, v12;
	v13 =	vadd.f32 v19, v13;
	v17 =	vld [tilespmem:s0+$0x10120]  }
0x14c: {  	v10 =	vadd.f32 v2, v10;
	v11 =	vadd.f32 v4, v11;
	v19 =	vld [tilespmem:s0+$0x10130];
	s0 =	sshra.s32 s1, $0x2  }
0x14d: {  	v12 =	vadd.f32 v3, v12;
	v2 =	vld [tilespmem:s0+$0x100C0];
	v13 =	vadd.f32 v5, v13  }
0x14e: {  	v6 =	vadd.f32 v14, v6;
	v8 =	vadd.f32 v15, v8;
	v4 =	vld [tilespmem:s0+$0x100D0]  }
0x14f: {  	v9 =	vadd.f32 v16, v9;
	v3 =	vld [tilespmem:s0+$0x100E0];
	v7 =	vadd.f32 v18, v7  }
0x150: {  	v6 =	vadd.f32 v0, v6;
	v8 =	vadd.f32 v1, v8;
	v5 =	vld [tilespmem:s0+$0x100F0]  }
0x151: {  	v9 =	vadd.f32 v17, v9;
	v0 =	vld [tilespmem:s0+$0x10100];
	v7 =	vadd.f32 v19, v7  }
0x152: {  	v1 =	vld [tilespmem:s0+$0x10110]  }
0x153: {  	v18 =	vld [tilespmem:s0+$0x10040]  }
0x154: {  	v20 =	vld [tilespmem:s0+$0x10050]  }
.Ltmp7:
0x155: {  	v17 =	vld [tilespmem:s0+$0x10060];
	(pc) =	sbr.rel @p1 .LBB2_13-.Ltmp7, $4  }
0x156: {  	v19 =	vld [tilespmem:s0+$0x10070]  }
0x157: {  	v14 =	vld [tilespmem:s0+$0x10080]  }
0x158: {  	v15 =	vld [tilespmem:s0+$0x10090]  }
0x159: {  	s1 =	sadd.s32 $0x400, s1;
	v16 =	vld [tilespmem:s0+$0x100A0]  }
0x15a: {  	v10 =	vadd.f32 v18, v10;
	v11 =	vadd.f32 v20, v11  }
0x15b: {  	v18 =	vld [tilespmem:s0+$0x100B0];
	v12 =	vadd.f32 v17, v12;
	v13 =	vadd.f32 v19, v13  }
0x15c: {  	v17 =	vld [tilespmem:s0+$0x10120];
	v2 =	vadd.f32 v2, v10;
	v4 =	vadd.f32 v4, v11  }
0x15d: {  	v10 =	vld [tilespmem:s0+$0x10130];
	v3 =	vadd.f32 v3, v12;
	v6 =	vadd.f32 v14, v6  }
0x15e: {  	v5 =	vadd.f32 v5, v13;
	v8 =	vadd.f32 v15, v8  }
0x15f: {  	v9 =	vadd.f32 v16, v9;
	v0 =	vadd.f32 v0, v6  }
0x160: {  	v6 =	vadd.f32 v18, v7;
	v1 =	vadd.f32 v1, v8  }
0x161: {  	v7 =	vadd.f32 v17, v9;
	v0 =	vadd.f32 v0, v2  }
0x162: {  	v2 =	vadd.f32 v10, v6;
	v1 =	vadd.f32 v1, v4  }
0x163: {  	[tilespmem:$0x19780] =	vst v0;
	v0 =	vadd.f32 v7, v3  }
0x164: {  	[tilespmem:$0x19790] =	vst v1;
	v1 =	vadd.f32 v2, v5  }
0x165: {  	[tilespmem:$0x197A0] =	vst v0  }
0x166: {  	s0 =	simm.s32 $0x0;
	[tilespmem:$0x197B0] =	vst v1  }
0x167: {  	v2 =	vld [tilespmem:s0+$0x132C0]  }
0x168: {  	v4 =	vld [tilespmem:s0+$0x132D0]  }
0x169: {  	v3 =	vld [tilespmem:s0+$0x132E0]  }
0x16a: {  	v5 =	vld [tilespmem:s0+$0x132F0]  }
0x16b: {  	v0 =	vld [tilespmem:s0+$0x13300]  }
0x16c: {  	v1 =	vld [tilespmem:s0+$0x13310]  }
0x16d: {  	v18 =	vld [tilespmem:s0+$0x13240]  }
0x16e: {  	v20 =	vld [tilespmem:s0+$0x13250]  }
0x16f: {  	v17 =	vld [tilespmem:s0+$0x13260]  }
0x170: {  	v19 =	vld [tilespmem:s0+$0x13270]  }
0x171: {  	v11 =	vimm.f32 $0.0e+00;
	v12 =	vimm.f32 $0.0e+00;
	v14 =	vld [tilespmem:s0+$0x13280]  }
0x172: {  	v13 =	vimm.f32 $0.0e+00;
	v8 =	vimm.f32 $0.0e+00;
	v9 =	vimm.f32 $0.0e+00;
	v15 =	vld [tilespmem:s0+$0x13290]  }
0x173: {  	s1 =	simm.s32 $0x400;
	v10 =	vimm.f32 $0.0e+00;
	v6 =	vimm.f32 $0.0e+00;
	v7 =	vimm.f32 $0.0e+00;
	v16 =	vld [tilespmem:s0+$0x132A0]  }
.LBB2_15:
0x174: {  	p1 =	sne.s32 s1, $0xC400;
	v10 =	vadd.f32 v18, v10;
	v11 =	vadd.f32 v20, v11;
	v18 =	vld [tilespmem:s0+$0x132B0]  }
0x175: {  	v12 =	vadd.f32 v17, v12;
	v13 =	vadd.f32 v19, v13;
	v17 =	vld [tilespmem:s0+$0x13320]  }
0x176: {  	v10 =	vadd.f32 v2, v10;
	v11 =	vadd.f32 v4, v11;
	v19 =	vld [tilespmem:s0+$0x13330];
	s0 =	sshra.s32 s1, $0x2  }
0x177: {  	v12 =	vadd.f32 v3, v12;
	v2 =	vld [tilespmem:s0+$0x132C0];
	v13 =	vadd.f32 v5, v13  }
0x178: {  	v6 =	vadd.f32 v14, v6;
	v8 =	vadd.f32 v15, v8;
	v4 =	vld [tilespmem:s0+$0x132D0]  }
0x179: {  	v9 =	vadd.f32 v16, v9;
	v3 =	vld [tilespmem:s0+$0x132E0];
	v7 =	vadd.f32 v18, v7  }
0x17a: {  	v6 =	vadd.f32 v0, v6;
	v8 =	vadd.f32 v1, v8;
	v5 =	vld [tilespmem:s0+$0x132F0]  }
0x17b: {  	v9 =	vadd.f32 v17, v9;
	v0 =	vld [tilespmem:s0+$0x13300];
	v7 =	vadd.f32 v19, v7  }
0x17c: {  	v1 =	vld [tilespmem:s0+$0x13310]  }
0x17d: {  	v18 =	vld [tilespmem:s0+$0x13240]  }
0x17e: {  	v20 =	vld [tilespmem:s0+$0x13250]  }
.Ltmp8:
0x17f: {  	v17 =	vld [tilespmem:s0+$0x13260];
	(pc) =	sbr.rel @p1 .LBB2_15-.Ltmp8, $4  }
0x180: {  	v19 =	vld [tilespmem:s0+$0x13270]  }
0x181: {  	v14 =	vld [tilespmem:s0+$0x13280]  }
0x182: {  	v15 =	vld [tilespmem:s0+$0x13290]  }
0x183: {  	s1 =	sadd.s32 $0x400, s1;
	v16 =	vld [tilespmem:s0+$0x132A0]  }
0x184: {  	v10 =	vadd.f32 v18, v10;
	v11 =	vadd.f32 v20, v11  }
0x185: {  	v18 =	vld [tilespmem:s0+$0x132B0];
	v12 =	vadd.f32 v17, v12;
	v13 =	vadd.f32 v19, v13  }
0x186: {  	v17 =	vld [tilespmem:s0+$0x13320];
	v2 =	vadd.f32 v2, v10;
	v4 =	vadd.f32 v4, v11  }
0x187: {  	v10 =	vld [tilespmem:s0+$0x13330];
	v3 =	vadd.f32 v3, v12;
	v6 =	vadd.f32 v14, v6  }
0x188: {  	v5 =	vadd.f32 v5, v13;
	v8 =	vadd.f32 v15, v8  }
0x189: {  	v9 =	vadd.f32 v16, v9;
	v0 =	vadd.f32 v0, v6  }
0x18a: {  	v6 =	vadd.f32 v18, v7;
	v1 =	vadd.f32 v1, v8  }
0x18b: {  	v7 =	vadd.f32 v17, v9;
	v0 =	vadd.f32 v0, v2  }
0x18c: {  	v2 =	vadd.f32 v10, v6;
	v1 =	vadd.f32 v1, v4  }
0x18d: {  	[tilespmem:$0x197C0] =	vst v0;
	v0 =	vadd.f32 v7, v3  }
0x18e: {  	[tilespmem:$0x197D0] =	vst v1;
	v1 =	vadd.f32 v2, v5  }
0x18f: {  	[tilespmem:$0x197E0] =	vst v0  }
0x190: {  	s0 =	simm.s32 $0x0;
	[tilespmem:$0x197F0] =	vst v1  }
0x191: {  	v2 =	vld [tilespmem:s0+$0x164C0]  }
0x192: {  	v4 =	vld [tilespmem:s0+$0x164D0]  }
0x193: {  	v3 =	vld [tilespmem:s0+$0x164E0]  }
0x194: {  	v5 =	vld [tilespmem:s0+$0x164F0]  }
0x195: {  	v0 =	vld [tilespmem:s0+$0x16500]  }
0x196: {  	v1 =	vld [tilespmem:s0+$0x16510]  }
0x197: {  	v18 =	vld [tilespmem:s0+$0x16440]  }
0x198: {  	v20 =	vld [tilespmem:s0+$0x16450]  }
0x199: {  	v17 =	vld [tilespmem:s0+$0x16460]  }
0x19a: {  	v19 =	vld [tilespmem:s0+$0x16470]  }
0x19b: {  	v11 =	vimm.f32 $0.0e+00;
	v12 =	vimm.f32 $0.0e+00;
	v14 =	vld [tilespmem:s0+$0x16480]  }
0x19c: {  	v13 =	vimm.f32 $0.0e+00;
	v8 =	vimm.f32 $0.0e+00;
	v9 =	vimm.f32 $0.0e+00;
	v15 =	vld [tilespmem:s0+$0x16490]  }
0x19d: {  	s1 =	simm.s32 $0x400;
	v10 =	vimm.f32 $0.0e+00;
	v6 =	vimm.f32 $0.0e+00;
	v7 =	vimm.f32 $0.0e+00;
	v16 =	vld [tilespmem:s0+$0x164A0]  }
.LBB2_17:
0x19e: {  	p1 =	sne.s32 s1, $0xC400;
	v10 =	vadd.f32 v18, v10;
	v11 =	vadd.f32 v20, v11;
	v18 =	vld [tilespmem:s0+$0x164B0]  }
0x19f: {  	v12 =	vadd.f32 v17, v12;
	v13 =	vadd.f32 v19, v13;
	v17 =	vld [tilespmem:s0+$0x16520]  }
0x1a0: {  	v10 =	vadd.f32 v2, v10;
	v11 =	vadd.f32 v4, v11;
	v19 =	vld [tilespmem:s0+$0x16530];
	s0 =	sshra.s32 s1, $0x2  }
0x1a1: {  	v12 =	vadd.f32 v3, v12;
	v2 =	vld [tilespmem:s0+$0x164C0];
	v13 =	vadd.f32 v5, v13  }
0x1a2: {  	v6 =	vadd.f32 v14, v6;
	v8 =	vadd.f32 v15, v8;
	v4 =	vld [tilespmem:s0+$0x164D0]  }
0x1a3: {  	v9 =	vadd.f32 v16, v9;
	v3 =	vld [tilespmem:s0+$0x164E0];
	v7 =	vadd.f32 v18, v7  }
0x1a4: {  	v6 =	vadd.f32 v0, v6;
	v8 =	vadd.f32 v1, v8;
	v5 =	vld [tilespmem:s0+$0x164F0]  }
0x1a5: {  	v9 =	vadd.f32 v17, v9;
	v0 =	vld [tilespmem:s0+$0x16500];
	v7 =	vadd.f32 v19, v7  }
0x1a6: {  	v1 =	vld [tilespmem:s0+$0x16510]  }
0x1a7: {  	v18 =	vld [tilespmem:s0+$0x16440]  }
0x1a8: {  	v20 =	vld [tilespmem:s0+$0x16450]  }
.Ltmp9:
0x1a9: {  	v17 =	vld [tilespmem:s0+$0x16460];
	(pc) =	sbr.rel @p1 .LBB2_17-.Ltmp9, $4  }
0x1aa: {  	v19 =	vld [tilespmem:s0+$0x16470]  }
0x1ab: {  	v14 =	vld [tilespmem:s0+$0x16480]  }
0x1ac: {  	v15 =	vld [tilespmem:s0+$0x16490]  }
0x1ad: {  	s1 =	sadd.s32 $0x400, s1;
	v16 =	vld [tilespmem:s0+$0x164A0]  }
0x1ae: {  	v10 =	vadd.f32 v18, v10;
	v11 =	vadd.f32 v20, v11  }
0x1af: {  	v56 =	vld [tilespmem:s0+$0x164B0];
	v12 =	vadd.f32 v17, v12;
	v13 =	vadd.f32 v19, v13  }
0x1b0: {  	v57 =	vld [tilespmem:s0+$0x16520];
	v2 =	vadd.f32 v2, v10;
	v4 =	vadd.f32 v4, v11  }
0x1b1: {  	v58 =	vld [tilespmem:s0+$0x16530];
	v3 =	vadd.f32 v3, v12;
	v6 =	vadd.f32 v14, v6  }
0x1b2: {  	v5 =	vadd.f32 v5, v13;
	v8 =	vadd.f32 v15, v8  }
0x1b3: {  	v9 =	vadd.f32 v16, v9;
	v0 =	vadd.f32 v0, v6  }
0x1b4: {  	v59 =	vadd.f32 v56, v7;
	v1 =	vadd.f32 v1, v8  }
0x1b5: {  	v60 =	vadd.f32 v57, v9;
	v0 =	vadd.f32 v0, v2  }
0x1b6: {  	v61 =	vadd.f32 v58, v59;
	v1 =	vadd.f32 v1, v4  }
.Ltmp10:
0x1b7: {  	[tilespmem:$0x19800] =	vst v0;
	v62 =	vadd.f32 v60, v3;
	(pc) =	sbr.rel @p0 .LBB2_20-.Ltmp10, $4  }
0x1b8: {  	[tilespmem:$0x19810] =	vst v1;
	v63 =	vadd.f32 v61, v5  }
0x1b9: {  	[tilespmem:$0x19820] =	vst v62  }
0x1ba: {  	s18 =	sadd.s32 s11, s5;
	[tilespmem:$0x19830] =	vst v63  }
0x1bb: {  	[hbm4b:s18+s2] =	stream.linear.scatter [tilespmem:s10], [sflag:$0x6], $0x100, $0x38;
	[tilespmem:$0x19840] =	vst v63  }
0x1bc: {  	_ =	swait.ge [sflag:s31], $0x320  }
0x1bd: {  	[sflag:s31] =	ssyncset.done $0x0  }
0x1be: {  	s0 =	simm.s32 $0xCE40;
	[sflag:s31] =	ssyncadd.s32 $0xFFFFFCE0  }
0x1bf: {  	[tilespmem:s0], [sflag:$0x4] =	stream.indirect.gather [hbm4b:s4+s14], $0x40, s12, s14, $0xb8;
	[tilespmem:$0x19840] =	vst v63  }
0x1c0: {  	s15 =	simm.s32 $0x3A0;
	s1 =	simm.s32 $0xEE40  }
0x1c1: {  	[tilespmem:s1], [sflag:$0x4] =	stream.indirect.gather [hbm4b:s4+s16], $0x40, s15, s16, $0xb8;
	[tilespmem:$0x19840] =	vst v63  }
0x1c2: {  	s17 =	simm.s32 $0x3E8;
	s18 =	simm.s32 $0x10040  }
0x1c3: {  	[tilespmem:s18], [sflag:$0x4] =	stream.indirect.gather [hbm4b:s4+s14], $0x40, s17, s14, $0xb8;
	[tilespmem:$0x19840] =	vst v63  }
0x1c4: {  	_ = 	snop  }
0x1c5: {  	[tilespmem:s20], [sflag:$0x4] =	stream.indirect.gather [hbm4b:s4+s16], $0x40, s19, s16, $0xb8;
	[tilespmem:$0x19840] =	vst v63  }
0x1c6: {  	_ = 	snop  }
0x1c7: {  	[tilespmem:s22], [sflag:$0x4] =	stream.indirect.gather [hbm4b:s4+s14], $0x40, s21, s14, $0xb8;
	[tilespmem:$0x19840] =	vst v63  }
0x1c8: {  	_ = 	snop  }
0x1c9: {  	[tilespmem:s24], [sflag:$0x4] =	stream.indirect.gather [hbm4b:s4+s16], $0x40, s23, s16, $0xb8;
	[tilespmem:$0x19840] =	vst v63  }
.Ltmp11:
0x1ca: {  	_ = 	snop;
	(pc) =	sbr.rel .LBB2_2-.Ltmp11, $4  }
0x1cb: {  	_ = 	snop  }
0x1cc: {  	[tilespmem:s26], [sflag:$0x4] =	stream.indirect.gather [hbm4b:s4+s14], $0x40, s25, s14, $0xb8;
	[tilespmem:$0x19840] =	vst v63  }
0x1cd: {  	s13 =	sadd.s32 $0x1, s13  }
0x1ce: {  	[tilespmem:s29], [sflag:$0x4] =	stream.indirect.gather [hbm4b:s4+s16], $0x40, s28, s16, $0xb8;
	[tilespmem:$0x19840] =	vst v63  }
.LBB2_21:
0x1cf: {  	_ =	sfence.sel $0x180000  }
0x1d0: {  	[bflag:$0x0] =	sbarrier.arrive $0xFFFF  }
0x1d1: {  	_ =	strace $0x90000047  }
0x1d2: {  	s0 =	stileid.u32;
	[bflag:$0x2] =	sbarrier.arrive $0xFFFF  }
0x1d3: {  	p0 =	sne.s32 s0, $0x0;
	s0 =	rddreg [dreg:$0x1]  }
0x1d4: {  	s0 =	sadd.s32 @!p0 $0x100000, s0  }
0x1d5: {  	[sflag:s0] =	ssyncadd.tile.s32 @!p0 $0x1;
	_ =	shalt  }
.Lfunc_end2:
_tile_overlayer_lowered:
.L_overlay_start_2:
0x1d6: {  	(tag) =	ssettag $0x2  }
0x1d7: {  	s0 =	rddreg [dreg:$0x0];
	s2 =	stileid.u32  }
0x1d8: {  	s1 =	rddreg [dreg:$0x1];
	p0 =	sne.s32 s2, $0x0  }
0x1d9: {  	s3 =	rddreg [dreg:$0x2];
	[bflag:$0x3] =	sbarrier.arrive $0xFFFF;
	s2 =	simm.s32 @!p0 $0x1C07  }
0x1da: {  	[timem:s3], [sflag:s2] =	dma.local @!p0 [hbm:s0], s1  }
0x1db: {  	s0 =	simm.s32 @!p0 $0x7  }
0x1dc: {  	_ =	swait.ge @!p0 [sflag:s0], s1  }
0x1dd: {  	s1 =	ssub.s32 @!p0 $0x0, s1;
	[sflag:s0] =	ssyncset.done @!p0 $0x0  }
0x1de: {  	[sflag:s0] =	ssyncadd.s32 @!p0 s1  }
0x1df: {  	[bflag:$0x3] =	sbarrier.arrive $0xFFFF  }
0x1e0: {  	_ =	shalt  }

</sc_bundles>
